<compile_context>
chip_gen: v7x
topology: tpu7x:2x2x1
jax: 0.10.2.dev20260603
libtpu: 0.0.44.dev20260713+nightly
codegen_flags: <defaults>
</compile_context>

<pallas_src>
import functools

import jax
import jax.numpy as jnp
from jax import lax
from jax.experimental import pallas as pl
from jax.experimental.pallas import tpu as pltpu
from jax.experimental.pallas import tpu_sc as plsc

NUM_CODEBOOKS = 32
CODEBOOK_VOCAB_SIZE = 2051
HIDDEN = 2048
BATCH = 4
SEQ = 2048

_INFO = plsc.get_sparse_core_info()
_NC = _INFO.num_cores
_NS = _INFO.num_subcores
NW = _NC * _NS
TOTAL = BATCH * SEQ
BPW = TOTAL // NW
CHUNK = 16
NCHUNK = BPW // CHUNK


NBUF = 3
HEADC = 4


def _body(idscb_hbm, table_hbm, out_hbm, stg_v, idx_v, rows_v, *sems):
    wid = lax.axis_index("s") * _NC + lax.axis_index("c")
    base = wid * BPW

    nhead = 2 * HEADC
    cp_head = pltpu.async_copy(
        idscb_hbm.at[wid].at[pl.ds(0, nhead)], stg_v.at[pl.ds(0, nhead)],
        sems[2 * NBUF],
    )
    cp_tail = pltpu.async_copy(
        idscb_hbm.at[wid].at[pl.ds(nhead, 2 * NCHUNK - nhead)],
        stg_v.at[pl.ds(nhead, 2 * NCHUNK - nhead)],
        sems[2 * NBUF + 1],
    )

    ntail = NCHUNK - HEADC
    cp_head.wait()
    for c in range(HEADC):
        idx_v[c, :] = stg_v[c, :] + stg_v[HEADC + c, :] * CODEBOOK_VOCAB_SIZE

    g_sems, o_sems = sems[:NBUF], sems[NBUF:2 * NBUF]
    g_cps = [None] * NBUF
    o_cps = [None] * NBUF

    def fire_gather(c):
        b = c % NBUF
        g_cps[b] = pltpu.async_copy(
            table_hbm.at[idx_v.at[c]], rows_v.at[b], g_sems[b]
        )

    def fire_out(c):
        b = c % NBUF
        o_cps[b] = pltpu.async_copy(
            rows_v.at[b], out_hbm.at[pl.ds(base + c * CHUNK, CHUNK)], o_sems[b]
        )

    for c in range(NBUF):
        fire_gather(c)
    cp_tail.wait()
    for c in range(HEADC, NCHUNK):
        idx_v[c, :] = (
            stg_v[nhead + (c - HEADC), :]
            + stg_v[nhead + ntail + (c - HEADC), :] * CODEBOOK_VOCAB_SIZE
        )
    for c in range(NCHUNK):
        b = c % NBUF
        g_cps[b].wait()
        fire_out(c)
        if c + NBUF < NCHUNK:
            o_cps[b].wait()
            fire_gather(c + NBUF)
    for c in range(NCHUNK - NBUF, NCHUNK):
        o_cps[c % NBUF].wait()


@jax.jit
def kernel(input_ids, codebook_idxs, embed_audio_tokens_weight):
    ids3 = input_ids.astype(jnp.int32).reshape(NW, NCHUNK, CHUNK)
    cb3 = codebook_idxs.astype(jnp.int32).reshape(NW, NCHUNK, CHUNK)
    idscb = jnp.concatenate(
        [ids3[:, :HEADC], cb3[:, :HEADC], ids3[:, HEADC:], cb3[:, HEADC:]], axis=1
    )

    mesh = plsc.VectorSubcoreMesh(core_axis_name="c", subcore_axis_name="s")
    run = functools.partial(
        pl.kernel,
        mesh=mesh,
        out_type=jax.ShapeDtypeStruct((TOTAL, HIDDEN), jnp.float32),
        scratch_types=[
            pltpu.VMEM((2 * NCHUNK, CHUNK), jnp.int32),
            pltpu.VMEM((NCHUNK, CHUNK), jnp.int32),
            pltpu.VMEM((NBUF, CHUNK, HIDDEN), jnp.float32),
        ] + [pltpu.SemaphoreType.DMA] * (2 * NBUF + 2),
    )(_body)
    out = run(idscb, embed_audio_tokens_weight)
    return out.reshape(BATCH, SEQ, HIDDEN)

# --- scband reference (transcript-rebuilt; emitter-appended) ---
"""Pipeline reference for scband-conversational-speech-model-embeddings-29772713296026 (READ-ONLY COPY).

The authoritative reference and input builder live on the scoring server;
editing this copy changes nothing except your own understanding.
"""

import jax, jax.numpy as jnp
import numpy as np

NUM_CODEBOOKS = 32
CODEBOOK_VOCAB_SIZE = 2051
BACKBONE_HIDDEN_SIZE = 2048
CODEBOOK_PADDING_IDX = 0
BATCH = 4
SEQ = 2048


def setup_inputs(seed: int = 0) -> dict:
    key = jax.random.key(seed)
    k1, k2, k3 = jax.random.split(key, 3)
    input_ids = jax.random.randint(k1, (BATCH, SEQ), 0, CODEBOOK_VOCAB_SIZE)
    codebook_idxs = jax.random.randint(k2, (BATCH, SEQ), 0, NUM_CODEBOOKS)
    embed_audio_tokens_weight = jax.random.normal(
        k3, (NUM_CODEBOOKS * CODEBOOK_VOCAB_SIZE, BACKBONE_HIDDEN_SIZE), dtype=jnp.float32
    ) * 0.02
    # padding row initialized to zeros, matching nn.Embedding(padding_idx=...)
    embed_audio_tokens_weight = embed_audio_tokens_weight.at[CODEBOOK_PADDING_IDX].set(0.0)
    return {
        "input_ids": input_ids,
        "codebook_idxs": codebook_idxs,
        "embed_audio_tokens_weight": embed_audio_tokens_weight,
    }


def reference(input_ids, codebook_idxs, embed_audio_tokens_weight):
    # offset = codebook_idxs * codebook_vocab_size
    offset = codebook_idxs * CODEBOOK_VOCAB_SIZE
    flat_ids = input_ids + offset
    # nn.Embedding forward == row gather from the table
    return jnp.take(embed_audio_tokens_weight, flat_ids, axis=0)

if __name__ == "__main__":
    import jax
    _d = setup_inputs()
    print(jax.jit(kernel)(*tuple(_d.values())))

</pallas_src>

<mosaic_0001>
#map = affine_map<(d0, d1) -> (0, 0, 0)>
#map1 = affine_map<(d0, d1) -> (0, 0)>
module attributes {stable_mosaic.version = 14 : i64} {
  func.func @_body(%arg0: i32, %arg1: i32, %arg2: memref<32x32x16xi32, #tpu.memory_space<hbm>>, %arg3: memref<65632x2048xf32, #tpu.memory_space<hbm>>, %arg4: memref<8192x2048xf32, #tpu.memory_space<hbm>>, %arg5: memref<32x16xi32, #tpu.memory_space<vmem>>, %arg6: memref<16x16xi32, #tpu.memory_space<vmem>>, %arg7: memref<3x16x2048xf32, #tpu.memory_space<vmem>>, %arg8: memref<!tpu.dma_semaphore, #tpu.memory_space<semaphore_mem>>, %arg9: memref<!tpu.dma_semaphore, #tpu.memory_space<semaphore_mem>>, %arg10: memref<!tpu.dma_semaphore, #tpu.memory_space<semaphore_mem>>, %arg11: memref<!tpu.dma_semaphore, #tpu.memory_space<semaphore_mem>>, %arg12: memref<!tpu.dma_semaphore, #tpu.memory_space<semaphore_mem>>, %arg13: memref<!tpu.dma_semaphore, #tpu.memory_space<semaphore_mem>>, %arg14: memref<!tpu.dma_semaphore, #tpu.memory_space<semaphore_mem>>, %arg15: memref<!tpu.dma_semaphore, #tpu.memory_space<semaphore_mem>>) attributes {dimension_semantics = [#tpu.dimension_semantics<core_parallel>, #tpu.dimension_semantics<subcore_parallel>], iteration_bounds = array<i64: 2, 16>, scalar_prefetch = 0 : i64, scratch_operands = 11 : i64, tpu.core_type = #tpu.core_type<sc_vector_subcore>, window_params = [{transform_indices = #map}, {transform_indices = #map1}, {transform_indices = #map1}]} {
    %mul3A = arith.constant 2 : i32
    %mul3A_0 = arith.muli %arg1, %mul3A : i32
    %add3A = arith.addi %mul3A_0, %arg0 : i32
    %mul3A_1 = arith.constant 256 : i32
    %mul3A_2 = arith.muli %add3A, %mul3A_1 : i32
    %dma_start3A = arith.constant 0 : i32
    %dma_start3A_3 = arith.constant 0 : i32
    %dma_start3A_4 = tpu.memref_slice %arg5[%dma_start3A, %dma_start3A_3] : memref<32x16xi32, #tpu.memory_space<vmem>> -> memref<8x16xi32, #tpu.memory_space<vmem>>
    %dma_start3A_5 = arith.constant 0 : i32
    %dma_start3A_6 = arith.constant 0 : i32
    %dma_start3A_7 = tpu.memref_slice %arg2[%add3A, %dma_start3A_5, %dma_start3A_6] : memref<32x32x16xi32, #tpu.memory_space<hbm>> -> memref<1x32x16xi32, #tpu.memory_space<hbm>>
    %dma_start3A_8 = tpu.memref_squeeze %dma_start3A_7 : memref<1x32x16xi32, #tpu.memory_space<hbm>> -> memref<32x16xi32, #tpu.memory_space<hbm>>
    %dma_start3A_9 = arith.constant 0 : i32
    %dma_start3A_10 = arith.constant 0 : i32
    %dma_start3A_11 = tpu.memref_slice %dma_start3A_8[%dma_start3A_9, %dma_start3A_10] : memref<32x16xi32, #tpu.memory_space<hbm>> -> memref<8x16xi32, #tpu.memory_space<hbm>>
    %dma_start3A_12 = arith.constant 0 : i32
    %dma_start3A_13 = arith.constant 0 : i32
    %dma_start3A_14 = tpu.memref_slice %arg5[%dma_start3A_12, %dma_start3A_13] : memref<32x16xi32, #tpu.memory_space<vmem>> -> memref<8x16xi32, #tpu.memory_space<vmem>>
    %dma_start3A_15 = arith.constant 0 : i32
    %dma_start3A_16 = arith.constant 0 : i32
    %dma_start3A_17 = tpu.memref_slice %arg2[%add3A, %dma_start3A_15, %dma_start3A_16] : memref<32x32x16xi32, #tpu.memory_space<hbm>> -> memref<1x32x16xi32, #tpu.memory_space<hbm>>
    %dma_start3A_18 = tpu.memref_squeeze %dma_start3A_17 : memref<1x32x16xi32, #tpu.memory_space<hbm>> -> memref<32x16xi32, #tpu.memory_space<hbm>>
    %dma_start3A_19 = arith.constant 0 : i32
    %dma_start3A_20 = arith.constant 0 : i32
    %dma_start3A_21 = tpu.memref_slice %dma_start3A_18[%dma_start3A_19, %dma_start3A_20] : memref<32x16xi32, #tpu.memory_space<hbm>> -> memref<8x16xi32, #tpu.memory_space<hbm>>
    tpu.enqueue_dma source(%dma_start3A_21 : memref<8x16xi32, #tpu.memory_space<hbm>>) target(%dma_start3A_14 : memref<8x16xi32, #tpu.memory_space<vmem>>) target_semaphore(%arg14 : memref<!tpu.dma_semaphore, #tpu.memory_space<semaphore_mem>>)
    %dma_start3A_22 = arith.constant 8 : i32
    %dma_start3A_23 = arith.constant 0 : i32
    %dma_start3A_24 = tpu.memref_slice %arg5[%dma_start3A_22, %dma_start3A_23] : memref<32x16xi32, #tpu.memory_space<vmem>> -> memref<24x16xi32, #tpu.memory_space<vmem>>
    %dma_start3A_25 = arith.constant 0 : i32
    %dma_start3A_26 = arith.constant 0 : i32
    %dma_start3A_27 = tpu.memref_slice %arg2[%add3A, %dma_start3A_25, %dma_start3A_26] : memref<32x32x16xi32, #tpu.memory_space<hbm>> -> memref<1x32x16xi32, #tpu.memory_space<hbm>>
    %dma_start3A_28 = tpu.memref_squeeze %dma_start3A_27 : memref<1x32x16xi32, #tpu.memory_space<hbm>> -> memref<32x16xi32, #tpu.memory_space<hbm>>
    %dma_start3A_29 = arith.constant 8 : i32
    %dma_start3A_30 = arith.constant 0 : i32
    %dma_start3A_31 = tpu.memref_slice %dma_start3A_28[%dma_start3A_29, %dma_start3A_30] : memref<32x16xi32, #tpu.memory_space<hbm>> -> memref<24x16xi32, #tpu.memory_space<hbm>>
    %dma_start3A_32 = arith.constant 8 : i32
    %dma_start3A_33 = arith.constant 0 : i32
    %dma_start3A_34 = tpu.memref_slice %arg5[%dma_start3A_32, %dma_start3A_33] : memref<32x16xi32, #tpu.memory_space<vmem>> -> memref<24x16xi32, #tpu.memory_space<vmem>>
    %dma_start3A_35 = arith.constant 0 : i32
    %dma_start3A_36 = arith.constant 0 : i32
    %dma_start3A_37 = tpu.memref_slice %arg2[%add3A, %dma_start3A_35, %dma_start3A_36] : memref<32x32x16xi32, #tpu.memory_space<hbm>> -> memref<1x32x16xi32, #tpu.memory_space<hbm>>
    %dma_start3A_38 = tpu.memref_squeeze %dma_start3A_37 : memref<1x32x16xi32, #tpu.memory_space<hbm>> -> memref<32x16xi32, #tpu.memory_space<hbm>>
    %dma_start3A_39 = arith.constant 8 : i32
    %dma_start3A_40 = arith.constant 0 : i32
    %dma_start3A_41 = tpu.memref_slice %dma_start3A_38[%dma_start3A_39, %dma_start3A_40] : memref<32x16xi32, #tpu.memory_space<hbm>> -> memref<24x16xi32, #tpu.memory_space<hbm>>
    tpu.enqueue_dma source(%dma_start3A_41 : memref<24x16xi32, #tpu.memory_space<hbm>>) target(%dma_start3A_34 : memref<24x16xi32, #tpu.memory_space<vmem>>) target_semaphore(%arg15 : memref<!tpu.dma_semaphore, #tpu.memory_space<semaphore_mem>>)
    %dma_wait3A = arith.constant 0 : i32
    %dma_wait3A_42 = arith.constant 0 : i32
    %dma_wait3A_43 = tpu.memref_slice %arg5[%dma_wait3A, %dma_wait3A_42] : memref<32x16xi32, #tpu.memory_space<vmem>> -> memref<8x16xi32, #tpu.memory_space<vmem>>
    %dma_wait3A_44 = arith.constant 0 : i32
    %dma_wait3A_45 = arith.constant 0 : i32
    %dma_wait3A_46 = tpu.memref_slice %arg2[%add3A, %dma_wait3A_44, %dma_wait3A_45] : memref<32x32x16xi32, #tpu.memory_space<hbm>> -> memref<1x32x16xi32, #tpu.memory_space<hbm>>
    %dma_wait3A_47 = tpu.memref_squeeze %dma_wait3A_46 : memref<1x32x16xi32, #tpu.memory_space<hbm>> -> memref<32x16xi32, #tpu.memory_space<hbm>>
    %dma_wait3A_48 = arith.constant 0 : i32
    %dma_wait3A_49 = arith.constant 0 : i32
    %dma_wait3A_50 = tpu.memref_slice %dma_wait3A_47[%dma_wait3A_48, %dma_wait3A_49] : memref<32x16xi32, #tpu.memory_space<hbm>> -> memref<8x16xi32, #tpu.memory_space<hbm>>
    %dma_wait3A_51 = arith.constant 0 : i32
    %dma_wait3A_52 = arith.constant 0 : i32
    %dma_wait3A_53 = tpu.memref_slice %arg5[%dma_wait3A_51, %dma_wait3A_52] : memref<32x16xi32, #tpu.memory_space<vmem>> -> memref<8x16xi32, #tpu.memory_space<vmem>>
    %dma_wait3A_54 = arith.constant 0 : i32
    %dma_wait3A_55 = arith.constant 0 : i32
    %dma_wait3A_56 = tpu.memref_slice %arg2[%add3A, %dma_wait3A_54, %dma_wait3A_55] : memref<32x32x16xi32, #tpu.memory_space<hbm>> -> memref<1x32x16xi32, #tpu.memory_space<hbm>>
    %dma_wait3A_57 = tpu.memref_squeeze %dma_wait3A_56 : memref<1x32x16xi32, #tpu.memory_space<hbm>> -> memref<32x16xi32, #tpu.memory_space<hbm>>
    %dma_wait3A_58 = arith.constant 0 : i32
    %dma_wait3A_59 = arith.constant 0 : i32
    %dma_wait3A_60 = tpu.memref_slice %dma_wait3A_57[%dma_wait3A_58, %dma_wait3A_59] : memref<32x16xi32, #tpu.memory_space<hbm>> -> memref<8x16xi32, #tpu.memory_space<hbm>>
    tpu.wait_dma2 semaphore(%arg14 : memref<!tpu.dma_semaphore, #tpu.memory_space<semaphore_mem>>) src(%dma_wait3A_60 : memref<8x16xi32, #tpu.memory_space<hbm>>) dst(%dma_wait3A_53 : memref<8x16xi32, #tpu.memory_space<vmem>>)
    %get3A = arith.constant 0 : i32
    %get3A_61 = arith.index_cast %get3A : i32 to index
    %get3A_62 = arith.constant 0 : index
    %get3A_63 = tpu.vector_load %arg5[%get3A_61, %get3A_62] {strides = array<i32>} : memref<32x16xi32, #tpu.memory_space<vmem>>, vector<1x16xi32>,
    %get3A_64 = vector.shape_cast %get3A_63 : vector<1x16xi32> to vector<16xi32>
    %get3A_65 = arith.constant 4 : i32
    %get3A_66 = arith.index_cast %get3A_65 : i32 to index
    %get3A_67 = arith.constant 0 : index
    %get3A_68 = tpu.vector_load %arg5[%get3A_66, %get3A_67] {strides = array<i32>} : memref<32x16xi32, #tpu.memory_space<vmem>>, vector<1x16xi32>,
    %get3A_69 = vector.shape_cast %get3A_68 : vector<1x16xi32> to vector<16xi32>
    %mul3A_70 = arith.constant 2051 : i32
    %mul3A_71 = vector.broadcast %mul3A_70 : i32 to vector<16xi32>
    %mul3A_72 = arith.muli %get3A_69, %mul3A_71 : vector<16xi32>
    %add3A_73 = arith.addi %get3A_64, %mul3A_72 : vector<16xi32>
    %swap3A = arith.constant 0 : i32
    %swap3A_74 = arith.index_cast %swap3A : i32 to index
    %swap3A_75 = arith.constant 0 : index
    %swap3A_76 = tpu.vector_load %arg6[%swap3A_74, %swap3A_75] {strides = array<i32>} : memref<16x16xi32, #tpu.memory_space<vmem>>, vector<1x16xi32>,
    %swap3A_77 = vector.shape_cast %swap3A_76 : vector<1x16xi32> to vector<16xi32>
    %swap3A_78 = vector.shape_cast %add3A_73 : vector<16xi32> to vector<1x16xi32>
    tpu.vector_store %arg6[%swap3A_74, %swap3A_75], %swap3A_78 {strides = array<i32>} : memref<16x16xi32, #tpu.memory_space<vmem>>, vector<1x16xi32>,
    %get3A_79 = arith.constant 1 : i32
    %get3A_80 = arith.index_cast %get3A_79 : i32 to index
    %get3A_81 = arith.constant 0 : index
    %get3A_82 = tpu.vector_load %arg5[%get3A_80, %get3A_81] {strides = array<i32>} : memref<32x16xi32, #tpu.memory_space<vmem>>, vector<1x16xi32>,
    %get3A_83 = vector.shape_cast %get3A_82 : vector<1x16xi32> to vector<16xi32>
    %get3A_84 = arith.constant 5 : i32
    %get3A_85 = arith.index_cast %get3A_84 : i32 to index
    %get3A_86 = arith.constant 0 : index
    %get3A_87 = tpu.vector_load %arg5[%get3A_85, %get3A_86] {strides = array<i32>} : memref<32x16xi32, #tpu.memory_space<vmem>>, vector<1x16xi32>,
    %get3A_88 = vector.shape_cast %get3A_87 : vector<1x16xi32> to vector<16xi32>
    %mul3A_89 = arith.constant 2051 : i32
    %mul3A_90 = vector.broadcast %mul3A_89 : i32 to vector<16xi32>
    %mul3A_91 = arith.muli %get3A_88, %mul3A_90 : vector<16xi32>
    %add3A_92 = arith.addi %get3A_83, %mul3A_91 : vector<16xi32>
    %swap3A_93 = arith.constant 1 : i32
    %swap3A_94 = arith.index_cast %swap3A_93 : i32 to index
    %swap3A_95 = arith.constant 0 : index
    %swap3A_96 = tpu.vector_load %arg6[%swap3A_94, %swap3A_95] {strides = array<i32>} : memref<16x16xi32, #tpu.memory_space<vmem>>, vector<1x16xi32>,
    %swap3A_97 = vector.shape_cast %swap3A_96 : vector<1x16xi32> to vector<16xi32>
    %swap3A_98 = vector.shape_cast %add3A_92 : vector<16xi32> to vector<1x16xi32>
    tpu.vector_store %arg6[%swap3A_94, %swap3A_95], %swap3A_98 {strides = array<i32>} : memref<16x16xi32, #tpu.memory_space<vmem>>, vector<1x16xi32>,
    %get3A_99 = arith.constant 2 : i32
    %get3A_100 = arith.index_cast %get3A_99 : i32 to index
    %get3A_101 = arith.constant 0 : index
    %get3A_102 = tpu.vector_load %arg5[%get3A_100, %get3A_101] {strides = array<i32>} : memref<32x16xi32, #tpu.memory_space<vmem>>, vector<1x16xi32>,
    %get3A_103 = vector.shape_cast %get3A_102 : vector<1x16xi32> to vector<16xi32>
    %get3A_104 = arith.constant 6 : i32
    %get3A_105 = arith.index_cast %get3A_104 : i32 to index
    %get3A_106 = arith.constant 0 : index
    %get3A_107 = tpu.vector_load %arg5[%get3A_105, %get3A_106] {strides = array<i32>} : memref<32x16xi32, #tpu.memory_space<vmem>>, vector<1x16xi32>,
    %get3A_108 = vector.shape_cast %get3A_107 : vector<1x16xi32> to vector<16xi32>
    %mul3A_109 = arith.constant 2051 : i32
    %mul3A_110 = vector.broadcast %mul3A_109 : i32 to vector<16xi32>
    %mul3A_111 = arith.muli %get3A_108, %mul3A_110 : vector<16xi32>
    %add3A_112 = arith.addi %get3A_103, %mul3A_111 : vector<16xi32>
    %swap3A_113 = arith.constant 2 : i32
    %swap3A_114 = arith.index_cast %swap3A_113 : i32 to index
    %swap3A_115 = arith.constant 0 : index
    %swap3A_116 = tpu.vector_load %arg6[%swap3A_114, %swap3A_115] {strides = array<i32>} : memref<16x16xi32, #tpu.memory_space<vmem>>, vector<1x16xi32>,
    %swap3A_117 = vector.shape_cast %swap3A_116 : vector<1x16xi32> to vector<16xi32>
    %swap3A_118 = vector.shape_cast %add3A_112 : vector<16xi32> to vector<1x16xi32>
    tpu.vector_store %arg6[%swap3A_114, %swap3A_115], %swap3A_118 {strides = array<i32>} : memref<16x16xi32, #tpu.memory_space<vmem>>, vector<1x16xi32>,
    %get3A_119 = arith.constant 3 : i32
    %get3A_120 = arith.index_cast %get3A_119 : i32 to index
    %get3A_121 = arith.constant 0 : index
    %get3A_122 = tpu.vector_load %arg5[%get3A_120, %get3A_121] {strides = array<i32>} : memref<32x16xi32, #tpu.memory_space<vmem>>, vector<1x16xi32>,
    %get3A_123 = vector.shape_cast %get3A_122 : vector<1x16xi32> to vector<16xi32>
    %get3A_124 = arith.constant 7 : i32
    %get3A_125 = arith.index_cast %get3A_124 : i32 to index
    %get3A_126 = arith.constant 0 : index
    %get3A_127 = tpu.vector_load %arg5[%get3A_125, %get3A_126] {strides = array<i32>} : memref<32x16xi32, #tpu.memory_space<vmem>>, vector<1x16xi32>,
    %get3A_128 = vector.shape_cast %get3A_127 : vector<1x16xi32> to vector<16xi32>
    %mul3A_129 = arith.constant 2051 : i32
    %mul3A_130 = vector.broadcast %mul3A_129 : i32 to vector<16xi32>
    %mul3A_131 = arith.muli %get3A_128, %mul3A_130 : vector<16xi32>
    %add3A_132 = arith.addi %get3A_123, %mul3A_131 : vector<16xi32>
    %swap3A_133 = arith.constant 3 : i32
    %swap3A_134 = arith.index_cast %swap3A_133 : i32 to index
    %swap3A_135 = arith.constant 0 : index
    %swap3A_136 = tpu.vector_load %arg6[%swap3A_134, %swap3A_135] {strides = array<i32>} : memref<16x16xi32, #tpu.memory_space<vmem>>, vector<1x16xi32>,
    %swap3A_137 = vector.shape_cast %swap3A_136 : vector<1x16xi32> to vector<16xi32>
    %swap3A_138 = vector.shape_cast %add3A_132 : vector<16xi32> to vector<1x16xi32>
    tpu.vector_store %arg6[%swap3A_134, %swap3A_135], %swap3A_138 {strides = array<i32>} : memref<16x16xi32, #tpu.memory_space<vmem>>, vector<1x16xi32>,
    %dma_start3A_139 = arith.constant 0 : i32
    %dma_start3A_140 = arith.constant 0 : i32
    %dma_start3A_141 = arith.constant 0 : i32
    %dma_start3A_142 = arith.constant 0 : i32
    %dma_start3A_143 = tpu.memref_slice %arg7[%dma_start3A_140, %dma_start3A_141, %dma_start3A_142] : memref<3x16x2048xf32, #tpu.memory_space<vmem>> -> memref<1x16x2048xf32, #tpu.memory_space<vmem>>
    %dma_start3A_144 = tpu.memref_squeeze %dma_start3A_143 : memref<1x16x2048xf32, #tpu.memory_space<vmem>> -> memref<16x2048xf32, #tpu.memory_space<vmem>>
    %dma_start3A_145 = arith.constant 0 : i32
    %dma_start3A_146 = tpu.memref_slice %arg6[%dma_start3A_139, %dma_start3A_145] : memref<16x16xi32, #tpu.memory_space<vmem>> -> memref<1x16xi32, #tpu.memory_space<vmem>>
    %dma_start3A_147 = tpu.memref_squeeze %dma_start3A_146 : memref<1x16xi32, #tpu.memory_space<vmem>> -> memref<16xi32, #tpu.memory_space<vmem>>
    %dma_start3A_148 = arith.constant 0 : i32
    %dma_start3A_149 = arith.constant 0 : i32
    %dma_start3A_150 = tpu.memref_slice %arg3[%dma_start3A_148, %dma_start3A_149] : memref<65632x2048xf32, #tpu.memory_space<hbm>> -> memref<65632x2048xf32, #tpu.memory_space<hbm>>
    tpu.enqueue_indirect_dma source(%dma_start3A_150 : memref<65632x2048xf32, #tpu.memory_space<hbm>>) target(%dma_start3A_144 : memref<16x2048xf32, #tpu.memory_space<vmem>>) offsets(%dma_start3A_147 : memref<16xi32, #tpu.memory_space<vmem>>) semaphore(%arg8 : memref<!tpu.dma_semaphore, #tpu.memory_space<semaphore_mem>>)
    %dma_start3A_151 = arith.constant 1 : i32
    %dma_start3A_152 = arith.constant 1 : i32
    %dma_start3A_153 = arith.constant 0 : i32
    %dma_start3A_154 = arith.constant 0 : i32
    %dma_start3A_155 = tpu.memref_slice %arg7[%dma_start3A_152, %dma_start3A_153, %dma_start3A_154] : memref<3x16x2048xf32, #tpu.memory_space<vmem>> -> memref<1x16x2048xf32, #tpu.memory_space<vmem>>
    %dma_start3A_156 = tpu.memref_squeeze %dma_start3A_155 : memref<1x16x2048xf32, #tpu.memory_space<vmem>> -> memref<16x2048xf32, #tpu.memory_space<vmem>>
    %dma_start3A_157 = arith.constant 0 : i32
    %dma_start3A_158 = tpu.memref_slice %arg6[%dma_start3A_151, %dma_start3A_157] : memref<16x16xi32, #tpu.memory_space<vmem>> -> memref<1x16xi32, #tpu.memory_space<vmem>>
    %dma_start3A_159 = tpu.memref_squeeze %dma_start3A_158 : memref<1x16xi32, #tpu.memory_space<vmem>> -> memref<16xi32, #tpu.memory_space<vmem>>
    %dma_start3A_160 = arith.constant 0 : i32
    %dma_start3A_161 = arith.constant 0 : i32
    %dma_start3A_162 = tpu.memref_slice %arg3[%dma_start3A_160, %dma_start3A_161] : memref<65632x2048xf32, #tpu.memory_space<hbm>> -> memref<65632x2048xf32, #tpu.memory_space<hbm>>
    tpu.enqueue_indirect_dma source(%dma_start3A_162 : memref<65632x2048xf32, #tpu.memory_space<hbm>>) target(%dma_start3A_156 : memref<16x2048xf32, #tpu.memory_space<vmem>>) offsets(%dma_start3A_159 : memref<16xi32, #tpu.memory_space<vmem>>) semaphore(%arg9 : memref<!tpu.dma_semaphore, #tpu.memory_space<semaphore_mem>>)
    %dma_start3A_163 = arith.constant 2 : i32
    %dma_start3A_164 = arith.constant 2 : i32
    %dma_start3A_165 = arith.constant 0 : i32
    %dma_start3A_166 = arith.constant 0 : i32
    %dma_start3A_167 = tpu.memref_slice %arg7[%dma_start3A_164, %dma_start3A_165, %dma_start3A_166] : memref<3x16x2048xf32, #tpu.memory_space<vmem>> -> memref<1x16x2048xf32, #tpu.memory_space<vmem>>
    %dma_start3A_168 = tpu.memref_squeeze %dma_start3A_167 : memref<1x16x2048xf32, #tpu.memory_space<vmem>> -> memref<16x2048xf32, #tpu.memory_space<vmem>>
    %dma_start3A_169 = arith.constant 0 : i32
    %dma_start3A_170 = tpu.memref_slice %arg6[%dma_start3A_163, %dma_start3A_169] : memref<16x16xi32, #tpu.memory_space<vmem>> -> memref<1x16xi32, #tpu.memory_space<vmem>>
    %dma_start3A_171 = tpu.memref_squeeze %dma_start3A_170 : memref<1x16xi32, #tpu.memory_space<vmem>> -> memref<16xi32, #tpu.memory_space<vmem>>
    %dma_start3A_172 = arith.constant 0 : i32
    %dma_start3A_173 = arith.constant 0 : i32
    %dma_start3A_174 = tpu.memref_slice %arg3[%dma_start3A_172, %dma_start3A_173] : memref<65632x2048xf32, #tpu.memory_space<hbm>> -> memref<65632x2048xf32, #tpu.memory_space<hbm>>
    tpu.enqueue_indirect_dma source(%dma_start3A_174 : memref<65632x2048xf32, #tpu.memory_space<hbm>>) target(%dma_start3A_168 : memref<16x2048xf32, #tpu.memory_space<vmem>>) offsets(%dma_start3A_171 : memref<16xi32, #tpu.memory_space<vmem>>) semaphore(%arg10 : memref<!tpu.dma_semaphore, #tpu.memory_space<semaphore_mem>>)
    %dma_wait3A_175 = arith.constant 8 : i32
    %dma_wait3A_176 = arith.constant 0 : i32
    %dma_wait3A_177 = tpu.memref_slice %arg5[%dma_wait3A_175, %dma_wait3A_176] : memref<32x16xi32, #tpu.memory_space<vmem>> -> memref<24x16xi32, #tpu.memory_space<vmem>>
    %dma_wait3A_178 = arith.constant 0 : i32
    %dma_wait3A_179 = arith.constant 0 : i32
    %dma_wait3A_180 = tpu.memref_slice %arg2[%add3A, %dma_wait3A_178, %dma_wait3A_179] : memref<32x32x16xi32, #tpu.memory_space<hbm>> -> memref<1x32x16xi32, #tpu.memory_space<hbm>>
    %dma_wait3A_181 = tpu.memref_squeeze %dma_wait3A_180 : memref<1x32x16xi32, #tpu.memory_space<hbm>> -> memref<32x16xi32, #tpu.memory_space<hbm>>
    %dma_wait3A_182 = arith.constant 8 : i32
    %dma_wait3A_183 = arith.constant 0 : i32
    %dma_wait3A_184 = tpu.memref_slice %dma_wait3A_181[%dma_wait3A_182, %dma_wait3A_183] : memref<32x16xi32, #tpu.memory_space<hbm>> -> memref<24x16xi32, #tpu.memory_space<hbm>>
    %dma_wait3A_185 = arith.constant 8 : i32
    %dma_wait3A_186 = arith.constant 0 : i32
    %dma_wait3A_187 = tpu.memref_slice %arg5[%dma_wait3A_185, %dma_wait3A_186] : memref<32x16xi32, #tpu.memory_space<vmem>> -> memref<24x16xi32, #tpu.memory_space<vmem>>
    %dma_wait3A_188 = arith.constant 0 : i32
    %dma_wait3A_189 = arith.constant 0 : i32
    %dma_wait3A_190 = tpu.memref_slice %arg2[%add3A, %dma_wait3A_188, %dma_wait3A_189] : memref<32x32x16xi32, #tpu.memory_space<hbm>> -> memref<1x32x16xi32, #tpu.memory_space<hbm>>
    %dma_wait3A_191 = tpu.memref_squeeze %dma_wait3A_190 : memref<1x32x16xi32, #tpu.memory_space<hbm>> -> memref<32x16xi32, #tpu.memory_space<hbm>>
    %dma_wait3A_192 = arith.constant 8 : i32
    %dma_wait3A_193 = arith.constant 0 : i32
    %dma_wait3A_194 = tpu.memref_slice %dma_wait3A_191[%dma_wait3A_192, %dma_wait3A_193] : memref<32x16xi32, #tpu.memory_space<hbm>> -> memref<24x16xi32, #tpu.memory_space<hbm>>
    tpu.wait_dma2 semaphore(%arg15 : memref<!tpu.dma_semaphore, #tpu.memory_space<semaphore_mem>>) src(%dma_wait3A_194 : memref<24x16xi32, #tpu.memory_space<hbm>>) dst(%dma_wait3A_187 : memref<24x16xi32, #tpu.memory_space<vmem>>)
    %get3A_195 = arith.constant 8 : i32
    %get3A_196 = arith.index_cast %get3A_195 : i32 to index
    %get3A_197 = arith.constant 0 : index
    %get3A_198 = tpu.vector_load %arg5[%get3A_196, %get3A_197] {strides = array<i32>} : memref<32x16xi32, #tpu.memory_space<vmem>>, vector<1x16xi32>,
    %get3A_199 = vector.shape_cast %get3A_198 : vector<1x16xi32> to vector<16xi32>
    %get3A_200 = arith.constant 20 : i32
    %get3A_201 = arith.index_cast %get3A_200 : i32 to index
    %get3A_202 = arith.constant 0 : index
    %get3A_203 = tpu.vector_load %arg5[%get3A_201, %get3A_202] {strides = array<i32>} : memref<32x16xi32, #tpu.memory_space<vmem>>, vector<1x16xi32>,
    %get3A_204 = vector.shape_cast %get3A_203 : vector<1x16xi32> to vector<16xi32>
    %mul3A_205 = arith.constant 2051 : i32
    %mul3A_206 = vector.broadcast %mul3A_205 : i32 to vector<16xi32>
    %mul3A_207 = arith.muli %get3A_204, %mul3A_206 : vector<16xi32>
    %add3A_208 = arith.addi %get3A_199, %mul3A_207 : vector<16xi32>
    %swap3A_209 = arith.constant 4 : i32
    %swap3A_210 = arith.index_cast %swap3A_209 : i32 to index
    %swap3A_211 = arith.constant 0 : index
    %swap3A_212 = tpu.vector_load %arg6[%swap3A_210, %swap3A_211] {strides = array<i32>} : memref<16x16xi32, #tpu.memory_space<vmem>>, vector<1x16xi32>,
    %swap3A_213 = vector.shape_cast %swap3A_212 : vector<1x16xi32> to vector<16xi32>
    %swap3A_214 = vector.shape_cast %add3A_208 : vector<16xi32> to vector<1x16xi32>
    tpu.vector_store %arg6[%swap3A_210, %swap3A_211], %swap3A_214 {strides = array<i32>} : memref<16x16xi32, #tpu.memory_space<vmem>>, vector<1x16xi32>,
    %get3A_215 = arith.constant 9 : i32
    %get3A_216 = arith.index_cast %get3A_215 : i32 to index
    %get3A_217 = arith.constant 0 : index
    %get3A_218 = tpu.vector_load %arg5[%get3A_216, %get3A_217] {strides = array<i32>} : memref<32x16xi32, #tpu.memory_space<vmem>>, vector<1x16xi32>,
    %get3A_219 = vector.shape_cast %get3A_218 : vector<1x16xi32> to vector<16xi32>
    %get3A_220 = arith.constant 21 : i32
    %get3A_221 = arith.index_cast %get3A_220 : i32 to index
    %get3A_222 = arith.constant 0 : index
    %get3A_223 = tpu.vector_load %arg5[%get3A_221, %get3A_222] {strides = array<i32>} : memref<32x16xi32, #tpu.memory_space<vmem>>, vector<1x16xi32>,
    %get3A_224 = vector.shape_cast %get3A_223 : vector<1x16xi32> to vector<16xi32>
    %mul3A_225 = arith.constant 2051 : i32
    %mul3A_226 = vector.broadcast %mul3A_225 : i32 to vector<16xi32>
    %mul3A_227 = arith.muli %get3A_224, %mul3A_226 : vector<16xi32>
    %add3A_228 = arith.addi %get3A_219, %mul3A_227 : vector<16xi32>
    %swap3A_229 = arith.constant 5 : i32
    %swap3A_230 = arith.index_cast %swap3A_229 : i32 to index
    %swap3A_231 = arith.constant 0 : index
    %swap3A_232 = tpu.vector_load %arg6[%swap3A_230, %swap3A_231] {strides = array<i32>} : memref<16x16xi32, #tpu.memory_space<vmem>>, vector<1x16xi32>,
    %swap3A_233 = vector.shape_cast %swap3A_232 : vector<1x16xi32> to vector<16xi32>
    %swap3A_234 = vector.shape_cast %add3A_228 : vector<16xi32> to vector<1x16xi32>
    tpu.vector_store %arg6[%swap3A_230, %swap3A_231], %swap3A_234 {strides = array<i32>} : memref<16x16xi32, #tpu.memory_space<vmem>>, vector<1x16xi32>,
    %get3A_235 = arith.constant 10 : i32
    %get3A_236 = arith.index_cast %get3A_235 : i32 to index
    %get3A_237 = arith.constant 0 : index
    %get3A_238 = tpu.vector_load %arg5[%get3A_236, %get3A_237] {strides = array<i32>} : memref<32x16xi32, #tpu.memory_space<vmem>>, vector<1x16xi32>,
    %get3A_239 = vector.shape_cast %get3A_238 : vector<1x16xi32> to vector<16xi32>
    %get3A_240 = arith.constant 22 : i32
    %get3A_241 = arith.index_cast %get3A_240 : i32 to index
    %get3A_242 = arith.constant 0 : index
    %get3A_243 = tpu.vector_load %arg5[%get3A_241, %get3A_242] {strides = array<i32>} : memref<32x16xi32, #tpu.memory_space<vmem>>, vector<1x16xi32>,
    %get3A_244 = vector.shape_cast %get3A_243 : vector<1x16xi32> to vector<16xi32>
    %mul3A_245 = arith.constant 2051 : i32
    %mul3A_246 = vector.broadcast %mul3A_245 : i32 to vector<16xi32>
    %mul3A_247 = arith.muli %get3A_244, %mul3A_246 : vector<16xi32>
    %add3A_248 = arith.addi %get3A_239, %mul3A_247 : vector<16xi32>
    %swap3A_249 = arith.constant 6 : i32
    %swap3A_250 = arith.index_cast %swap3A_249 : i32 to index
    %swap3A_251 = arith.constant 0 : index
    %swap3A_252 = tpu.vector_load %arg6[%swap3A_250, %swap3A_251] {strides = array<i32>} : memref<16x16xi32, #tpu.memory_space<vmem>>, vector<1x16xi32>,
    %swap3A_253 = vector.shape_cast %swap3A_252 : vector<1x16xi32> to vector<16xi32>
    %swap3A_254 = vector.shape_cast %add3A_248 : vector<16xi32> to vector<1x16xi32>
    tpu.vector_store %arg6[%swap3A_250, %swap3A_251], %swap3A_254 {strides = array<i32>} : memref<16x16xi32, #tpu.memory_space<vmem>>, vector<1x16xi32>,
    %get3A_255 = arith.constant 11 : i32
    %get3A_256 = arith.index_cast %get3A_255 : i32 to index
    %get3A_257 = arith.constant 0 : index
    %get3A_258 = tpu.vector_load %arg5[%get3A_256, %get3A_257] {strides = array<i32>} : memref<32x16xi32, #tpu.memory_space<vmem>>, vector<1x16xi32>,
    %get3A_259 = vector.shape_cast %get3A_258 : vector<1x16xi32> to vector<16xi32>
    %get3A_260 = arith.constant 23 : i32
    %get3A_261 = arith.index_cast %get3A_260 : i32 to index
    %get3A_262 = arith.constant 0 : index
    %get3A_263 = tpu.vector_load %arg5[%get3A_261, %get3A_262] {strides = array<i32>} : memref<32x16xi32, #tpu.memory_space<vmem>>, vector<1x16xi32>,
    %get3A_264 = vector.shape_cast %get3A_263 : vector<1x16xi32> to vector<16xi32>
    %mul3A_265 = arith.constant 2051 : i32
    %mul3A_266 = vector.broadcast %mul3A_265 : i32 to vector<16xi32>
    %mul3A_267 = arith.muli %get3A_264, %mul3A_266 : vector<16xi32>
    %add3A_268 = arith.addi %get3A_259, %mul3A_267 : vector<16xi32>
    %swap3A_269 = arith.constant 7 : i32
    %swap3A_270 = arith.index_cast %swap3A_269 : i32 to index
    %swap3A_271 = arith.constant 0 : index
    %swap3A_272 = tpu.vector_load %arg6[%swap3A_270, %swap3A_271] {strides = array<i32>} : memref<16x16xi32, #tpu.memory_space<vmem>>, vector<1x16xi32>,
    %swap3A_273 = vector.shape_cast %swap3A_272 : vector<1x16xi32> to vector<16xi32>
    %swap3A_274 = vector.shape_cast %add3A_268 : vector<16xi32> to vector<1x16xi32>
    tpu.vector_store %arg6[%swap3A_270, %swap3A_271], %swap3A_274 {strides = array<i32>} : memref<16x16xi32, #tpu.memory_space<vmem>>, vector<1x16xi32>,
    %get3A_275 = arith.constant 12 : i32
    %get3A_276 = arith.index_cast %get3A_275 : i32 to index
    %get3A_277 = arith.constant 0 : index
    %get3A_278 = tpu.vector_load %arg5[%get3A_276, %get3A_277] {strides = array<i32>} : memref<32x16xi32, #tpu.memory_space<vmem>>, vector<1x16xi32>,
    %get3A_279 = vector.shape_cast %get3A_278 : vector<1x16xi32> to vector<16xi32>
    %get3A_280 = arith.constant 24 : i32
    %get3A_281 = arith.index_cast %get3A_280 : i32 to index
    %get3A_282 = arith.constant 0 : index
    %get3A_283 = tpu.vector_load %arg5[%get3A_281, %get3A_282] {strides = array<i32>} : memref<32x16xi32, #tpu.memory_space<vmem>>, vector<1x16xi32>,
    %get3A_284 = vector.shape_cast %get3A_283 : vector<1x16xi32> to vector<16xi32>
    %mul3A_285 = arith.constant 2051 : i32
    %mul3A_286 = vector.broadcast %mul3A_285 : i32 to vector<16xi32>
    %mul3A_287 = arith.muli %get3A_284, %mul3A_286 : vector<16xi32>
    %add3A_288 = arith.addi %get3A_279, %mul3A_287 : vector<16xi32>
    %swap3A_289 = arith.constant 8 : i32
    %swap3A_290 = arith.index_cast %swap3A_289 : i32 to index
    %swap3A_291 = arith.constant 0 : index
    %swap3A_292 = tpu.vector_load %arg6[%swap3A_290, %swap3A_291] {strides = array<i32>} : memref<16x16xi32, #tpu.memory_space<vmem>>, vector<1x16xi32>,
    %swap3A_293 = vector.shape_cast %swap3A_292 : vector<1x16xi32> to vector<16xi32>
    %swap3A_294 = vector.shape_cast %add3A_288 : vector<16xi32> to vector<1x16xi32>
    tpu.vector_store %arg6[%swap3A_290, %swap3A_291], %swap3A_294 {strides = array<i32>} : memref<16x16xi32, #tpu.memory_space<vmem>>, vector<1x16xi32>,
    %get3A_295 = arith.constant 13 : i32
    %get3A_296 = arith.index_cast %get3A_295 : i32 to index
    %get3A_297 = arith.constant 0 : index
    %get3A_298 = tpu.vector_load %arg5[%get3A_296, %get3A_297] {strides = array<i32>} : memref<32x16xi32, #tpu.memory_space<vmem>>, vector<1x16xi32>,
    %get3A_299 = vector.shape_cast %get3A_298 : vector<1x16xi32> to vector<16xi32>
    %get3A_300 = arith.constant 25 : i32
    %get3A_301 = arith.index_cast %get3A_300 : i32 to index
    %get3A_302 = arith.constant 0 : index
    %get3A_303 = tpu.vector_load %arg5[%get3A_301, %get3A_302] {strides = array<i32>} : memref<32x16xi32, #tpu.memory_space<vmem>>, vector<1x16xi32>,
    %get3A_304 = vector.shape_cast %get3A_303 : vector<1x16xi32> to vector<16xi32>
    %mul3A_305 = arith.constant 2051 : i32
    %mul3A_306 = vector.broadcast %mul3A_305 : i32 to vector<16xi32>
    %mul3A_307 = arith.muli %get3A_304, %mul3A_306 : vector<16xi32>
    %add3A_308 = arith.addi %get3A_299, %mul3A_307 : vector<16xi32>
    %swap3A_309 = arith.constant 9 : i32
    %swap3A_310 = arith.index_cast %swap3A_309 : i32 to index
    %swap3A_311 = arith.constant 0 : index
    %swap3A_312 = tpu.vector_load %arg6[%swap3A_310, %swap3A_311] {strides = array<i32>} : memref<16x16xi32, #tpu.memory_space<vmem>>, vector<1x16xi32>,
    %swap3A_313 = vector.shape_cast %swap3A_312 : vector<1x16xi32> to vector<16xi32>
    %swap3A_314 = vector.shape_cast %add3A_308 : vector<16xi32> to vector<1x16xi32>
    tpu.vector_store %arg6[%swap3A_310, %swap3A_311], %swap3A_314 {strides = array<i32>} : memref<16x16xi32, #tpu.memory_space<vmem>>, vector<1x16xi32>,
    %get3A_315 = arith.constant 14 : i32
    %get3A_316 = arith.index_cast %get3A_315 : i32 to index
    %get3A_317 = arith.constant 0 : index
    %get3A_318 = tpu.vector_load %arg5[%get3A_316, %get3A_317] {strides = array<i32>} : memref<32x16xi32, #tpu.memory_space<vmem>>, vector<1x16xi32>,
    %get3A_319 = vector.shape_cast %get3A_318 : vector<1x16xi32> to vector<16xi32>
    %get3A_320 = arith.constant 26 : i32
    %get3A_321 = arith.index_cast %get3A_320 : i32 to index
    %get3A_322 = arith.constant 0 : index
    %get3A_323 = tpu.vector_load %arg5[%get3A_321, %get3A_322] {strides = array<i32>} : memref<32x16xi32, #tpu.memory_space<vmem>>, vector<1x16xi32>,
    %get3A_324 = vector.shape_cast %get3A_323 : vector<1x16xi32> to vector<16xi32>
    %mul3A_325 = arith.constant 2051 : i32
    %mul3A_326 = vector.broadcast %mul3A_325 : i32 to vector<16xi32>
    %mul3A_327 = arith.muli %get3A_324, %mul3A_326 : vector<16xi32>
    %add3A_328 = arith.addi %get3A_319, %mul3A_327 : vector<16xi32>
    %swap3A_329 = arith.constant 10 : i32
    %swap3A_330 = arith.index_cast %swap3A_329 : i32 to index
    %swap3A_331 = arith.constant 0 : index
    %swap3A_332 = tpu.vector_load %arg6[%swap3A_330, %swap3A_331] {strides = array<i32>} : memref<16x16xi32, #tpu.memory_space<vmem>>, vector<1x16xi32>,
    %swap3A_333 = vector.shape_cast %swap3A_332 : vector<1x16xi32> to vector<16xi32>
    %swap3A_334 = vector.shape_cast %add3A_328 : vector<16xi32> to vector<1x16xi32>
    tpu.vector_store %arg6[%swap3A_330, %swap3A_331], %swap3A_334 {strides = array<i32>} : memref<16x16xi32, #tpu.memory_space<vmem>>, vector<1x16xi32>,
    %get3A_335 = arith.constant 15 : i32
    %get3A_336 = arith.index_cast %get3A_335 : i32 to index
    %get3A_337 = arith.constant 0 : index
    %get3A_338 = tpu.vector_load %arg5[%get3A_336, %get3A_337] {strides = array<i32>} : memref<32x16xi32, #tpu.memory_space<vmem>>, vector<1x16xi32>,
    %get3A_339 = vector.shape_cast %get3A_338 : vector<1x16xi32> to vector<16xi32>
    %get3A_340 = arith.constant 27 : i32
    %get3A_341 = arith.index_cast %get3A_340 : i32 to index
    %get3A_342 = arith.constant 0 : index
    %get3A_343 = tpu.vector_load %arg5[%get3A_341, %get3A_342] {strides = array<i32>} : memref<32x16xi32, #tpu.memory_space<vmem>>, vector<1x16xi32>,
    %get3A_344 = vector.shape_cast %get3A_343 : vector<1x16xi32> to vector<16xi32>
    %mul3A_345 = arith.constant 2051 : i32
    %mul3A_346 = vector.broadcast %mul3A_345 : i32 to vector<16xi32>
    %mul3A_347 = arith.muli %get3A_344, %mul3A_346 : vector<16xi32>
    %add3A_348 = arith.addi %get3A_339, %mul3A_347 : vector<16xi32>
    %swap3A_349 = arith.constant 11 : i32
    %swap3A_350 = arith.index_cast %swap3A_349 : i32 to index
    %swap3A_351 = arith.constant 0 : index
    %swap3A_352 = tpu.vector_load %arg6[%swap3A_350, %swap3A_351] {strides = array<i32>} : memref<16x16xi32, #tpu.memory_space<vmem>>, vector<1x16xi32>,
    %swap3A_353 = vector.shape_cast %swap3A_352 : vector<1x16xi32> to vector<16xi32>
    %swap3A_354 = vector.shape_cast %add3A_348 : vector<16xi32> to vector<1x16xi32>
    tpu.vector_store %arg6[%swap3A_350, %swap3A_351], %swap3A_354 {strides = array<i32>} : memref<16x16xi32, #tpu.memory_space<vmem>>, vector<1x16xi32>,
    %get3A_355 = arith.constant 16 : i32
    %get3A_356 = arith.index_cast %get3A_355 : i32 to index
    %get3A_357 = arith.constant 0 : index
    %get3A_358 = tpu.vector_load %arg5[%get3A_356, %get3A_357] {strides = array<i32>} : memref<32x16xi32, #tpu.memory_space<vmem>>, vector<1x16xi32>,
    %get3A_359 = vector.shape_cast %get3A_358 : vector<1x16xi32> to vector<16xi32>
    %get3A_360 = arith.constant 28 : i32
    %get3A_361 = arith.index_cast %get3A_360 : i32 to index
    %get3A_362 = arith.constant 0 : index
    %get3A_363 = tpu.vector_load %arg5[%get3A_361, %get3A_362] {strides = array<i32>} : memref<32x16xi32, #tpu.memory_space<vmem>>, vector<1x16xi32>,
    %get3A_364 = vector.shape_cast %get3A_363 : vector<1x16xi32> to vector<16xi32>
    %mul3A_365 = arith.constant 2051 : i32
    %mul3A_366 = vector.broadcast %mul3A_365 : i32 to vector<16xi32>
    %mul3A_367 = arith.muli %get3A_364, %mul3A_366 : vector<16xi32>
    %add3A_368 = arith.addi %get3A_359, %mul3A_367 : vector<16xi32>
    %swap3A_369 = arith.constant 12 : i32
    %swap3A_370 = arith.index_cast %swap3A_369 : i32 to index
    %swap3A_371 = arith.constant 0 : index
    %swap3A_372 = tpu.vector_load %arg6[%swap3A_370, %swap3A_371] {strides = array<i32>} : memref<16x16xi32, #tpu.memory_space<vmem>>, vector<1x16xi32>,
    %swap3A_373 = vector.shape_cast %swap3A_372 : vector<1x16xi32> to vector<16xi32>
    %swap3A_374 = vector.shape_cast %add3A_368 : vector<16xi32> to vector<1x16xi32>
    tpu.vector_store %arg6[%swap3A_370, %swap3A_371], %swap3A_374 {strides = array<i32>} : memref<16x16xi32, #tpu.memory_space<vmem>>, vector<1x16xi32>,
    %get3A_375 = arith.constant 17 : i32
    %get3A_376 = arith.index_cast %get3A_375 : i32 to index
    %get3A_377 = arith.constant 0 : index
    %get3A_378 = tpu.vector_load %arg5[%get3A_376, %get3A_377] {strides = array<i32>} : memref<32x16xi32, #tpu.memory_space<vmem>>, vector<1x16xi32>,
    %get3A_379 = vector.shape_cast %get3A_378 : vector<1x16xi32> to vector<16xi32>
    %get3A_380 = arith.constant 29 : i32
    %get3A_381 = arith.index_cast %get3A_380 : i32 to index
    %get3A_382 = arith.constant 0 : index
    %get3A_383 = tpu.vector_load %arg5[%get3A_381, %get3A_382] {strides = array<i32>} : memref<32x16xi32, #tpu.memory_space<vmem>>, vector<1x16xi32>,
    %get3A_384 = vector.shape_cast %get3A_383 : vector<1x16xi32> to vector<16xi32>
    %mul3A_385 = arith.constant 2051 : i32
    %mul3A_386 = vector.broadcast %mul3A_385 : i32 to vector<16xi32>
    %mul3A_387 = arith.muli %get3A_384, %mul3A_386 : vector<16xi32>
    %add3A_388 = arith.addi %get3A_379, %mul3A_387 : vector<16xi32>
    %swap3A_389 = arith.constant 13 : i32
    %swap3A_390 = arith.index_cast %swap3A_389 : i32 to index
    %swap3A_391 = arith.constant 0 : index
    %swap3A_392 = tpu.vector_load %arg6[%swap3A_390, %swap3A_391] {strides = array<i32>} : memref<16x16xi32, #tpu.memory_space<vmem>>, vector<1x16xi32>,
    %swap3A_393 = vector.shape_cast %swap3A_392 : vector<1x16xi32> to vector<16xi32>
    %swap3A_394 = vector.shape_cast %add3A_388 : vector<16xi32> to vector<1x16xi32>
    tpu.vector_store %arg6[%swap3A_390, %swap3A_391], %swap3A_394 {strides = array<i32>} : memref<16x16xi32, #tpu.memory_space<vmem>>, vector<1x16xi32>,
    %get3A_395 = arith.constant 18 : i32
    %get3A_396 = arith.index_cast %get3A_395 : i32 to index
    %get3A_397 = arith.constant 0 : index
    %get3A_398 = tpu.vector_load %arg5[%get3A_396, %get3A_397] {strides = array<i32>} : memref<32x16xi32, #tpu.memory_space<vmem>>, vector<1x16xi32>,
    %get3A_399 = vector.shape_cast %get3A_398 : vector<1x16xi32> to vector<16xi32>
    %get3A_400 = arith.constant 30 : i32
    %get3A_401 = arith.index_cast %get3A_400 : i32 to index
    %get3A_402 = arith.constant 0 : index
    %get3A_403 = tpu.vector_load %arg5[%get3A_401, %get3A_402] {strides = array<i32>} : memref<32x16xi32, #tpu.memory_space<vmem>>, vector<1x16xi32>,
    %get3A_404 = vector.shape_cast %get3A_403 : vector<1x16xi32> to vector<16xi32>
    %mul3A_405 = arith.constant 2051 : i32
    %mul3A_406 = vector.broadcast %mul3A_405 : i32 to vector<16xi32>
    %mul3A_407 = arith.muli %get3A_404, %mul3A_406 : vector<16xi32>
    %add3A_408 = arith.addi %get3A_399, %mul3A_407 : vector<16xi32>
    %swap3A_409 = arith.constant 14 : i32
    %swap3A_410 = arith.index_cast %swap3A_409 : i32 to index
    %swap3A_411 = arith.constant 0 : index
    %swap3A_412 = tpu.vector_load %arg6[%swap3A_410, %swap3A_411] {strides = array<i32>} : memref<16x16xi32, #tpu.memory_space<vmem>>, vector<1x16xi32>,
    %swap3A_413 = vector.shape_cast %swap3A_412 : vector<1x16xi32> to vector<16xi32>
    %swap3A_414 = vector.shape_cast %add3A_408 : vector<16xi32> to vector<1x16xi32>
    tpu.vector_store %arg6[%swap3A_410, %swap3A_411], %swap3A_414 {strides = array<i32>} : memref<16x16xi32, #tpu.memory_space<vmem>>, vector<1x16xi32>,
    %get3A_415 = arith.constant 19 : i32
    %get3A_416 = arith.index_cast %get3A_415 : i32 to index
    %get3A_417 = arith.constant 0 : index
    %get3A_418 = tpu.vector_load %arg5[%get3A_416, %get3A_417] {strides = array<i32>} : memref<32x16xi32, #tpu.memory_space<vmem>>, vector<1x16xi32>,
    %get3A_419 = vector.shape_cast %get3A_418 : vector<1x16xi32> to vector<16xi32>
    %get3A_420 = arith.constant 31 : i32
    %get3A_421 = arith.index_cast %get3A_420 : i32 to index
    %get3A_422 = arith.constant 0 : index
    %get3A_423 = tpu.vector_load %arg5[%get3A_421, %get3A_422] {strides = array<i32>} : memref<32x16xi32, #tpu.memory_space<vmem>>, vector<1x16xi32>,
    %get3A_424 = vector.shape_cast %get3A_423 : vector<1x16xi32> to vector<16xi32>
    %mul3A_425 = arith.constant 2051 : i32
    %mul3A_426 = vector.broadcast %mul3A_425 : i32 to vector<16xi32>
    %mul3A_427 = arith.muli %get3A_424, %mul3A_426 : vector<16xi32>
    %add3A_428 = arith.addi %get3A_419, %mul3A_427 : vector<16xi32>
    %swap3A_429 = arith.constant 15 : i32
    %swap3A_430 = arith.index_cast %swap3A_429 : i32 to index
    %swap3A_431 = arith.constant 0 : index
    %swap3A_432 = tpu.vector_load %arg6[%swap3A_430, %swap3A_431] {strides = array<i32>} : memref<16x16xi32, #tpu.memory_space<vmem>>, vector<1x16xi32>,
    %swap3A_433 = vector.shape_cast %swap3A_432 : vector<1x16xi32> to vector<16xi32>
    %swap3A_434 = vector.shape_cast %add3A_428 : vector<16xi32> to vector<1x16xi32>
    tpu.vector_store %arg6[%swap3A_430, %swap3A_431], %swap3A_434 {strides = array<i32>} : memref<16x16xi32, #tpu.memory_space<vmem>>, vector<1x16xi32>,
    %dma_wait3A_435 = arith.constant 0 : i32
    %dma_wait3A_436 = arith.constant 0 : i32
    %dma_wait3A_437 = arith.constant 0 : i32
    %dma_wait3A_438 = arith.constant 0 : i32
    %dma_wait3A_439 = tpu.memref_slice %arg7[%dma_wait3A_436, %dma_wait3A_437, %dma_wait3A_438] : memref<3x16x2048xf32, #tpu.memory_space<vmem>> -> memref<1x16x2048xf32, #tpu.memory_space<vmem>>
    %dma_wait3A_440 = tpu.memref_squeeze %dma_wait3A_439 : memref<1x16x2048xf32, #tpu.memory_space<vmem>> -> memref<16x2048xf32, #tpu.memory_space<vmem>>
    %dma_wait3A_441 = arith.constant 0 : i32
    %dma_wait3A_442 = tpu.memref_slice %arg6[%dma_wait3A_435, %dma_wait3A_441] : memref<16x16xi32, #tpu.memory_space<vmem>> -> memref<1x16xi32, #tpu.memory_space<vmem>>
    %dma_wait3A_443 = tpu.memref_squeeze %dma_wait3A_442 : memref<1x16xi32, #tpu.memory_space<vmem>> -> memref<16xi32, #tpu.memory_space<vmem>>
    %dma_wait3A_444 = arith.constant 0 : i32
    %dma_wait3A_445 = arith.constant 0 : i32
    %dma_wait3A_446 = tpu.memref_slice %arg3[%dma_wait3A_444, %dma_wait3A_445] : memref<65632x2048xf32, #tpu.memory_space<hbm>> -> memref<65632x2048xf32, #tpu.memory_space<hbm>>
    tpu.wait_indirect_dma semaphore(%arg8 : memref<!tpu.dma_semaphore, #tpu.memory_space<semaphore_mem>>) src(%dma_wait3A_446 : memref<65632x2048xf32, #tpu.memory_space<hbm>>) dst(%dma_wait3A_440 : memref<16x2048xf32, #tpu.memory_space<vmem>>)
    %add3A_447 = arith.constant 0 : i32
    %add3A_448 = arith.addi %mul3A_2, %add3A_447 : i32
    %dma_start3A_449 = arith.constant 0 : i32
    %dma_start3A_450 = arith.constant 0 : i32
    %dma_start3A_451 = arith.constant 0 : i32
    %dma_start3A_452 = tpu.memref_slice %arg7[%dma_start3A_449, %dma_start3A_450, %dma_start3A_451] : memref<3x16x2048xf32, #tpu.memory_space<vmem>> -> memref<1x16x2048xf32, #tpu.memory_space<vmem>>
    %dma_start3A_453 = tpu.memref_squeeze %dma_start3A_452 : memref<1x16x2048xf32, #tpu.memory_space<vmem>> -> memref<16x2048xf32, #tpu.memory_space<vmem>>
    %dma_start3A_454 = arith.constant 0 : i32
    %dma_start3A_455 = tpu.memref_slice %arg4[%add3A_448, %dma_start3A_454] : memref<8192x2048xf32, #tpu.memory_space<hbm>> -> memref<16x2048xf32, #tpu.memory_space<hbm>>
    %dma_start3A_456 = arith.constant 0 : i32
    %dma_start3A_457 = tpu.memref_slice %arg4[%add3A_448, %dma_start3A_456] : memref<8192x2048xf32, #tpu.memory_space<hbm>> -> memref<16x2048xf32, #tpu.memory_space<hbm>>
    %dma_start3A_458 = arith.constant 0 : i32
    %dma_start3A_459 = arith.constant 0 : i32
    %dma_start3A_460 = tpu.memref_slice %arg7[%dma_start3A_449, %dma_start3A_458, %dma_start3A_459] : memref<3x16x2048xf32, #tpu.memory_space<vmem>> -> memref<1x16x2048xf32, #tpu.memory_space<vmem>>
    %dma_start3A_461 = tpu.memref_squeeze %dma_start3A_460 : memref<1x16x2048xf32, #tpu.memory_space<vmem>> -> memref<16x2048xf32, #tpu.memory_space<vmem>>
    tpu.enqueue_dma source(%dma_start3A_461 : memref<16x2048xf32, #tpu.memory_space<vmem>>) target(%dma_start3A_457 : memref<16x2048xf32, #tpu.memory_space<hbm>>) target_semaphore(%arg11 : memref<!tpu.dma_semaphore, #tpu.memory_space<semaphore_mem>>)
    %dma_wait3A_462 = arith.constant 0 : i32
    %dma_wait3A_463 = arith.constant 0 : i32
    %dma_wait3A_464 = arith.constant 0 : i32
    %dma_wait3A_465 = tpu.memref_slice %arg7[%dma_wait3A_462, %dma_wait3A_463, %dma_wait3A_464] : memref<3x16x2048xf32, #tpu.memory_space<vmem>> -> memref<1x16x2048xf32, #tpu.memory_space<vmem>>
    %dma_wait3A_466 = tpu.memref_squeeze %dma_wait3A_465 : memref<1x16x2048xf32, #tpu.memory_space<vmem>> -> memref<16x2048xf32, #tpu.memory_space<vmem>>
    %dma_wait3A_467 = arith.constant 0 : i32
    %dma_wait3A_468 = tpu.memref_slice %arg4[%add3A_448, %dma_wait3A_467] : memref<8192x2048xf32, #tpu.memory_space<hbm>> -> memref<16x2048xf32, #tpu.memory_space<hbm>>
    %dma_wait3A_469 = arith.constant 0 : i32
    %dma_wait3A_470 = tpu.memref_slice %arg4[%add3A_448, %dma_wait3A_469] : memref<8192x2048xf32, #tpu.memory_space<hbm>> -> memref<16x2048xf32, #tpu.memory_space<hbm>>
    %dma_wait3A_471 = arith.constant 0 : i32
    %dma_wait3A_472 = arith.constant 0 : i32
    %dma_wait3A_473 = tpu.memref_slice %arg7[%dma_wait3A_462, %dma_wait3A_471, %dma_wait3A_472] : memref<3x16x2048xf32, #tpu.memory_space<vmem>> -> memref<1x16x2048xf32, #tpu.memory_space<vmem>>
    %dma_wait3A_474 = tpu.memref_squeeze %dma_wait3A_473 : memref<1x16x2048xf32, #tpu.memory_space<vmem>> -> memref<16x2048xf32, #tpu.memory_space<vmem>>
    tpu.wait_dma2 semaphore(%arg11 : memref<!tpu.dma_semaphore, #tpu.memory_space<semaphore_mem>>) src(%dma_wait3A_474 : memref<16x2048xf32, #tpu.memory_space<vmem>>) dst(%dma_wait3A_470 : memref<16x2048xf32, #tpu.memory_space<hbm>>)
    %dma_start3A_475 = arith.constant 3 : i32
    %dma_start3A_476 = arith.constant 0 : i32
    %dma_start3A_477 = arith.constant 0 : i32
    %dma_start3A_478 = arith.constant 0 : i32
    %dma_start3A_479 = tpu.memref_slice %arg7[%dma_start3A_476, %dma_start3A_477, %dma_start3A_478] : memref<3x16x2048xf32, #tpu.memory_space<vmem>> -> memref<1x16x2048xf32, #tpu.memory_space<vmem>>
    %dma_start3A_480 = tpu.memref_squeeze %dma_start3A_479 : memref<1x16x2048xf32, #tpu.memory_space<vmem>> -> memref<16x2048xf32, #tpu.memory_space<vmem>>
    %dma_start3A_481 = arith.constant 0 : i32
    %dma_start3A_482 = tpu.memref_slice %arg6[%dma_start3A_475, %dma_start3A_481] : memref<16x16xi32, #tpu.memory_space<vmem>> -> memref<1x16xi32, #tpu.memory_space<vmem>>
    %dma_start3A_483 = tpu.memref_squeeze %dma_start3A_482 : memref<1x16xi32, #tpu.memory_space<vmem>> -> memref<16xi32, #tpu.memory_space<vmem>>
    %dma_start3A_484 = arith.constant 0 : i32
    %dma_start3A_485 = arith.constant 0 : i32
    %dma_start3A_486 = tpu.memref_slice %arg3[%dma_start3A_484, %dma_start3A_485] : memref<65632x2048xf32, #tpu.memory_space<hbm>> -> memref<65632x2048xf32, #tpu.memory_space<hbm>>
    tpu.enqueue_indirect_dma source(%dma_start3A_486 : memref<65632x2048xf32, #tpu.memory_space<hbm>>) target(%dma_start3A_480 : memref<16x2048xf32, #tpu.memory_space<vmem>>) offsets(%dma_start3A_483 : memref<16xi32, #tpu.memory_space<vmem>>) semaphore(%arg8 : memref<!tpu.dma_semaphore, #tpu.memory_space<semaphore_mem>>)
    %dma_wait3A_487 = arith.constant 1 : i32
    %dma_wait3A_488 = arith.constant 1 : i32
    %dma_wait3A_489 = arith.constant 0 : i32
    %dma_wait3A_490 = arith.constant 0 : i32
    %dma_wait3A_491 = tpu.memref_slice %arg7[%dma_wait3A_488, %dma_wait3A_489, %dma_wait3A_490] : memref<3x16x2048xf32, #tpu.memory_space<vmem>> -> memref<1x16x2048xf32, #tpu.memory_space<vmem>>
    %dma_wait3A_492 = tpu.memref_squeeze %dma_wait3A_491 : memref<1x16x2048xf32, #tpu.memory_space<vmem>> -> memref<16x2048xf32, #tpu.memory_space<vmem>>
    %dma_wait3A_493 = arith.constant 0 : i32
    %dma_wait3A_494 = tpu.memref_slice %arg6[%dma_wait3A_487, %dma_wait3A_493] : memref<16x16xi32, #tpu.memory_space<vmem>> -> memref<1x16xi32, #tpu.memory_space<vmem>>
    %dma_wait3A_495 = tpu.memref_squeeze %dma_wait3A_494 : memref<1x16xi32, #tpu.memory_space<vmem>> -> memref<16xi32, #tpu.memory_space<vmem>>
    %dma_wait3A_496 = arith.constant 0 : i32
    %dma_wait3A_497 = arith.constant 0 : i32
    %dma_wait3A_498 = tpu.memref_slice %arg3[%dma_wait3A_496, %dma_wait3A_497] : memref<65632x2048xf32, #tpu.memory_space<hbm>> -> memref<65632x2048xf32, #tpu.memory_space<hbm>>
    tpu.wait_indirect_dma semaphore(%arg9 : memref<!tpu.dma_semaphore, #tpu.memory_space<semaphore_mem>>) src(%dma_wait3A_498 : memref<65632x2048xf32, #tpu.memory_space<hbm>>) dst(%dma_wait3A_492 : memref<16x2048xf32, #tpu.memory_space<vmem>>)
    %add3A_499 = arith.constant 16 : i32
    %add3A_500 = arith.addi %mul3A_2, %add3A_499 : i32
    %dma_start3A_501 = arith.constant 1 : i32
    %dma_start3A_502 = arith.constant 0 : i32
    %dma_start3A_503 = arith.constant 0 : i32
    %dma_start3A_504 = tpu.memref_slice %arg7[%dma_start3A_501, %dma_start3A_502, %dma_start3A_503] : memref<3x16x2048xf32, #tpu.memory_space<vmem>> -> memref<1x16x2048xf32, #tpu.memory_space<vmem>>
    %dma_start3A_505 = tpu.memref_squeeze %dma_start3A_504 : memref<1x16x2048xf32, #tpu.memory_space<vmem>> -> memref<16x2048xf32, #tpu.memory_space<vmem>>
    %dma_start3A_506 = arith.constant 0 : i32
    %dma_start3A_507 = tpu.memref_slice %arg4[%add3A_500, %dma_start3A_506] : memref<8192x2048xf32, #tpu.memory_space<hbm>> -> memref<16x2048xf32, #tpu.memory_space<hbm>>
    %dma_start3A_508 = arith.constant 0 : i32
    %dma_start3A_509 = tpu.memref_slice %arg4[%add3A_500, %dma_start3A_508] : memref<8192x2048xf32, #tpu.memory_space<hbm>> -> memref<16x2048xf32, #tpu.memory_space<hbm>>
    %dma_start3A_510 = arith.constant 0 : i32
    %dma_start3A_511 = arith.constant 0 : i32
    %dma_start3A_512 = tpu.memref_slice %arg7[%dma_start3A_501, %dma_start3A_510, %dma_start3A_511] : memref<3x16x2048xf32, #tpu.memory_space<vmem>> -> memref<1x16x2048xf32, #tpu.memory_space<vmem>>
    %dma_start3A_513 = tpu.memref_squeeze %dma_start3A_512 : memref<1x16x2048xf32, #tpu.memory_space<vmem>> -> memref<16x2048xf32, #tpu.memory_space<vmem>>
    tpu.enqueue_dma source(%dma_start3A_513 : memref<16x2048xf32, #tpu.memory_space<vmem>>) target(%dma_start3A_509 : memref<16x2048xf32, #tpu.memory_space<hbm>>) target_semaphore(%arg12 : memref<!tpu.dma_semaphore, #tpu.memory_space<semaphore_mem>>)
    %dma_wait3A_514 = arith.constant 1 : i32
    %dma_wait3A_515 = arith.constant 0 : i32
    %dma_wait3A_516 = arith.constant 0 : i32
    %dma_wait3A_517 = tpu.memref_slice %arg7[%dma_wait3A_514, %dma_wait3A_515, %dma_wait3A_516] : memref<3x16x2048xf32, #tpu.memory_space<vmem>> -> memref<1x16x2048xf32, #tpu.memory_space<vmem>>
    %dma_wait3A_518 = tpu.memref_squeeze %dma_wait3A_517 : memref<1x16x2048xf32, #tpu.memory_space<vmem>> -> memref<16x2048xf32, #tpu.memory_space<vmem>>
    %dma_wait3A_519 = arith.constant 0 : i32
    %dma_wait3A_520 = tpu.memref_slice %arg4[%add3A_500, %dma_wait3A_519] : memref<8192x2048xf32, #tpu.memory_space<hbm>> -> memref<16x2048xf32, #tpu.memory_space<hbm>>
    %dma_wait3A_521 = arith.constant 0 : i32
    %dma_wait3A_522 = tpu.memref_slice %arg4[%add3A_500, %dma_wait3A_521] : memref<8192x2048xf32, #tpu.memory_space<hbm>> -> memref<16x2048xf32, #tpu.memory_space<hbm>>
    %dma_wait3A_523 = arith.constant 0 : i32
    %dma_wait3A_524 = arith.constant 0 : i32
    %dma_wait3A_525 = tpu.memref_slice %arg7[%dma_wait3A_514, %dma_wait3A_523, %dma_wait3A_524] : memref<3x16x2048xf32, #tpu.memory_space<vmem>> -> memref<1x16x2048xf32, #tpu.memory_space<vmem>>
    %dma_wait3A_526 = tpu.memref_squeeze %dma_wait3A_525 : memref<1x16x2048xf32, #tpu.memory_space<vmem>> -> memref<16x2048xf32, #tpu.memory_space<vmem>>
    tpu.wait_dma2 semaphore(%arg12 : memref<!tpu.dma_semaphore, #tpu.memory_space<semaphore_mem>>) src(%dma_wait3A_526 : memref<16x2048xf32, #tpu.memory_space<vmem>>) dst(%dma_wait3A_522 : memref<16x2048xf32, #tpu.memory_space<hbm>>)
    %dma_start3A_527 = arith.constant 4 : i32
    %dma_start3A_528 = arith.constant 1 : i32
    %dma_start3A_529 = arith.constant 0 : i32
    %dma_start3A_530 = arith.constant 0 : i32
    %dma_start3A_531 = tpu.memref_slice %arg7[%dma_start3A_528, %dma_start3A_529, %dma_start3A_530] : memref<3x16x2048xf32, #tpu.memory_space<vmem>> -> memref<1x16x2048xf32, #tpu.memory_space<vmem>>
    %dma_start3A_532 = tpu.memref_squeeze %dma_start3A_531 : memref<1x16x2048xf32, #tpu.memory_space<vmem>> -> memref<16x2048xf32, #tpu.memory_space<vmem>>
    %dma_start3A_533 = arith.constant 0 : i32
    %dma_start3A_534 = tpu.memref_slice %arg6[%dma_start3A_527, %dma_start3A_533] : memref<16x16xi32, #tpu.memory_space<vmem>> -> memref<1x16xi32, #tpu.memory_space<vmem>>
    %dma_start3A_535 = tpu.memref_squeeze %dma_start3A_534 : memref<1x16xi32, #tpu.memory_space<vmem>> -> memref<16xi32, #tpu.memory_space<vmem>>
    %dma_start3A_536 = arith.constant 0 : i32
    %dma_start3A_537 = arith.constant 0 : i32
    %dma_start3A_538 = tpu.memref_slice %arg3[%dma_start3A_536, %dma_start3A_537] : memref<65632x2048xf32, #tpu.memory_space<hbm>> -> memref<65632x2048xf32, #tpu.memory_space<hbm>>
    tpu.enqueue_indirect_dma source(%dma_start3A_538 : memref<65632x2048xf32, #tpu.memory_space<hbm>>) target(%dma_start3A_532 : memref<16x2048xf32, #tpu.memory_space<vmem>>) offsets(%dma_start3A_535 : memref<16xi32, #tpu.memory_space<vmem>>) semaphore(%arg9 : memref<!tpu.dma_semaphore, #tpu.memory_space<semaphore_mem>>)
    %dma_wait3A_539 = arith.constant 2 : i32
    %dma_wait3A_540 = arith.constant 2 : i32
    %dma_wait3A_541 = arith.constant 0 : i32
    %dma_wait3A_542 = arith.constant 0 : i32
    %dma_wait3A_543 = tpu.memref_slice %arg7[%dma_wait3A_540, %dma_wait3A_541, %dma_wait3A_542] : memref<3x16x2048xf32, #tpu.memory_space<vmem>> -> memref<1x16x2048xf32, #tpu.memory_space<vmem>>
    %dma_wait3A_544 = tpu.memref_squeeze %dma_wait3A_543 : memref<1x16x2048xf32, #tpu.memory_space<vmem>> -> memref<16x2048xf32, #tpu.memory_space<vmem>>
    %dma_wait3A_545 = arith.constant 0 : i32
    %dma_wait3A_546 = tpu.memref_slice %arg6[%dma_wait3A_539, %dma_wait3A_545] : memref<16x16xi32, #tpu.memory_space<vmem>> -> memref<1x16xi32, #tpu.memory_space<vmem>>
    %dma_wait3A_547 = tpu.memref_squeeze %dma_wait3A_546 : memref<1x16xi32, #tpu.memory_space<vmem>> -> memref<16xi32, #tpu.memory_space<vmem>>
    %dma_wait3A_548 = arith.constant 0 : i32
    %dma_wait3A_549 = arith.constant 0 : i32
    %dma_wait3A_550 = tpu.memref_slice %arg3[%dma_wait3A_548, %dma_wait3A_549] : memref<65632x2048xf32, #tpu.memory_space<hbm>> -> memref<65632x2048xf32, #tpu.memory_space<hbm>>
    tpu.wait_indirect_dma semaphore(%arg10 : memref<!tpu.dma_semaphore, #tpu.memory_space<semaphore_mem>>) src(%dma_wait3A_550 : memref<65632x2048xf32, #tpu.memory_space<hbm>>) dst(%dma_wait3A_544 : memref<16x2048xf32, #tpu.memory_space<vmem>>)
    %add3A_551 = arith.constant 32 : i32
    %add3A_552 = arith.addi %mul3A_2, %add3A_551 : i32
    %dma_start3A_553 = arith.constant 2 : i32
    %dma_start3A_554 = arith.constant 0 : i32
    %dma_start3A_555 = arith.constant 0 : i32
    %dma_start3A_556 = tpu.memref_slice %arg7[%dma_start3A_553, %dma_start3A_554, %dma_start3A_555] : memref<3x16x2048xf32, #tpu.memory_space<vmem>> -> memref<1x16x2048xf32, #tpu.memory_space<vmem>>
    %dma_start3A_557 = tpu.memref_squeeze %dma_start3A_556 : memref<1x16x2048xf32, #tpu.memory_space<vmem>> -> memref<16x2048xf32, #tpu.memory_space<vmem>>
    %dma_start3A_558 = arith.constant 0 : i32
    %dma_start3A_559 = tpu.memref_slice %arg4[%add3A_552, %dma_start3A_558] : memref<8192x2048xf32, #tpu.memory_space<hbm>> -> memref<16x2048xf32, #tpu.memory_space<hbm>>
    %dma_start3A_560 = arith.constant 0 : i32
    %dma_start3A_561 = tpu.memref_slice %arg4[%add3A_552, %dma_start3A_560] : memref<8192x2048xf32, #tpu.memory_space<hbm>> -> memref<16x2048xf32, #tpu.memory_space<hbm>>
    %dma_start3A_562 = arith.constant 0 : i32
    %dma_start3A_563 = arith.constant 0 : i32
    %dma_start3A_564 = tpu.memref_slice %arg7[%dma_start3A_553, %dma_start3A_562, %dma_start3A_563] : memref<3x16x2048xf32, #tpu.memory_space<vmem>> -> memref<1x16x2048xf32, #tpu.memory_space<vmem>>
    %dma_start3A_565 = tpu.memref_squeeze %dma_start3A_564 : memref<1x16x2048xf32, #tpu.memory_space<vmem>> -> memref<16x2048xf32, #tpu.memory_space<vmem>>
    tpu.enqueue_dma source(%dma_start3A_565 : memref<16x2048xf32, #tpu.memory_space<vmem>>) target(%dma_start3A_561 : memref<16x2048xf32, #tpu.memory_space<hbm>>) target_semaphore(%arg13 : memref<!tpu.dma_semaphore, #tpu.memory_space<semaphore_mem>>)
    %dma_wait3A_566 = arith.constant 2 : i32
    %dma_wait3A_567 = arith.constant 0 : i32
    %dma_wait3A_568 = arith.constant 0 : i32
    %dma_wait3A_569 = tpu.memref_slice %arg7[%dma_wait3A_566, %dma_wait3A_567, %dma_wait3A_568] : memref<3x16x2048xf32, #tpu.memory_space<vmem>> -> memref<1x16x2048xf32, #tpu.memory_space<vmem>>
    %dma_wait3A_570 = tpu.memref_squeeze %dma_wait3A_569 : memref<1x16x2048xf32, #tpu.memory_space<vmem>> -> memref<16x2048xf32, #tpu.memory_space<vmem>>
    %dma_wait3A_571 = arith.constant 0 : i32
    %dma_wait3A_572 = tpu.memref_slice %arg4[%add3A_552, %dma_wait3A_571] : memref<8192x2048xf32, #tpu.memory_space<hbm>> -> memref<16x2048xf32, #tpu.memory_space<hbm>>
    %dma_wait3A_573 = arith.constant 0 : i32
    %dma_wait3A_574 = tpu.memref_slice %arg4[%add3A_552, %dma_wait3A_573] : memref<8192x2048xf32, #tpu.memory_space<hbm>> -> memref<16x2048xf32, #tpu.memory_space<hbm>>
    %dma_wait3A_575 = arith.constant 0 : i32
    %dma_wait3A_576 = arith.constant 0 : i32
    %dma_wait3A_577 = tpu.memref_slice %arg7[%dma_wait3A_566, %dma_wait3A_575, %dma_wait3A_576] : memref<3x16x2048xf32, #tpu.memory_space<vmem>> -> memref<1x16x2048xf32, #tpu.memory_space<vmem>>
    %dma_wait3A_578 = tpu.memref_squeeze %dma_wait3A_577 : memref<1x16x2048xf32, #tpu.memory_space<vmem>> -> memref<16x2048xf32, #tpu.memory_space<vmem>>
    tpu.wait_dma2 semaphore(%arg13 : memref<!tpu.dma_semaphore, #tpu.memory_space<semaphore_mem>>) src(%dma_wait3A_578 : memref<16x2048xf32, #tpu.memory_space<vmem>>) dst(%dma_wait3A_574 : memref<16x2048xf32, #tpu.memory_space<hbm>>)
    %dma_start3A_579 = arith.constant 5 : i32
    %dma_start3A_580 = arith.constant 2 : i32
    %dma_start3A_581 = arith.constant 0 : i32
    %dma_start3A_582 = arith.constant 0 : i32
    %dma_start3A_583 = tpu.memref_slice %arg7[%dma_start3A_580, %dma_start3A_581, %dma_start3A_582] : memref<3x16x2048xf32, #tpu.memory_space<vmem>> -> memref<1x16x2048xf32, #tpu.memory_space<vmem>>
    %dma_start3A_584 = tpu.memref_squeeze %dma_start3A_583 : memref<1x16x2048xf32, #tpu.memory_space<vmem>> -> memref<16x2048xf32, #tpu.memory_space<vmem>>
    %dma_start3A_585 = arith.constant 0 : i32
    %dma_start3A_586 = tpu.memref_slice %arg6[%dma_start3A_579, %dma_start3A_585] : memref<16x16xi32, #tpu.memory_space<vmem>> -> memref<1x16xi32, #tpu.memory_space<vmem>>
    %dma_start3A_587 = tpu.memref_squeeze %dma_start3A_586 : memref<1x16xi32, #tpu.memory_space<vmem>> -> memref<16xi32, #tpu.memory_space<vmem>>
    %dma_start3A_588 = arith.constant 0 : i32
    %dma_start3A_589 = arith.constant 0 : i32
    %dma_start3A_590 = tpu.memref_slice %arg3[%dma_start3A_588, %dma_start3A_589] : memref<65632x2048xf32, #tpu.memory_space<hbm>> -> memref<65632x2048xf32, #tpu.memory_space<hbm>>
    tpu.enqueue_indirect_dma source(%dma_start3A_590 : memref<65632x2048xf32, #tpu.memory_space<hbm>>) target(%dma_start3A_584 : memref<16x2048xf32, #tpu.memory_space<vmem>>) offsets(%dma_start3A_587 : memref<16xi32, #tpu.memory_space<vmem>>) semaphore(%arg10 : memref<!tpu.dma_semaphore, #tpu.memory_space<semaphore_mem>>)
    %dma_wait3A_591 = arith.constant 3 : i32
    %dma_wait3A_592 = arith.constant 0 : i32
    %dma_wait3A_593 = arith.constant 0 : i32
    %dma_wait3A_594 = arith.constant 0 : i32
    %dma_wait3A_595 = tpu.memref_slice %arg7[%dma_wait3A_592, %dma_wait3A_593, %dma_wait3A_594] : memref<3x16x2048xf32, #tpu.memory_space<vmem>> -> memref<1x16x2048xf32, #tpu.memory_space<vmem>>
    %dma_wait3A_596 = tpu.memref_squeeze %dma_wait3A_595 : memref<1x16x2048xf32, #tpu.memory_space<vmem>> -> memref<16x2048xf32, #tpu.memory_space<vmem>>
    %dma_wait3A_597 = arith.constant 0 : i32
    %dma_wait3A_598 = tpu.memref_slice %arg6[%dma_wait3A_591, %dma_wait3A_597] : memref<16x16xi32, #tpu.memory_space<vmem>> -> memref<1x16xi32, #tpu.memory_space<vmem>>
    %dma_wait3A_599 = tpu.memref_squeeze %dma_wait3A_598 : memref<1x16xi32, #tpu.memory_space<vmem>> -> memref<16xi32, #tpu.memory_space<vmem>>
    %dma_wait3A_600 = arith.constant 0 : i32
    %dma_wait3A_601 = arith.constant 0 : i32
    %dma_wait3A_602 = tpu.memref_slice %arg3[%dma_wait3A_600, %dma_wait3A_601] : memref<65632x2048xf32, #tpu.memory_space<hbm>> -> memref<65632x2048xf32, #tpu.memory_space<hbm>>
    tpu.wait_indirect_dma semaphore(%arg8 : memref<!tpu.dma_semaphore, #tpu.memory_space<semaphore_mem>>) src(%dma_wait3A_602 : memref<65632x2048xf32, #tpu.memory_space<hbm>>) dst(%dma_wait3A_596 : memref<16x2048xf32, #tpu.memory_space<vmem>>)
    %add3A_603 = arith.constant 48 : i32
    %add3A_604 = arith.addi %mul3A_2, %add3A_603 : i32
    %dma_start3A_605 = arith.constant 0 : i32
    %dma_start3A_606 = arith.constant 0 : i32
    %dma_start3A_607 = arith.constant 0 : i32
    %dma_start3A_608 = tpu.memref_slice %arg7[%dma_start3A_605, %dma_start3A_606, %dma_start3A_607] : memref<3x16x2048xf32, #tpu.memory_space<vmem>> -> memref<1x16x2048xf32, #tpu.memory_space<vmem>>
    %dma_start3A_609 = tpu.memref_squeeze %dma_start3A_608 : memref<1x16x2048xf32, #tpu.memory_space<vmem>> -> memref<16x2048xf32, #tpu.memory_space<vmem>>
    %dma_start3A_610 = arith.constant 0 : i32
    %dma_start3A_611 = tpu.memref_slice %arg4[%add3A_604, %dma_start3A_610] : memref<8192x2048xf32, #tpu.memory_space<hbm>> -> memref<16x2048xf32, #tpu.memory_space<hbm>>
    %dma_start3A_612 = arith.constant 0 : i32
    %dma_start3A_613 = tpu.memref_slice %arg4[%add3A_604, %dma_start3A_612] : memref<8192x2048xf32, #tpu.memory_space<hbm>> -> memref<16x2048xf32, #tpu.memory_space<hbm>>
    %dma_start3A_614 = arith.constant 0 : i32
    %dma_start3A_615 = arith.constant 0 : i32
    %dma_start3A_616 = tpu.memref_slice %arg7[%dma_start3A_605, %dma_start3A_614, %dma_start3A_615] : memref<3x16x2048xf32, #tpu.memory_space<vmem>> -> memref<1x16x2048xf32, #tpu.memory_space<vmem>>
    %dma_start3A_617 = tpu.memref_squeeze %dma_start3A_616 : memref<1x16x2048xf32, #tpu.memory_space<vmem>> -> memref<16x2048xf32, #tpu.memory_space<vmem>>
    tpu.enqueue_dma source(%dma_start3A_617 : memref<16x2048xf32, #tpu.memory_space<vmem>>) target(%dma_start3A_613 : memref<16x2048xf32, #tpu.memory_space<hbm>>) target_semaphore(%arg11 : memref<!tpu.dma_semaphore, #tpu.memory_space<semaphore_mem>>)
    %dma_wait3A_618 = arith.constant 0 : i32
    %dma_wait3A_619 = arith.constant 0 : i32
    %dma_wait3A_620 = arith.constant 0 : i32
    %dma_wait3A_621 = tpu.memref_slice %arg7[%dma_wait3A_618, %dma_wait3A_619, %dma_wait3A_620] : memref<3x16x2048xf32, #tpu.memory_space<vmem>> -> memref<1x16x2048xf32, #tpu.memory_space<vmem>>
    %dma_wait3A_622 = tpu.memref_squeeze %dma_wait3A_621 : memref<1x16x2048xf32, #tpu.memory_space<vmem>> -> memref<16x2048xf32, #tpu.memory_space<vmem>>
    %dma_wait3A_623 = arith.constant 0 : i32
    %dma_wait3A_624 = tpu.memref_slice %arg4[%add3A_604, %dma_wait3A_623] : memref<8192x2048xf32, #tpu.memory_space<hbm>> -> memref<16x2048xf32, #tpu.memory_space<hbm>>
    %dma_wait3A_625 = arith.constant 0 : i32
    %dma_wait3A_626 = tpu.memref_slice %arg4[%add3A_604, %dma_wait3A_625] : memref<8192x2048xf32, #tpu.memory_space<hbm>> -> memref<16x2048xf32, #tpu.memory_space<hbm>>
    %dma_wait3A_627 = arith.constant 0 : i32
    %dma_wait3A_628 = arith.constant 0 : i32
    %dma_wait3A_629 = tpu.memref_slice %arg7[%dma_wait3A_618, %dma_wait3A_627, %dma_wait3A_628] : memref<3x16x2048xf32, #tpu.memory_space<vmem>> -> memref<1x16x2048xf32, #tpu.memory_space<vmem>>
    %dma_wait3A_630 = tpu.memref_squeeze %dma_wait3A_629 : memref<1x16x2048xf32, #tpu.memory_space<vmem>> -> memref<16x2048xf32, #tpu.memory_space<vmem>>
    tpu.wait_dma2 semaphore(%arg11 : memref<!tpu.dma_semaphore, #tpu.memory_space<semaphore_mem>>) src(%dma_wait3A_630 : memref<16x2048xf32, #tpu.memory_space<vmem>>) dst(%dma_wait3A_626 : memref<16x2048xf32, #tpu.memory_space<hbm>>)
    %dma_start3A_631 = arith.constant 6 : i32
    %dma_start3A_632 = arith.constant 0 : i32
    %dma_start3A_633 = arith.constant 0 : i32
    %dma_start3A_634 = arith.constant 0 : i32
    %dma_start3A_635 = tpu.memref_slice %arg7[%dma_start3A_632, %dma_start3A_633, %dma_start3A_634] : memref<3x16x2048xf32, #tpu.memory_space<vmem>> -> memref<1x16x2048xf32, #tpu.memory_space<vmem>>
    %dma_start3A_636 = tpu.memref_squeeze %dma_start3A_635 : memref<1x16x2048xf32, #tpu.memory_space<vmem>> -> memref<16x2048xf32, #tpu.memory_space<vmem>>
    %dma_start3A_637 = arith.constant 0 : i32
    %dma_start3A_638 = tpu.memref_slice %arg6[%dma_start3A_631, %dma_start3A_637] : memref<16x16xi32, #tpu.memory_space<vmem>> -> memref<1x16xi32, #tpu.memory_space<vmem>>
    %dma_start3A_639 = tpu.memref_squeeze %dma_start3A_638 : memref<1x16xi32, #tpu.memory_space<vmem>> -> memref<16xi32, #tpu.memory_space<vmem>>
    %dma_start3A_640 = arith.constant 0 : i32
    %dma_start3A_641 = arith.constant 0 : i32
    %dma_start3A_642 = tpu.memref_slice %arg3[%dma_start3A_640, %dma_start3A_641] : memref<65632x2048xf32, #tpu.memory_space<hbm>> -> memref<65632x2048xf32, #tpu.memory_space<hbm>>
    tpu.enqueue_indirect_dma source(%dma_start3A_642 : memref<65632x2048xf32, #tpu.memory_space<hbm>>) target(%dma_start3A_636 : memref<16x2048xf32, #tpu.memory_space<vmem>>) offsets(%dma_start3A_639 : memref<16xi32, #tpu.memory_space<vmem>>) semaphore(%arg8 : memref<!tpu.dma_semaphore, #tpu.memory_space<semaphore_mem>>)
    %dma_wait3A_643 = arith.constant 4 : i32
    %dma_wait3A_644 = arith.constant 1 : i32
    %dma_wait3A_645 = arith.constant 0 : i32
    %dma_wait3A_646 = arith.constant 0 : i32
    %dma_wait3A_647 = tpu.memref_slice %arg7[%dma_wait3A_644, %dma_wait3A_645, %dma_wait3A_646] : memref<3x16x2048xf32, #tpu.memory_space<vmem>> -> memref<1x16x2048xf32, #tpu.memory_space<vmem>>
    %dma_wait3A_648 = tpu.memref_squeeze %dma_wait3A_647 : memref<1x16x2048xf32, #tpu.memory_space<vmem>> -> memref<16x2048xf32, #tpu.memory_space<vmem>>
    %dma_wait3A_649 = arith.constant 0 : i32
    %dma_wait3A_650 = tpu.memref_slice %arg6[%dma_wait3A_643, %dma_wait3A_649] : memref<16x16xi32, #tpu.memory_space<vmem>> -> memref<1x16xi32, #tpu.memory_space<vmem>>
    %dma_wait3A_651 = tpu.memref_squeeze %dma_wait3A_650 : memref<1x16xi32, #tpu.memory_space<vmem>> -> memref<16xi32, #tpu.memory_space<vmem>>
    %dma_wait3A_652 = arith.constant 0 : i32
    %dma_wait3A_653 = arith.constant 0 : i32
    %dma_wait3A_654 = tpu.memref_slice %arg3[%dma_wait3A_652, %dma_wait3A_653] : memref<65632x2048xf32, #tpu.memory_space<hbm>> -> memref<65632x2048xf32, #tpu.memory_space<hbm>>
    tpu.wait_indirect_dma semaphore(%arg9 : memref<!tpu.dma_semaphore, #tpu.memory_space<semaphore_mem>>) src(%dma_wait3A_654 : memref<65632x2048xf32, #tpu.memory_space<hbm>>) dst(%dma_wait3A_648 : memref<16x2048xf32, #tpu.memory_space<vmem>>)
    %add3A_655 = arith.constant 64 : i32
    %add3A_656 = arith.addi %mul3A_2, %add3A_655 : i32
    %dma_start3A_657 = arith.constant 1 : i32
    %dma_start3A_658 = arith.constant 0 : i32
    %dma_start3A_659 = arith.constant 0 : i32
    %dma_start3A_660 = tpu.memref_slice %arg7[%dma_start3A_657, %dma_start3A_658, %dma_start3A_659] : memref<3x16x2048xf32, #tpu.memory_space<vmem>> -> memref<1x16x2048xf32, #tpu.memory_space<vmem>>
    %dma_start3A_661 = tpu.memref_squeeze %dma_start3A_660 : memref<1x16x2048xf32, #tpu.memory_space<vmem>> -> memref<16x2048xf32, #tpu.memory_space<vmem>>
    %dma_start3A_662 = arith.constant 0 : i32
    %dma_start3A_663 = tpu.memref_slice %arg4[%add3A_656, %dma_start3A_662] : memref<8192x2048xf32, #tpu.memory_space<hbm>> -> memref<16x2048xf32, #tpu.memory_space<hbm>>
    %dma_start3A_664 = arith.constant 0 : i32
    %dma_start3A_665 = tpu.memref_slice %arg4[%add3A_656, %dma_start3A_664] : memref<8192x2048xf32, #tpu.memory_space<hbm>> -> memref<16x2048xf32, #tpu.memory_space<hbm>>
    %dma_start3A_666 = arith.constant 0 : i32
    %dma_start3A_667 = arith.constant 0 : i32
    %dma_start3A_668 = tpu.memref_slice %arg7[%dma_start3A_657, %dma_start3A_666, %dma_start3A_667] : memref<3x16x2048xf32, #tpu.memory_space<vmem>> -> memref<1x16x2048xf32, #tpu.memory_space<vmem>>
    %dma_start3A_669 = tpu.memref_squeeze %dma_start3A_668 : memref<1x16x2048xf32, #tpu.memory_space<vmem>> -> memref<16x2048xf32, #tpu.memory_space<vmem>>
    tpu.enqueue_dma source(%dma_start3A_669 : memref<16x2048xf32, #tpu.memory_space<vmem>>) target(%dma_start3A_665 : memref<16x2048xf32, #tpu.memory_space<hbm>>) target_semaphore(%arg12 : memref<!tpu.dma_semaphore, #tpu.memory_space<semaphore_mem>>)
    %dma_wait3A_670 = arith.constant 1 : i32
    %dma_wait3A_671 = arith.constant 0 : i32
    %dma_wait3A_672 = arith.constant 0 : i32
    %dma_wait3A_673 = tpu.memref_slice %arg7[%dma_wait3A_670, %dma_wait3A_671, %dma_wait3A_672] : memref<3x16x2048xf32, #tpu.memory_space<vmem>> -> memref<1x16x2048xf32, #tpu.memory_space<vmem>>
    %dma_wait3A_674 = tpu.memref_squeeze %dma_wait3A_673 : memref<1x16x2048xf32, #tpu.memory_space<vmem>> -> memref<16x2048xf32, #tpu.memory_space<vmem>>
    %dma_wait3A_675 = arith.constant 0 : i32
    %dma_wait3A_676 = tpu.memref_slice %arg4[%add3A_656, %dma_wait3A_675] : memref<8192x2048xf32, #tpu.memory_space<hbm>> -> memref<16x2048xf32, #tpu.memory_space<hbm>>
    %dma_wait3A_677 = arith.constant 0 : i32
    %dma_wait3A_678 = tpu.memref_slice %arg4[%add3A_656, %dma_wait3A_677] : memref<8192x2048xf32, #tpu.memory_space<hbm>> -> memref<16x2048xf32, #tpu.memory_space<hbm>>
    %dma_wait3A_679 = arith.constant 0 : i32
    %dma_wait3A_680 = arith.constant 0 : i32
    %dma_wait3A_681 = tpu.memref_slice %arg7[%dma_wait3A_670, %dma_wait3A_679, %dma_wait3A_680] : memref<3x16x2048xf32, #tpu.memory_space<vmem>> -> memref<1x16x2048xf32, #tpu.memory_space<vmem>>
    %dma_wait3A_682 = tpu.memref_squeeze %dma_wait3A_681 : memref<1x16x2048xf32, #tpu.memory_space<vmem>> -> memref<16x2048xf32, #tpu.memory_space<vmem>>
    tpu.wait_dma2 semaphore(%arg12 : memref<!tpu.dma_semaphore, #tpu.memory_space<semaphore_mem>>) src(%dma_wait3A_682 : memref<16x2048xf32, #tpu.memory_space<vmem>>) dst(%dma_wait3A_678 : memref<16x2048xf32, #tpu.memory_space<hbm>>)
    %dma_start3A_683 = arith.constant 7 : i32
    %dma_start3A_684 = arith.constant 1 : i32
    %dma_start3A_685 = arith.constant 0 : i32
    %dma_start3A_686 = arith.constant 0 : i32
    %dma_start3A_687 = tpu.memref_slice %arg7[%dma_start3A_684, %dma_start3A_685, %dma_start3A_686] : memref<3x16x2048xf32, #tpu.memory_space<vmem>> -> memref<1x16x2048xf32, #tpu.memory_space<vmem>>
    %dma_start3A_688 = tpu.memref_squeeze %dma_start3A_687 : memref<1x16x2048xf32, #tpu.memory_space<vmem>> -> memref<16x2048xf32, #tpu.memory_space<vmem>>
    %dma_start3A_689 = arith.constant 0 : i32
    %dma_start3A_690 = tpu.memref_slice %arg6[%dma_start3A_683, %dma_start3A_689] : memref<16x16xi32, #tpu.memory_space<vmem>> -> memref<1x16xi32, #tpu.memory_space<vmem>>
    %dma_start3A_691 = tpu.memref_squeeze %dma_start3A_690 : memref<1x16xi32, #tpu.memory_space<vmem>> -> memref<16xi32, #tpu.memory_space<vmem>>
    %dma_start3A_692 = arith.constant 0 : i32
    %dma_start3A_693 = arith.constant 0 : i32
    %dma_start3A_694 = tpu.memref_slice %arg3[%dma_start3A_692, %dma_start3A_693] : memref<65632x2048xf32, #tpu.memory_space<hbm>> -> memref<65632x2048xf32, #tpu.memory_space<hbm>>
    tpu.enqueue_indirect_dma source(%dma_start3A_694 : memref<65632x2048xf32, #tpu.memory_space<hbm>>) target(%dma_start3A_688 : memref<16x2048xf32, #tpu.memory_space<vmem>>) offsets(%dma_start3A_691 : memref<16xi32, #tpu.memory_space<vmem>>) semaphore(%arg9 : memref<!tpu.dma_semaphore, #tpu.memory_space<semaphore_mem>>)
    %dma_wait3A_695 = arith.constant 5 : i32
    %dma_wait3A_696 = arith.constant 2 : i32
    %dma_wait3A_697 = arith.constant 0 : i32
    %dma_wait3A_698 = arith.constant 0 : i32
    %dma_wait3A_699 = tpu.memref_slice %arg7[%dma_wait3A_696, %dma_wait3A_697, %dma_wait3A_698] : memref<3x16x2048xf32, #tpu.memory_space<vmem>> -> memref<1x16x2048xf32, #tpu.memory_space<vmem>>
    %dma_wait3A_700 = tpu.memref_squeeze %dma_wait3A_699 : memref<1x16x2048xf32, #tpu.memory_space<vmem>> -> memref<16x2048xf32, #tpu.memory_space<vmem>>
    %dma_wait3A_701 = arith.constant 0 : i32
    %dma_wait3A_702 = tpu.memref_slice %arg6[%dma_wait3A_695, %dma_wait3A_701] : memref<16x16xi32, #tpu.memory_space<vmem>> -> memref<1x16xi32, #tpu.memory_space<vmem>>
    %dma_wait3A_703 = tpu.memref_squeeze %dma_wait3A_702 : memref<1x16xi32, #tpu.memory_space<vmem>> -> memref<16xi32, #tpu.memory_space<vmem>>
    %dma_wait3A_704 = arith.constant 0 : i32
    %dma_wait3A_705 = arith.constant 0 : i32
    %dma_wait3A_706 = tpu.memref_slice %arg3[%dma_wait3A_704, %dma_wait3A_705] : memref<65632x2048xf32, #tpu.memory_space<hbm>> -> memref<65632x2048xf32, #tpu.memory_space<hbm>>
    tpu.wait_indirect_dma semaphore(%arg10 : memref<!tpu.dma_semaphore, #tpu.memory_space<semaphore_mem>>) src(%dma_wait3A_706 : memref<65632x2048xf32, #tpu.memory_space<hbm>>) dst(%dma_wait3A_700 : memref<16x2048xf32, #tpu.memory_space<vmem>>)
    %add3A_707 = arith.constant 80 : i32
    %add3A_708 = arith.addi %mul3A_2, %add3A_707 : i32
    %dma_start3A_709 = arith.constant 2 : i32
    %dma_start3A_710 = arith.constant 0 : i32
    %dma_start3A_711 = arith.constant 0 : i32
    %dma_start3A_712 = tpu.memref_slice %arg7[%dma_start3A_709, %dma_start3A_710, %dma_start3A_711] : memref<3x16x2048xf32, #tpu.memory_space<vmem>> -> memref<1x16x2048xf32, #tpu.memory_space<vmem>>
    %dma_start3A_713 = tpu.memref_squeeze %dma_start3A_712 : memref<1x16x2048xf32, #tpu.memory_space<vmem>> -> memref<16x2048xf32, #tpu.memory_space<vmem>>
    %dma_start3A_714 = arith.constant 0 : i32
    %dma_start3A_715 = tpu.memref_slice %arg4[%add3A_708, %dma_start3A_714] : memref<8192x2048xf32, #tpu.memory_space<hbm>> -> memref<16x2048xf32, #tpu.memory_space<hbm>>
    %dma_start3A_716 = arith.constant 0 : i32
    %dma_start3A_717 = tpu.memref_slice %arg4[%add3A_708, %dma_start3A_716] : memref<8192x2048xf32, #tpu.memory_space<hbm>> -> memref<16x2048xf32, #tpu.memory_space<hbm>>
    %dma_start3A_718 = arith.constant 0 : i32
    %dma_start3A_719 = arith.constant 0 : i32
    %dma_start3A_720 = tpu.memref_slice %arg7[%dma_start3A_709, %dma_start3A_718, %dma_start3A_719] : memref<3x16x2048xf32, #tpu.memory_space<vmem>> -> memref<1x16x2048xf32, #tpu.memory_space<vmem>>
    %dma_start3A_721 = tpu.memref_squeeze %dma_start3A_720 : memref<1x16x2048xf32, #tpu.memory_space<vmem>> -> memref<16x2048xf32, #tpu.memory_space<vmem>>
    tpu.enqueue_dma source(%dma_start3A_721 : memref<16x2048xf32, #tpu.memory_space<vmem>>) target(%dma_start3A_717 : memref<16x2048xf32, #tpu.memory_space<hbm>>) target_semaphore(%arg13 : memref<!tpu.dma_semaphore, #tpu.memory_space<semaphore_mem>>)
    %dma_wait3A_722 = arith.constant 2 : i32
    %dma_wait3A_723 = arith.constant 0 : i32
    %dma_wait3A_724 = arith.constant 0 : i32
    %dma_wait3A_725 = tpu.memref_slice %arg7[%dma_wait3A_722, %dma_wait3A_723, %dma_wait3A_724] : memref<3x16x2048xf32, #tpu.memory_space<vmem>> -> memref<1x16x2048xf32, #tpu.memory_space<vmem>>
    %dma_wait3A_726 = tpu.memref_squeeze %dma_wait3A_725 : memref<1x16x2048xf32, #tpu.memory_space<vmem>> -> memref<16x2048xf32, #tpu.memory_space<vmem>>
    %dma_wait3A_727 = arith.constant 0 : i32
    %dma_wait3A_728 = tpu.memref_slice %arg4[%add3A_708, %dma_wait3A_727] : memref<8192x2048xf32, #tpu.memory_space<hbm>> -> memref<16x2048xf32, #tpu.memory_space<hbm>>
    %dma_wait3A_729 = arith.constant 0 : i32
    %dma_wait3A_730 = tpu.memref_slice %arg4[%add3A_708, %dma_wait3A_729] : memref<8192x2048xf32, #tpu.memory_space<hbm>> -> memref<16x2048xf32, #tpu.memory_space<hbm>>
    %dma_wait3A_731 = arith.constant 0 : i32
    %dma_wait3A_732 = arith.constant 0 : i32
    %dma_wait3A_733 = tpu.memref_slice %arg7[%dma_wait3A_722, %dma_wait3A_731, %dma_wait3A_732] : memref<3x16x2048xf32, #tpu.memory_space<vmem>> -> memref<1x16x2048xf32, #tpu.memory_space<vmem>>
    %dma_wait3A_734 = tpu.memref_squeeze %dma_wait3A_733 : memref<1x16x2048xf32, #tpu.memory_space<vmem>> -> memref<16x2048xf32, #tpu.memory_space<vmem>>
    tpu.wait_dma2 semaphore(%arg13 : memref<!tpu.dma_semaphore, #tpu.memory_space<semaphore_mem>>) src(%dma_wait3A_734 : memref<16x2048xf32, #tpu.memory_space<vmem>>) dst(%dma_wait3A_730 : memref<16x2048xf32, #tpu.memory_space<hbm>>)
    %dma_start3A_735 = arith.constant 8 : i32
    %dma_start3A_736 = arith.constant 2 : i32
    %dma_start3A_737 = arith.constant 0 : i32
    %dma_start3A_738 = arith.constant 0 : i32
    %dma_start3A_739 = tpu.memref_slice %arg7[%dma_start3A_736, %dma_start3A_737, %dma_start3A_738] : memref<3x16x2048xf32, #tpu.memory_space<vmem>> -> memref<1x16x2048xf32, #tpu.memory_space<vmem>>
    %dma_start3A_740 = tpu.memref_squeeze %dma_start3A_739 : memref<1x16x2048xf32, #tpu.memory_space<vmem>> -> memref<16x2048xf32, #tpu.memory_space<vmem>>
    %dma_start3A_741 = arith.constant 0 : i32
    %dma_start3A_742 = tpu.memref_slice %arg6[%dma_start3A_735, %dma_start3A_741] : memref<16x16xi32, #tpu.memory_space<vmem>> -> memref<1x16xi32, #tpu.memory_space<vmem>>
    %dma_start3A_743 = tpu.memref_squeeze %dma_start3A_742 : memref<1x16xi32, #tpu.memory_space<vmem>> -> memref<16xi32, #tpu.memory_space<vmem>>
    %dma_start3A_744 = arith.constant 0 : i32
    %dma_start3A_745 = arith.constant 0 : i32
    %dma_start3A_746 = tpu.memref_slice %arg3[%dma_start3A_744, %dma_start3A_745] : memref<65632x2048xf32, #tpu.memory_space<hbm>> -> memref<65632x2048xf32, #tpu.memory_space<hbm>>
    tpu.enqueue_indirect_dma source(%dma_start3A_746 : memref<65632x2048xf32, #tpu.memory_space<hbm>>) target(%dma_start3A_740 : memref<16x2048xf32, #tpu.memory_space<vmem>>) offsets(%dma_start3A_743 : memref<16xi32, #tpu.memory_space<vmem>>) semaphore(%arg10 : memref<!tpu.dma_semaphore, #tpu.memory_space<semaphore_mem>>)
    %dma_wait3A_747 = arith.constant 6 : i32
    %dma_wait3A_748 = arith.constant 0 : i32
    %dma_wait3A_749 = arith.constant 0 : i32
    %dma_wait3A_750 = arith.constant 0 : i32
    %dma_wait3A_751 = tpu.memref_slice %arg7[%dma_wait3A_748, %dma_wait3A_749, %dma_wait3A_750] : memref<3x16x2048xf32, #tpu.memory_space<vmem>> -> memref<1x16x2048xf32, #tpu.memory_space<vmem>>
    %dma_wait3A_752 = tpu.memref_squeeze %dma_wait3A_751 : memref<1x16x2048xf32, #tpu.memory_space<vmem>> -> memref<16x2048xf32, #tpu.memory_space<vmem>>
    %dma_wait3A_753 = arith.constant 0 : i32
    %dma_wait3A_754 = tpu.memref_slice %arg6[%dma_wait3A_747, %dma_wait3A_753] : memref<16x16xi32, #tpu.memory_space<vmem>> -> memref<1x16xi32, #tpu.memory_space<vmem>>
    %dma_wait3A_755 = tpu.memref_squeeze %dma_wait3A_754 : memref<1x16xi32, #tpu.memory_space<vmem>> -> memref<16xi32, #tpu.memory_space<vmem>>
    %dma_wait3A_756 = arith.constant 0 : i32
    %dma_wait3A_757 = arith.constant 0 : i32
    %dma_wait3A_758 = tpu.memref_slice %arg3[%dma_wait3A_756, %dma_wait3A_757] : memref<65632x2048xf32, #tpu.memory_space<hbm>> -> memref<65632x2048xf32, #tpu.memory_space<hbm>>
    tpu.wait_indirect_dma semaphore(%arg8 : memref<!tpu.dma_semaphore, #tpu.memory_space<semaphore_mem>>) src(%dma_wait3A_758 : memref<65632x2048xf32, #tpu.memory_space<hbm>>) dst(%dma_wait3A_752 : memref<16x2048xf32, #tpu.memory_space<vmem>>)
    %add3A_759 = arith.constant 96 : i32
    %add3A_760 = arith.addi %mul3A_2, %add3A_759 : i32
    %dma_start3A_761 = arith.constant 0 : i32
    %dma_start3A_762 = arith.constant 0 : i32
    %dma_start3A_763 = arith.constant 0 : i32
    %dma_start3A_764 = tpu.memref_slice %arg7[%dma_start3A_761, %dma_start3A_762, %dma_start3A_763] : memref<3x16x2048xf32, #tpu.memory_space<vmem>> -> memref<1x16x2048xf32, #tpu.memory_space<vmem>>
    %dma_start3A_765 = tpu.memref_squeeze %dma_start3A_764 : memref<1x16x2048xf32, #tpu.memory_space<vmem>> -> memref<16x2048xf32, #tpu.memory_space<vmem>>
    %dma_start3A_766 = arith.constant 0 : i32
    %dma_start3A_767 = tpu.memref_slice %arg4[%add3A_760, %dma_start3A_766] : memref<8192x2048xf32, #tpu.memory_space<hbm>> -> memref<16x2048xf32, #tpu.memory_space<hbm>>
    %dma_start3A_768 = arith.constant 0 : i32
    %dma_start3A_769 = tpu.memref_slice %arg4[%add3A_760, %dma_start3A_768] : memref<8192x2048xf32, #tpu.memory_space<hbm>> -> memref<16x2048xf32, #tpu.memory_space<hbm>>
    %dma_start3A_770 = arith.constant 0 : i32
    %dma_start3A_771 = arith.constant 0 : i32
    %dma_start3A_772 = tpu.memref_slice %arg7[%dma_start3A_761, %dma_start3A_770, %dma_start3A_771] : memref<3x16x2048xf32, #tpu.memory_space<vmem>> -> memref<1x16x2048xf32, #tpu.memory_space<vmem>>
    %dma_start3A_773 = tpu.memref_squeeze %dma_start3A_772 : memref<1x16x2048xf32, #tpu.memory_space<vmem>> -> memref<16x2048xf32, #tpu.memory_space<vmem>>
    tpu.enqueue_dma source(%dma_start3A_773 : memref<16x2048xf32, #tpu.memory_space<vmem>>) target(%dma_start3A_769 : memref<16x2048xf32, #tpu.memory_space<hbm>>) target_semaphore(%arg11 : memref<!tpu.dma_semaphore, #tpu.memory_space<semaphore_mem>>)
    %dma_wait3A_774 = arith.constant 0 : i32
    %dma_wait3A_775 = arith.constant 0 : i32
    %dma_wait3A_776 = arith.constant 0 : i32
    %dma_wait3A_777 = tpu.memref_slice %arg7[%dma_wait3A_774, %dma_wait3A_775, %dma_wait3A_776] : memref<3x16x2048xf32, #tpu.memory_space<vmem>> -> memref<1x16x2048xf32, #tpu.memory_space<vmem>>
    %dma_wait3A_778 = tpu.memref_squeeze %dma_wait3A_777 : memref<1x16x2048xf32, #tpu.memory_space<vmem>> -> memref<16x2048xf32, #tpu.memory_space<vmem>>
    %dma_wait3A_779 = arith.constant 0 : i32
    %dma_wait3A_780 = tpu.memref_slice %arg4[%add3A_760, %dma_wait3A_779] : memref<8192x2048xf32, #tpu.memory_space<hbm>> -> memref<16x2048xf32, #tpu.memory_space<hbm>>
    %dma_wait3A_781 = arith.constant 0 : i32
    %dma_wait3A_782 = tpu.memref_slice %arg4[%add3A_760, %dma_wait3A_781] : memref<8192x2048xf32, #tpu.memory_space<hbm>> -> memref<16x2048xf32, #tpu.memory_space<hbm>>
    %dma_wait3A_783 = arith.constant 0 : i32
    %dma_wait3A_784 = arith.constant 0 : i32
    %dma_wait3A_785 = tpu.memref_slice %arg7[%dma_wait3A_774, %dma_wait3A_783, %dma_wait3A_784] : memref<3x16x2048xf32, #tpu.memory_space<vmem>> -> memref<1x16x2048xf32, #tpu.memory_space<vmem>>
    %dma_wait3A_786 = tpu.memref_squeeze %dma_wait3A_785 : memref<1x16x2048xf32, #tpu.memory_space<vmem>> -> memref<16x2048xf32, #tpu.memory_space<vmem>>
    tpu.wait_dma2 semaphore(%arg11 : memref<!tpu.dma_semaphore, #tpu.memory_space<semaphore_mem>>) src(%dma_wait3A_786 : memref<16x2048xf32, #tpu.memory_space<vmem>>) dst(%dma_wait3A_782 : memref<16x2048xf32, #tpu.memory_space<hbm>>)
    %dma_start3A_787 = arith.constant 9 : i32
    %dma_start3A_788 = arith.constant 0 : i32
    %dma_start3A_789 = arith.constant 0 : i32
    %dma_start3A_790 = arith.constant 0 : i32
    %dma_start3A_791 = tpu.memref_slice %arg7[%dma_start3A_788, %dma_start3A_789, %dma_start3A_790] : memref<3x16x2048xf32, #tpu.memory_space<vmem>> -> memref<1x16x2048xf32, #tpu.memory_space<vmem>>
    %dma_start3A_792 = tpu.memref_squeeze %dma_start3A_791 : memref<1x16x2048xf32, #tpu.memory_space<vmem>> -> memref<16x2048xf32, #tpu.memory_space<vmem>>
    %dma_start3A_793 = arith.constant 0 : i32
    %dma_start3A_794 = tpu.memref_slice %arg6[%dma_start3A_787, %dma_start3A_793] : memref<16x16xi32, #tpu.memory_space<vmem>> -> memref<1x16xi32, #tpu.memory_space<vmem>>
    %dma_start3A_795 = tpu.memref_squeeze %dma_start3A_794 : memref<1x16xi32, #tpu.memory_space<vmem>> -> memref<16xi32, #tpu.memory_space<vmem>>
    %dma_start3A_796 = arith.constant 0 : i32
    %dma_start3A_797 = arith.constant 0 : i32
    %dma_start3A_798 = tpu.memref_slice %arg3[%dma_start3A_796, %dma_start3A_797] : memref<65632x2048xf32, #tpu.memory_space<hbm>> -> memref<65632x2048xf32, #tpu.memory_space<hbm>>
    tpu.enqueue_indirect_dma source(%dma_start3A_798 : memref<65632x2048xf32, #tpu.memory_space<hbm>>) target(%dma_start3A_792 : memref<16x2048xf32, #tpu.memory_space<vmem>>) offsets(%dma_start3A_795 : memref<16xi32, #tpu.memory_space<vmem>>) semaphore(%arg8 : memref<!tpu.dma_semaphore, #tpu.memory_space<semaphore_mem>>)
    %dma_wait3A_799 = arith.constant 7 : i32
    %dma_wait3A_800 = arith.constant 1 : i32
    %dma_wait3A_801 = arith.constant 0 : i32
    %dma_wait3A_802 = arith.constant 0 : i32
    %dma_wait3A_803 = tpu.memref_slice %arg7[%dma_wait3A_800, %dma_wait3A_801, %dma_wait3A_802] : memref<3x16x2048xf32, #tpu.memory_space<vmem>> -> memref<1x16x2048xf32, #tpu.memory_space<vmem>>
    %dma_wait3A_804 = tpu.memref_squeeze %dma_wait3A_803 : memref<1x16x2048xf32, #tpu.memory_space<vmem>> -> memref<16x2048xf32, #tpu.memory_space<vmem>>
    %dma_wait3A_805 = arith.constant 0 : i32
    %dma_wait3A_806 = tpu.memref_slice %arg6[%dma_wait3A_799, %dma_wait3A_805] : memref<16x16xi32, #tpu.memory_space<vmem>> -> memref<1x16xi32, #tpu.memory_space<vmem>>
    %dma_wait3A_807 = tpu.memref_squeeze %dma_wait3A_806 : memref<1x16xi32, #tpu.memory_space<vmem>> -> memref<16xi32, #tpu.memory_space<vmem>>
    %dma_wait3A_808 = arith.constant 0 : i32
    %dma_wait3A_809 = arith.constant 0 : i32
    %dma_wait3A_810 = tpu.memref_slice %arg3[%dma_wait3A_808, %dma_wait3A_809] : memref<65632x2048xf32, #tpu.memory_space<hbm>> -> memref<65632x2048xf32, #tpu.memory_space<hbm>>
    tpu.wait_indirect_dma semaphore(%arg9 : memref<!tpu.dma_semaphore, #tpu.memory_space<semaphore_mem>>) src(%dma_wait3A_810 : memref<65632x2048xf32, #tpu.memory_space<hbm>>) dst(%dma_wait3A_804 : memref<16x2048xf32, #tpu.memory_space<vmem>>)
    %add3A_811 = arith.constant 112 : i32
    %add3A_812 = arith.addi %mul3A_2, %add3A_811 : i32
    %dma_start3A_813 = arith.constant 1 : i32
    %dma_start3A_814 = arith.constant 0 : i32
    %dma_start3A_815 = arith.constant 0 : i32
    %dma_start3A_816 = tpu.memref_slice %arg7[%dma_start3A_813, %dma_start3A_814, %dma_start3A_815] : memref<3x16x2048xf32, #tpu.memory_space<vmem>> -> memref<1x16x2048xf32, #tpu.memory_space<vmem>>
    %dma_start3A_817 = tpu.memref_squeeze %dma_start3A_816 : memref<1x16x2048xf32, #tpu.memory_space<vmem>> -> memref<16x2048xf32, #tpu.memory_space<vmem>>
    %dma_start3A_818 = arith.constant 0 : i32
    %dma_start3A_819 = tpu.memref_slice %arg4[%add3A_812, %dma_start3A_818] : memref<8192x2048xf32, #tpu.memory_space<hbm>> -> memref<16x2048xf32, #tpu.memory_space<hbm>>
    %dma_start3A_820 = arith.constant 0 : i32
    %dma_start3A_821 = tpu.memref_slice %arg4[%add3A_812, %dma_start3A_820] : memref<8192x2048xf32, #tpu.memory_space<hbm>> -> memref<16x2048xf32, #tpu.memory_space<hbm>>
    %dma_start3A_822 = arith.constant 0 : i32
    %dma_start3A_823 = arith.constant 0 : i32
    %dma_start3A_824 = tpu.memref_slice %arg7[%dma_start3A_813, %dma_start3A_822, %dma_start3A_823] : memref<3x16x2048xf32, #tpu.memory_space<vmem>> -> memref<1x16x2048xf32, #tpu.memory_space<vmem>>
    %dma_start3A_825 = tpu.memref_squeeze %dma_start3A_824 : memref<1x16x2048xf32, #tpu.memory_space<vmem>> -> memref<16x2048xf32, #tpu.memory_space<vmem>>
    tpu.enqueue_dma source(%dma_start3A_825 : memref<16x2048xf32, #tpu.memory_space<vmem>>) target(%dma_start3A_821 : memref<16x2048xf32, #tpu.memory_space<hbm>>) target_semaphore(%arg12 : memref<!tpu.dma_semaphore, #tpu.memory_space<semaphore_mem>>)
    %dma_wait3A_826 = arith.constant 1 : i32
    %dma_wait3A_827 = arith.constant 0 : i32
    %dma_wait3A_828 = arith.constant 0 : i32
    %dma_wait3A_829 = tpu.memref_slice %arg7[%dma_wait3A_826, %dma_wait3A_827, %dma_wait3A_828] : memref<3x16x2048xf32, #tpu.memory_space<vmem>> -> memref<1x16x2048xf32, #tpu.memory_space<vmem>>
    %dma_wait3A_830 = tpu.memref_squeeze %dma_wait3A_829 : memref<1x16x2048xf32, #tpu.memory_space<vmem>> -> memref<16x2048xf32, #tpu.memory_space<vmem>>
    %dma_wait3A_831 = arith.constant 0 : i32
    %dma_wait3A_832 = tpu.memref_slice %arg4[%add3A_812, %dma_wait3A_831] : memref<8192x2048xf32, #tpu.memory_space<hbm>> -> memref<16x2048xf32, #tpu.memory_space<hbm>>
    %dma_wait3A_833 = arith.constant 0 : i32
    %dma_wait3A_834 = tpu.memref_slice %arg4[%add3A_812, %dma_wait3A_833] : memref<8192x2048xf32, #tpu.memory_space<hbm>> -> memref<16x2048xf32, #tpu.memory_space<hbm>>
    %dma_wait3A_835 = arith.constant 0 : i32
    %dma_wait3A_836 = arith.constant 0 : i32
    %dma_wait3A_837 = tpu.memref_slice %arg7[%dma_wait3A_826, %dma_wait3A_835, %dma_wait3A_836] : memref<3x16x2048xf32, #tpu.memory_space<vmem>> -> memref<1x16x2048xf32, #tpu.memory_space<vmem>>
    %dma_wait3A_838 = tpu.memref_squeeze %dma_wait3A_837 : memref<1x16x2048xf32, #tpu.memory_space<vmem>> -> memref<16x2048xf32, #tpu.memory_space<vmem>>
    tpu.wait_dma2 semaphore(%arg12 : memref<!tpu.dma_semaphore, #tpu.memory_space<semaphore_mem>>) src(%dma_wait3A_838 : memref<16x2048xf32, #tpu.memory_space<vmem>>) dst(%dma_wait3A_834 : memref<16x2048xf32, #tpu.memory_space<hbm>>)
    %dma_start3A_839 = arith.constant 10 : i32
    %dma_start3A_840 = arith.constant 1 : i32
    %dma_start3A_841 = arith.constant 0 : i32
    %dma_start3A_842 = arith.constant 0 : i32
    %dma_start3A_843 = tpu.memref_slice %arg7[%dma_start3A_840, %dma_start3A_841, %dma_start3A_842] : memref<3x16x2048xf32, #tpu.memory_space<vmem>> -> memref<1x16x2048xf32, #tpu.memory_space<vmem>>
    %dma_start3A_844 = tpu.memref_squeeze %dma_start3A_843 : memref<1x16x2048xf32, #tpu.memory_space<vmem>> -> memref<16x2048xf32, #tpu.memory_space<vmem>>
    %dma_start3A_845 = arith.constant 0 : i32
    %dma_start3A_846 = tpu.memref_slice %arg6[%dma_start3A_839, %dma_start3A_845] : memref<16x16xi32, #tpu.memory_space<vmem>> -> memref<1x16xi32, #tpu.memory_space<vmem>>
    %dma_start3A_847 = tpu.memref_squeeze %dma_start3A_846 : memref<1x16xi32, #tpu.memory_space<vmem>> -> memref<16xi32, #tpu.memory_space<vmem>>
    %dma_start3A_848 = arith.constant 0 : i32
    %dma_start3A_849 = arith.constant 0 : i32
    %dma_start3A_850 = tpu.memref_slice %arg3[%dma_start3A_848, %dma_start3A_849] : memref<65632x2048xf32, #tpu.memory_space<hbm>> -> memref<65632x2048xf32, #tpu.memory_space<hbm>>
    tpu.enqueue_indirect_dma source(%dma_start3A_850 : memref<65632x2048xf32, #tpu.memory_space<hbm>>) target(%dma_start3A_844 : memref<16x2048xf32, #tpu.memory_space<vmem>>) offsets(%dma_start3A_847 : memref<16xi32, #tpu.memory_space<vmem>>) semaphore(%arg9 : memref<!tpu.dma_semaphore, #tpu.memory_space<semaphore_mem>>)
    %dma_wait3A_851 = arith.constant 8 : i32
    %dma_wait3A_852 = arith.constant 2 : i32
    %dma_wait3A_853 = arith.constant 0 : i32
    %dma_wait3A_854 = arith.constant 0 : i32
    %dma_wait3A_855 = tpu.memref_slice %arg7[%dma_wait3A_852, %dma_wait3A_853, %dma_wait3A_854] : memref<3x16x2048xf32, #tpu.memory_space<vmem>> -> memref<1x16x2048xf32, #tpu.memory_space<vmem>>
    %dma_wait3A_856 = tpu.memref_squeeze %dma_wait3A_855 : memref<1x16x2048xf32, #tpu.memory_space<vmem>> -> memref<16x2048xf32, #tpu.memory_space<vmem>>
    %dma_wait3A_857 = arith.constant 0 : i32
    %dma_wait3A_858 = tpu.memref_slice %arg6[%dma_wait3A_851, %dma_wait3A_857] : memref<16x16xi32, #tpu.memory_space<vmem>> -> memref<1x16xi32, #tpu.memory_space<vmem>>
    %dma_wait3A_859 = tpu.memref_squeeze %dma_wait3A_858 : memref<1x16xi32, #tpu.memory_space<vmem>> -> memref<16xi32, #tpu.memory_space<vmem>>
    %dma_wait3A_860 = arith.constant 0 : i32
    %dma_wait3A_861 = arith.constant 0 : i32
    %dma_wait3A_862 = tpu.memref_slice %arg3[%dma_wait3A_860, %dma_wait3A_861] : memref<65632x2048xf32, #tpu.memory_space<hbm>> -> memref<65632x2048xf32, #tpu.memory_space<hbm>>
    tpu.wait_indirect_dma semaphore(%arg10 : memref<!tpu.dma_semaphore, #tpu.memory_space<semaphore_mem>>) src(%dma_wait3A_862 : memref<65632x2048xf32, #tpu.memory_space<hbm>>) dst(%dma_wait3A_856 : memref<16x2048xf32, #tpu.memory_space<vmem>>)
    %add3A_863 = arith.constant 128 : i32
    %add3A_864 = arith.addi %mul3A_2, %add3A_863 : i32
    %dma_start3A_865 = arith.constant 2 : i32
    %dma_start3A_866 = arith.constant 0 : i32
    %dma_start3A_867 = arith.constant 0 : i32
    %dma_start3A_868 = tpu.memref_slice %arg7[%dma_start3A_865, %dma_start3A_866, %dma_start3A_867] : memref<3x16x2048xf32, #tpu.memory_space<vmem>> -> memref<1x16x2048xf32, #tpu.memory_space<vmem>>
    %dma_start3A_869 = tpu.memref_squeeze %dma_start3A_868 : memref<1x16x2048xf32, #tpu.memory_space<vmem>> -> memref<16x2048xf32, #tpu.memory_space<vmem>>
    %dma_start3A_870 = arith.constant 0 : i32
    %dma_start3A_871 = tpu.memref_slice %arg4[%add3A_864, %dma_start3A_870] : memref<8192x2048xf32, #tpu.memory_space<hbm>> -> memref<16x2048xf32, #tpu.memory_space<hbm>>
    %dma_start3A_872 = arith.constant 0 : i32
    %dma_start3A_873 = tpu.memref_slice %arg4[%add3A_864, %dma_start3A_872] : memref<8192x2048xf32, #tpu.memory_space<hbm>> -> memref<16x2048xf32, #tpu.memory_space<hbm>>
    %dma_start3A_874 = arith.constant 0 : i32
    %dma_start3A_875 = arith.constant 0 : i32
    %dma_start3A_876 = tpu.memref_slice %arg7[%dma_start3A_865, %dma_start3A_874, %dma_start3A_875] : memref<3x16x2048xf32, #tpu.memory_space<vmem>> -> memref<1x16x2048xf32, #tpu.memory_space<vmem>>
    %dma_start3A_877 = tpu.memref_squeeze %dma_start3A_876 : memref<1x16x2048xf32, #tpu.memory_space<vmem>> -> memref<16x2048xf32, #tpu.memory_space<vmem>>
    tpu.enqueue_dma source(%dma_start3A_877 : memref<16x2048xf32, #tpu.memory_space<vmem>>) target(%dma_start3A_873 : memref<16x2048xf32, #tpu.memory_space<hbm>>) target_semaphore(%arg13 : memref<!tpu.dma_semaphore, #tpu.memory_space<semaphore_mem>>)
    %dma_wait3A_878 = arith.constant 2 : i32
    %dma_wait3A_879 = arith.constant 0 : i32
    %dma_wait3A_880 = arith.constant 0 : i32
    %dma_wait3A_881 = tpu.memref_slice %arg7[%dma_wait3A_878, %dma_wait3A_879, %dma_wait3A_880] : memref<3x16x2048xf32, #tpu.memory_space<vmem>> -> memref<1x16x2048xf32, #tpu.memory_space<vmem>>
    %dma_wait3A_882 = tpu.memref_squeeze %dma_wait3A_881 : memref<1x16x2048xf32, #tpu.memory_space<vmem>> -> memref<16x2048xf32, #tpu.memory_space<vmem>>
    %dma_wait3A_883 = arith.constant 0 : i32
    %dma_wait3A_884 = tpu.memref_slice %arg4[%add3A_864, %dma_wait3A_883] : memref<8192x2048xf32, #tpu.memory_space<hbm>> -> memref<16x2048xf32, #tpu.memory_space<hbm>>
    %dma_wait3A_885 = arith.constant 0 : i32
    %dma_wait3A_886 = tpu.memref_slice %arg4[%add3A_864, %dma_wait3A_885] : memref<8192x2048xf32, #tpu.memory_space<hbm>> -> memref<16x2048xf32, #tpu.memory_space<hbm>>
    %dma_wait3A_887 = arith.constant 0 : i32
    %dma_wait3A_888 = arith.constant 0 : i32
    %dma_wait3A_889 = tpu.memref_slice %arg7[%dma_wait3A_878, %dma_wait3A_887, %dma_wait3A_888] : memref<3x16x2048xf32, #tpu.memory_space<vmem>> -> memref<1x16x2048xf32, #tpu.memory_space<vmem>>
    %dma_wait3A_890 = tpu.memref_squeeze %dma_wait3A_889 : memref<1x16x2048xf32, #tpu.memory_space<vmem>> -> memref<16x2048xf32, #tpu.memory_space<vmem>>
    tpu.wait_dma2 semaphore(%arg13 : memref<!tpu.dma_semaphore, #tpu.memory_space<semaphore_mem>>) src(%dma_wait3A_890 : memref<16x2048xf32, #tpu.memory_space<vmem>>) dst(%dma_wait3A_886 : memref<16x2048xf32, #tpu.memory_space<hbm>>)
    %dma_start3A_891 = arith.constant 11 : i32
    %dma_start3A_892 = arith.constant 2 : i32
    %dma_start3A_893 = arith.constant 0 : i32
    %dma_start3A_894 = arith.constant 0 : i32
    %dma_start3A_895 = tpu.memref_slice %arg7[%dma_start3A_892, %dma_start3A_893, %dma_start3A_894] : memref<3x16x2048xf32, #tpu.memory_space<vmem>> -> memref<1x16x2048xf32, #tpu.memory_space<vmem>>
    %dma_start3A_896 = tpu.memref_squeeze %dma_start3A_895 : memref<1x16x2048xf32, #tpu.memory_space<vmem>> -> memref<16x2048xf32, #tpu.memory_space<vmem>>
    %dma_start3A_897 = arith.constant 0 : i32
    %dma_start3A_898 = tpu.memref_slice %arg6[%dma_start3A_891, %dma_start3A_897] : memref<16x16xi32, #tpu.memory_space<vmem>> -> memref<1x16xi32, #tpu.memory_space<vmem>>
    %dma_start3A_899 = tpu.memref_squeeze %dma_start3A_898 : memref<1x16xi32, #tpu.memory_space<vmem>> -> memref<16xi32, #tpu.memory_space<vmem>>
    %dma_start3A_900 = arith.constant 0 : i32
    %dma_start3A_901 = arith.constant 0 : i32
    %dma_start3A_902 = tpu.memref_slice %arg3[%dma_start3A_900, %dma_start3A_901] : memref<65632x2048xf32, #tpu.memory_space<hbm>> -> memref<65632x2048xf32, #tpu.memory_space<hbm>>
    tpu.enqueue_indirect_dma source(%dma_start3A_902 : memref<65632x2048xf32, #tpu.memory_space<hbm>>) target(%dma_start3A_896 : memref<16x2048xf32, #tpu.memory_space<vmem>>) offsets(%dma_start3A_899 : memref<16xi32, #tpu.memory_space<vmem>>) semaphore(%arg10 : memref<!tpu.dma_semaphore, #tpu.memory_space<semaphore_mem>>)
    %dma_wait3A_903 = arith.constant 9 : i32
    %dma_wait3A_904 = arith.constant 0 : i32
    %dma_wait3A_905 = arith.constant 0 : i32
    %dma_wait3A_906 = arith.constant 0 : i32
    %dma_wait3A_907 = tpu.memref_slice %arg7[%dma_wait3A_904, %dma_wait3A_905, %dma_wait3A_906] : memref<3x16x2048xf32, #tpu.memory_space<vmem>> -> memref<1x16x2048xf32, #tpu.memory_space<vmem>>
    %dma_wait3A_908 = tpu.memref_squeeze %dma_wait3A_907 : memref<1x16x2048xf32, #tpu.memory_space<vmem>> -> memref<16x2048xf32, #tpu.memory_space<vmem>>
    %dma_wait3A_909 = arith.constant 0 : i32
    %dma_wait3A_910 = tpu.memref_slice %arg6[%dma_wait3A_903, %dma_wait3A_909] : memref<16x16xi32, #tpu.memory_space<vmem>> -> memref<1x16xi32, #tpu.memory_space<vmem>>
    %dma_wait3A_911 = tpu.memref_squeeze %dma_wait3A_910 : memref<1x16xi32, #tpu.memory_space<vmem>> -> memref<16xi32, #tpu.memory_space<vmem>>
    %dma_wait3A_912 = arith.constant 0 : i32
    %dma_wait3A_913 = arith.constant 0 : i32
    %dma_wait3A_914 = tpu.memref_slice %arg3[%dma_wait3A_912, %dma_wait3A_913] : memref<65632x2048xf32, #tpu.memory_space<hbm>> -> memref<65632x2048xf32, #tpu.memory_space<hbm>>
    tpu.wait_indirect_dma semaphore(%arg8 : memref<!tpu.dma_semaphore, #tpu.memory_space<semaphore_mem>>) src(%dma_wait3A_914 : memref<65632x2048xf32, #tpu.memory_space<hbm>>) dst(%dma_wait3A_908 : memref<16x2048xf32, #tpu.memory_space<vmem>>)
    %add3A_915 = arith.constant 144 : i32
    %add3A_916 = arith.addi %mul3A_2, %add3A_915 : i32
    %dma_start3A_917 = arith.constant 0 : i32
    %dma_start3A_918 = arith.constant 0 : i32
    %dma_start3A_919 = arith.constant 0 : i32
    %dma_start3A_920 = tpu.memref_slice %arg7[%dma_start3A_917, %dma_start3A_918, %dma_start3A_919] : memref<3x16x2048xf32, #tpu.memory_space<vmem>> -> memref<1x16x2048xf32, #tpu.memory_space<vmem>>
    %dma_start3A_921 = tpu.memref_squeeze %dma_start3A_920 : memref<1x16x2048xf32, #tpu.memory_space<vmem>> -> memref<16x2048xf32, #tpu.memory_space<vmem>>
    %dma_start3A_922 = arith.constant 0 : i32
    %dma_start3A_923 = tpu.memref_slice %arg4[%add3A_916, %dma_start3A_922] : memref<8192x2048xf32, #tpu.memory_space<hbm>> -> memref<16x2048xf32, #tpu.memory_space<hbm>>
    %dma_start3A_924 = arith.constant 0 : i32
    %dma_start3A_925 = tpu.memref_slice %arg4[%add3A_916, %dma_start3A_924] : memref<8192x2048xf32, #tpu.memory_space<hbm>> -> memref<16x2048xf32, #tpu.memory_space<hbm>>
    %dma_start3A_926 = arith.constant 0 : i32
    %dma_start3A_927 = arith.constant 0 : i32
    %dma_start3A_928 = tpu.memref_slice %arg7[%dma_start3A_917, %dma_start3A_926, %dma_start3A_927] : memref<3x16x2048xf32, #tpu.memory_space<vmem>> -> memref<1x16x2048xf32, #tpu.memory_space<vmem>>
    %dma_start3A_929 = tpu.memref_squeeze %dma_start3A_928 : memref<1x16x2048xf32, #tpu.memory_space<vmem>> -> memref<16x2048xf32, #tpu.memory_space<vmem>>
    tpu.enqueue_dma source(%dma_start3A_929 : memref<16x2048xf32, #tpu.memory_space<vmem>>) target(%dma_start3A_925 : memref<16x2048xf32, #tpu.memory_space<hbm>>) target_semaphore(%arg11 : memref<!tpu.dma_semaphore, #tpu.memory_space<semaphore_mem>>)
    %dma_wait3A_930 = arith.constant 0 : i32
    %dma_wait3A_931 = arith.constant 0 : i32
    %dma_wait3A_932 = arith.constant 0 : i32
    %dma_wait3A_933 = tpu.memref_slice %arg7[%dma_wait3A_930, %dma_wait3A_931, %dma_wait3A_932] : memref<3x16x2048xf32, #tpu.memory_space<vmem>> -> memref<1x16x2048xf32, #tpu.memory_space<vmem>>
    %dma_wait3A_934 = tpu.memref_squeeze %dma_wait3A_933 : memref<1x16x2048xf32, #tpu.memory_space<vmem>> -> memref<16x2048xf32, #tpu.memory_space<vmem>>
    %dma_wait3A_935 = arith.constant 0 : i32
    %dma_wait3A_936 = tpu.memref_slice %arg4[%add3A_916, %dma_wait3A_935] : memref<8192x2048xf32, #tpu.memory_space<hbm>> -> memref<16x2048xf32, #tpu.memory_space<hbm>>
    %dma_wait3A_937 = arith.constant 0 : i32
    %dma_wait3A_938 = tpu.memref_slice %arg4[%add3A_916, %dma_wait3A_937] : memref<8192x2048xf32, #tpu.memory_space<hbm>> -> memref<16x2048xf32, #tpu.memory_space<hbm>>
    %dma_wait3A_939 = arith.constant 0 : i32
    %dma_wait3A_940 = arith.constant 0 : i32
    %dma_wait3A_941 = tpu.memref_slice %arg7[%dma_wait3A_930, %dma_wait3A_939, %dma_wait3A_940] : memref<3x16x2048xf32, #tpu.memory_space<vmem>> -> memref<1x16x2048xf32, #tpu.memory_space<vmem>>
    %dma_wait3A_942 = tpu.memref_squeeze %dma_wait3A_941 : memref<1x16x2048xf32, #tpu.memory_space<vmem>> -> memref<16x2048xf32, #tpu.memory_space<vmem>>
    tpu.wait_dma2 semaphore(%arg11 : memref<!tpu.dma_semaphore, #tpu.memory_space<semaphore_mem>>) src(%dma_wait3A_942 : memref<16x2048xf32, #tpu.memory_space<vmem>>) dst(%dma_wait3A_938 : memref<16x2048xf32, #tpu.memory_space<hbm>>)
    %dma_start3A_943 = arith.constant 12 : i32
    %dma_start3A_944 = arith.constant 0 : i32
    %dma_start3A_945 = arith.constant 0 : i32
    %dma_start3A_946 = arith.constant 0 : i32
    %dma_start3A_947 = tpu.memref_slice %arg7[%dma_start3A_944, %dma_start3A_945, %dma_start3A_946] : memref<3x16x2048xf32, #tpu.memory_space<vmem>> -> memref<1x16x2048xf32, #tpu.memory_space<vmem>>
    %dma_start3A_948 = tpu.memref_squeeze %dma_start3A_947 : memref<1x16x2048xf32, #tpu.memory_space<vmem>> -> memref<16x2048xf32, #tpu.memory_space<vmem>>
    %dma_start3A_949 = arith.constant 0 : i32
    %dma_start3A_950 = tpu.memref_slice %arg6[%dma_start3A_943, %dma_start3A_949] : memref<16x16xi32, #tpu.memory_space<vmem>> -> memref<1x16xi32, #tpu.memory_space<vmem>>
    %dma_start3A_951 = tpu.memref_squeeze %dma_start3A_950 : memref<1x16xi32, #tpu.memory_space<vmem>> -> memref<16xi32, #tpu.memory_space<vmem>>
    %dma_start3A_952 = arith.constant 0 : i32
    %dma_start3A_953 = arith.constant 0 : i32
    %dma_start3A_954 = tpu.memref_slice %arg3[%dma_start3A_952, %dma_start3A_953] : memref<65632x2048xf32, #tpu.memory_space<hbm>> -> memref<65632x2048xf32, #tpu.memory_space<hbm>>
    tpu.enqueue_indirect_dma source(%dma_start3A_954 : memref<65632x2048xf32, #tpu.memory_space<hbm>>) target(%dma_start3A_948 : memref<16x2048xf32, #tpu.memory_space<vmem>>) offsets(%dma_start3A_951 : memref<16xi32, #tpu.memory_space<vmem>>) semaphore(%arg8 : memref<!tpu.dma_semaphore, #tpu.memory_space<semaphore_mem>>)
    %dma_wait3A_955 = arith.constant 10 : i32
    %dma_wait3A_956 = arith.constant 1 : i32
    %dma_wait3A_957 = arith.constant 0 : i32
    %dma_wait3A_958 = arith.constant 0 : i32
    %dma_wait3A_959 = tpu.memref_slice %arg7[%dma_wait3A_956, %dma_wait3A_957, %dma_wait3A_958] : memref<3x16x2048xf32, #tpu.memory_space<vmem>> -> memref<1x16x2048xf32, #tpu.memory_space<vmem>>
    %dma_wait3A_960 = tpu.memref_squeeze %dma_wait3A_959 : memref<1x16x2048xf32, #tpu.memory_space<vmem>> -> memref<16x2048xf32, #tpu.memory_space<vmem>>
    %dma_wait3A_961 = arith.constant 0 : i32
    %dma_wait3A_962 = tpu.memref_slice %arg6[%dma_wait3A_955, %dma_wait3A_961] : memref<16x16xi32, #tpu.memory_space<vmem>> -> memref<1x16xi32, #tpu.memory_space<vmem>>
    %dma_wait3A_963 = tpu.memref_squeeze %dma_wait3A_962 : memref<1x16xi32, #tpu.memory_space<vmem>> -> memref<16xi32, #tpu.memory_space<vmem>>
    %dma_wait3A_964 = arith.constant 0 : i32
    %dma_wait3A_965 = arith.constant 0 : i32
    %dma_wait3A_966 = tpu.memref_slice %arg3[%dma_wait3A_964, %dma_wait3A_965] : memref<65632x2048xf32, #tpu.memory_space<hbm>> -> memref<65632x2048xf32, #tpu.memory_space<hbm>>
    tpu.wait_indirect_dma semaphore(%arg9 : memref<!tpu.dma_semaphore, #tpu.memory_space<semaphore_mem>>) src(%dma_wait3A_966 : memref<65632x2048xf32, #tpu.memory_space<hbm>>) dst(%dma_wait3A_960 : memref<16x2048xf32, #tpu.memory_space<vmem>>)
    %add3A_967 = arith.constant 160 : i32
    %add3A_968 = arith.addi %mul3A_2, %add3A_967 : i32
    %dma_start3A_969 = arith.constant 1 : i32
    %dma_start3A_970 = arith.constant 0 : i32
    %dma_start3A_971 = arith.constant 0 : i32
    %dma_start3A_972 = tpu.memref_slice %arg7[%dma_start3A_969, %dma_start3A_970, %dma_start3A_971] : memref<3x16x2048xf32, #tpu.memory_space<vmem>> -> memref<1x16x2048xf32, #tpu.memory_space<vmem>>
    %dma_start3A_973 = tpu.memref_squeeze %dma_start3A_972 : memref<1x16x2048xf32, #tpu.memory_space<vmem>> -> memref<16x2048xf32, #tpu.memory_space<vmem>>
    %dma_start3A_974 = arith.constant 0 : i32
    %dma_start3A_975 = tpu.memref_slice %arg4[%add3A_968, %dma_start3A_974] : memref<8192x2048xf32, #tpu.memory_space<hbm>> -> memref<16x2048xf32, #tpu.memory_space<hbm>>
    %dma_start3A_976 = arith.constant 0 : i32
    %dma_start3A_977 = tpu.memref_slice %arg4[%add3A_968, %dma_start3A_976] : memref<8192x2048xf32, #tpu.memory_space<hbm>> -> memref<16x2048xf32, #tpu.memory_space<hbm>>
    %dma_start3A_978 = arith.constant 0 : i32
    %dma_start3A_979 = arith.constant 0 : i32
    %dma_start3A_980 = tpu.memref_slice %arg7[%dma_start3A_969, %dma_start3A_978, %dma_start3A_979] : memref<3x16x2048xf32, #tpu.memory_space<vmem>> -> memref<1x16x2048xf32, #tpu.memory_space<vmem>>
    %dma_start3A_981 = tpu.memref_squeeze %dma_start3A_980 : memref<1x16x2048xf32, #tpu.memory_space<vmem>> -> memref<16x2048xf32, #tpu.memory_space<vmem>>
    tpu.enqueue_dma source(%dma_start3A_981 : memref<16x2048xf32, #tpu.memory_space<vmem>>) target(%dma_start3A_977 : memref<16x2048xf32, #tpu.memory_space<hbm>>) target_semaphore(%arg12 : memref<!tpu.dma_semaphore, #tpu.memory_space<semaphore_mem>>)
    %dma_wait3A_982 = arith.constant 1 : i32
    %dma_wait3A_983 = arith.constant 0 : i32
    %dma_wait3A_984 = arith.constant 0 : i32
    %dma_wait3A_985 = tpu.memref_slice %arg7[%dma_wait3A_982, %dma_wait3A_983, %dma_wait3A_984] : memref<3x16x2048xf32, #tpu.memory_space<vmem>> -> memref<1x16x2048xf32, #tpu.memory_space<vmem>>
    %dma_wait3A_986 = tpu.memref_squeeze %dma_wait3A_985 : memref<1x16x2048xf32, #tpu.memory_space<vmem>> -> memref<16x2048xf32, #tpu.memory_space<vmem>>
    %dma_wait3A_987 = arith.constant 0 : i32
    %dma_wait3A_988 = tpu.memref_slice %arg4[%add3A_968, %dma_wait3A_987] : memref<8192x2048xf32, #tpu.memory_space<hbm>> -> memref<16x2048xf32, #tpu.memory_space<hbm>>
    %dma_wait3A_989 = arith.constant 0 : i32
    %dma_wait3A_990 = tpu.memref_slice %arg4[%add3A_968, %dma_wait3A_989] : memref<8192x2048xf32, #tpu.memory_space<hbm>> -> memref<16x2048xf32, #tpu.memory_space<hbm>>
    %dma_wait3A_991 = arith.constant 0 : i32
    %dma_wait3A_992 = arith.constant 0 : i32
    %dma_wait3A_993 = tpu.memref_slice %arg7[%dma_wait3A_982, %dma_wait3A_991, %dma_wait3A_992] : memref<3x16x2048xf32, #tpu.memory_space<vmem>> -> memref<1x16x2048xf32, #tpu.memory_space<vmem>>
    %dma_wait3A_994 = tpu.memref_squeeze %dma_wait3A_993 : memref<1x16x2048xf32, #tpu.memory_space<vmem>> -> memref<16x2048xf32, #tpu.memory_space<vmem>>
    tpu.wait_dma2 semaphore(%arg12 : memref<!tpu.dma_semaphore, #tpu.memory_space<semaphore_mem>>) src(%dma_wait3A_994 : memref<16x2048xf32, #tpu.memory_space<vmem>>) dst(%dma_wait3A_990 : memref<16x2048xf32, #tpu.memory_space<hbm>>)
    %dma_start3A_995 = arith.constant 13 : i32
    %dma_start3A_996 = arith.constant 1 : i32
    %dma_start3A_997 = arith.constant 0 : i32
    %dma_start3A_998 = arith.constant 0 : i32
    %dma_start3A_999 = tpu.memref_slice %arg7[%dma_start3A_996, %dma_start3A_997, %dma_start3A_998] : memref<3x16x2048xf32, #tpu.memory_space<vmem>> -> memref<1x16x2048xf32, #tpu.memory_space<vmem>>
    %dma_start3A_1000 = tpu.memref_squeeze %dma_start3A_999 : memref<1x16x2048xf32, #tpu.memory_space<vmem>> -> memref<16x2048xf32, #tpu.memory_space<vmem>>
    %dma_start3A_1001 = arith.constant 0 : i32
    %dma_start3A_1002 = tpu.memref_slice %arg6[%dma_start3A_995, %dma_start3A_1001] : memref<16x16xi32, #tpu.memory_space<vmem>> -> memref<1x16xi32, #tpu.memory_space<vmem>>
    %dma_start3A_1003 = tpu.memref_squeeze %dma_start3A_1002 : memref<1x16xi32, #tpu.memory_space<vmem>> -> memref<16xi32, #tpu.memory_space<vmem>>
    %dma_start3A_1004 = arith.constant 0 : i32
    %dma_start3A_1005 = arith.constant 0 : i32
    %dma_start3A_1006 = tpu.memref_slice %arg3[%dma_start3A_1004, %dma_start3A_1005] : memref<65632x2048xf32, #tpu.memory_space<hbm>> -> memref<65632x2048xf32, #tpu.memory_space<hbm>>
    tpu.enqueue_indirect_dma source(%dma_start3A_1006 : memref<65632x2048xf32, #tpu.memory_space<hbm>>) target(%dma_start3A_1000 : memref<16x2048xf32, #tpu.memory_space<vmem>>) offsets(%dma_start3A_1003 : memref<16xi32, #tpu.memory_space<vmem>>) semaphore(%arg9 : memref<!tpu.dma_semaphore, #tpu.memory_space<semaphore_mem>>)
    %dma_wait3A_1007 = arith.constant 11 : i32
    %dma_wait3A_1008 = arith.constant 2 : i32
    %dma_wait3A_1009 = arith.constant 0 : i32
    %dma_wait3A_1010 = arith.constant 0 : i32
    %dma_wait3A_1011 = tpu.memref_slice %arg7[%dma_wait3A_1008, %dma_wait3A_1009, %dma_wait3A_1010] : memref<3x16x2048xf32, #tpu.memory_space<vmem>> -> memref<1x16x2048xf32, #tpu.memory_space<vmem>>
    %dma_wait3A_1012 = tpu.memref_squeeze %dma_wait3A_1011 : memref<1x16x2048xf32, #tpu.memory_space<vmem>> -> memref<16x2048xf32, #tpu.memory_space<vmem>>
    %dma_wait3A_1013 = arith.constant 0 : i32
    %dma_wait3A_1014 = tpu.memref_slice %arg6[%dma_wait3A_1007, %dma_wait3A_1013] : memref<16x16xi32, #tpu.memory_space<vmem>> -> memref<1x16xi32, #tpu.memory_space<vmem>>
    %dma_wait3A_1015 = tpu.memref_squeeze %dma_wait3A_1014 : memref<1x16xi32, #tpu.memory_space<vmem>> -> memref<16xi32, #tpu.memory_space<vmem>>
    %dma_wait3A_1016 = arith.constant 0 : i32
    %dma_wait3A_1017 = arith.constant 0 : i32
    %dma_wait3A_1018 = tpu.memref_slice %arg3[%dma_wait3A_1016, %dma_wait3A_1017] : memref<65632x2048xf32, #tpu.memory_space<hbm>> -> memref<65632x2048xf32, #tpu.memory_space<hbm>>
    tpu.wait_indirect_dma semaphore(%arg10 : memref<!tpu.dma_semaphore, #tpu.memory_space<semaphore_mem>>) src(%dma_wait3A_1018 : memref<65632x2048xf32, #tpu.memory_space<hbm>>) dst(%dma_wait3A_1012 : memref<16x2048xf32, #tpu.memory_space<vmem>>)
    %add3A_1019 = arith.constant 176 : i32
    %add3A_1020 = arith.addi %mul3A_2, %add3A_1019 : i32
    %dma_start3A_1021 = arith.constant 2 : i32
    %dma_start3A_1022 = arith.constant 0 : i32
    %dma_start3A_1023 = arith.constant 0 : i32
    %dma_start3A_1024 = tpu.memref_slice %arg7[%dma_start3A_1021, %dma_start3A_1022, %dma_start3A_1023] : memref<3x16x2048xf32, #tpu.memory_space<vmem>> -> memref<1x16x2048xf32, #tpu.memory_space<vmem>>
    %dma_start3A_1025 = tpu.memref_squeeze %dma_start3A_1024 : memref<1x16x2048xf32, #tpu.memory_space<vmem>> -> memref<16x2048xf32, #tpu.memory_space<vmem>>
    %dma_start3A_1026 = arith.constant 0 : i32
    %dma_start3A_1027 = tpu.memref_slice %arg4[%add3A_1020, %dma_start3A_1026] : memref<8192x2048xf32, #tpu.memory_space<hbm>> -> memref<16x2048xf32, #tpu.memory_space<hbm>>
    %dma_start3A_1028 = arith.constant 0 : i32
    %dma_start3A_1029 = tpu.memref_slice %arg4[%add3A_1020, %dma_start3A_1028] : memref<8192x2048xf32, #tpu.memory_space<hbm>> -> memref<16x2048xf32, #tpu.memory_space<hbm>>
    %dma_start3A_1030 = arith.constant 0 : i32
    %dma_start3A_1031 = arith.constant 0 : i32
    %dma_start3A_1032 = tpu.memref_slice %arg7[%dma_start3A_1021, %dma_start3A_1030, %dma_start3A_1031] : memref<3x16x2048xf32, #tpu.memory_space<vmem>> -> memref<1x16x2048xf32, #tpu.memory_space<vmem>>
    %dma_start3A_1033 = tpu.memref_squeeze %dma_start3A_1032 : memref<1x16x2048xf32, #tpu.memory_space<vmem>> -> memref<16x2048xf32, #tpu.memory_space<vmem>>
    tpu.enqueue_dma source(%dma_start3A_1033 : memref<16x2048xf32, #tpu.memory_space<vmem>>) target(%dma_start3A_1029 : memref<16x2048xf32, #tpu.memory_space<hbm>>) target_semaphore(%arg13 : memref<!tpu.dma_semaphore, #tpu.memory_space<semaphore_mem>>)
    %dma_wait3A_1034 = arith.constant 2 : i32
    %dma_wait3A_1035 = arith.constant 0 : i32
    %dma_wait3A_1036 = arith.constant 0 : i32
    %dma_wait3A_1037 = tpu.memref_slice %arg7[%dma_wait3A_1034, %dma_wait3A_1035, %dma_wait3A_1036] : memref<3x16x2048xf32, #tpu.memory_space<vmem>> -> memref<1x16x2048xf32, #tpu.memory_space<vmem>>
    %dma_wait3A_1038 = tpu.memref_squeeze %dma_wait3A_1037 : memref<1x16x2048xf32, #tpu.memory_space<vmem>> -> memref<16x2048xf32, #tpu.memory_space<vmem>>
    %dma_wait3A_1039 = arith.constant 0 : i32
    %dma_wait3A_1040 = tpu.memref_slice %arg4[%add3A_1020, %dma_wait3A_1039] : memref<8192x2048xf32, #tpu.memory_space<hbm>> -> memref<16x2048xf32, #tpu.memory_space<hbm>>
    %dma_wait3A_1041 = arith.constant 0 : i32
    %dma_wait3A_1042 = tpu.memref_slice %arg4[%add3A_1020, %dma_wait3A_1041] : memref<8192x2048xf32, #tpu.memory_space<hbm>> -> memref<16x2048xf32, #tpu.memory_space<hbm>>
    %dma_wait3A_1043 = arith.constant 0 : i32
    %dma_wait3A_1044 = arith.constant 0 : i32
    %dma_wait3A_1045 = tpu.memref_slice %arg7[%dma_wait3A_1034, %dma_wait3A_1043, %dma_wait3A_1044] : memref<3x16x2048xf32, #tpu.memory_space<vmem>> -> memref<1x16x2048xf32, #tpu.memory_space<vmem>>
    %dma_wait3A_1046 = tpu.memref_squeeze %dma_wait3A_1045 : memref<1x16x2048xf32, #tpu.memory_space<vmem>> -> memref<16x2048xf32, #tpu.memory_space<vmem>>
    tpu.wait_dma2 semaphore(%arg13 : memref<!tpu.dma_semaphore, #tpu.memory_space<semaphore_mem>>) src(%dma_wait3A_1046 : memref<16x2048xf32, #tpu.memory_space<vmem>>) dst(%dma_wait3A_1042 : memref<16x2048xf32, #tpu.memory_space<hbm>>)
    %dma_start3A_1047 = arith.constant 14 : i32
    %dma_start3A_1048 = arith.constant 2 : i32
    %dma_start3A_1049 = arith.constant 0 : i32
    %dma_start3A_1050 = arith.constant 0 : i32
    %dma_start3A_1051 = tpu.memref_slice %arg7[%dma_start3A_1048, %dma_start3A_1049, %dma_start3A_1050] : memref<3x16x2048xf32, #tpu.memory_space<vmem>> -> memref<1x16x2048xf32, #tpu.memory_space<vmem>>
    %dma_start3A_1052 = tpu.memref_squeeze %dma_start3A_1051 : memref<1x16x2048xf32, #tpu.memory_space<vmem>> -> memref<16x2048xf32, #tpu.memory_space<vmem>>
    %dma_start3A_1053 = arith.constant 0 : i32
    %dma_start3A_1054 = tpu.memref_slice %arg6[%dma_start3A_1047, %dma_start3A_1053] : memref<16x16xi32, #tpu.memory_space<vmem>> -> memref<1x16xi32, #tpu.memory_space<vmem>>
    %dma_start3A_1055 = tpu.memref_squeeze %dma_start3A_1054 : memref<1x16xi32, #tpu.memory_space<vmem>> -> memref<16xi32, #tpu.memory_space<vmem>>
    %dma_start3A_1056 = arith.constant 0 : i32
    %dma_start3A_1057 = arith.constant 0 : i32
    %dma_start3A_1058 = tpu.memref_slice %arg3[%dma_start3A_1056, %dma_start3A_1057] : memref<65632x2048xf32, #tpu.memory_space<hbm>> -> memref<65632x2048xf32, #tpu.memory_space<hbm>>
    tpu.enqueue_indirect_dma source(%dma_start3A_1058 : memref<65632x2048xf32, #tpu.memory_space<hbm>>) target(%dma_start3A_1052 : memref<16x2048xf32, #tpu.memory_space<vmem>>) offsets(%dma_start3A_1055 : memref<16xi32, #tpu.memory_space<vmem>>) semaphore(%arg10 : memref<!tpu.dma_semaphore, #tpu.memory_space<semaphore_mem>>)
    %dma_wait3A_1059 = arith.constant 12 : i32
    %dma_wait3A_1060 = arith.constant 0 : i32
    %dma_wait3A_1061 = arith.constant 0 : i32
    %dma_wait3A_1062 = arith.constant 0 : i32
    %dma_wait3A_1063 = tpu.memref_slice %arg7[%dma_wait3A_1060, %dma_wait3A_1061, %dma_wait3A_1062] : memref<3x16x2048xf32, #tpu.memory_space<vmem>> -> memref<1x16x2048xf32, #tpu.memory_space<vmem>>
    %dma_wait3A_1064 = tpu.memref_squeeze %dma_wait3A_1063 : memref<1x16x2048xf32, #tpu.memory_space<vmem>> -> memref<16x2048xf32, #tpu.memory_space<vmem>>
    %dma_wait3A_1065 = arith.constant 0 : i32
    %dma_wait3A_1066 = tpu.memref_slice %arg6[%dma_wait3A_1059, %dma_wait3A_1065] : memref<16x16xi32, #tpu.memory_space<vmem>> -> memref<1x16xi32, #tpu.memory_space<vmem>>
    %dma_wait3A_1067 = tpu.memref_squeeze %dma_wait3A_1066 : memref<1x16xi32, #tpu.memory_space<vmem>> -> memref<16xi32, #tpu.memory_space<vmem>>
    %dma_wait3A_1068 = arith.constant 0 : i32
    %dma_wait3A_1069 = arith.constant 0 : i32
    %dma_wait3A_1070 = tpu.memref_slice %arg3[%dma_wait3A_1068, %dma_wait3A_1069] : memref<65632x2048xf32, #tpu.memory_space<hbm>> -> memref<65632x2048xf32, #tpu.memory_space<hbm>>
    tpu.wait_indirect_dma semaphore(%arg8 : memref<!tpu.dma_semaphore, #tpu.memory_space<semaphore_mem>>) src(%dma_wait3A_1070 : memref<65632x2048xf32, #tpu.memory_space<hbm>>) dst(%dma_wait3A_1064 : memref<16x2048xf32, #tpu.memory_space<vmem>>)
    %add3A_1071 = arith.constant 192 : i32
    %add3A_1072 = arith.addi %mul3A_2, %add3A_1071 : i32
    %dma_start3A_1073 = arith.constant 0 : i32
    %dma_start3A_1074 = arith.constant 0 : i32
    %dma_start3A_1075 = arith.constant 0 : i32
    %dma_start3A_1076 = tpu.memref_slice %arg7[%dma_start3A_1073, %dma_start3A_1074, %dma_start3A_1075] : memref<3x16x2048xf32, #tpu.memory_space<vmem>> -> memref<1x16x2048xf32, #tpu.memory_space<vmem>>
    %dma_start3A_1077 = tpu.memref_squeeze %dma_start3A_1076 : memref<1x16x2048xf32, #tpu.memory_space<vmem>> -> memref<16x2048xf32, #tpu.memory_space<vmem>>
    %dma_start3A_1078 = arith.constant 0 : i32
    %dma_start3A_1079 = tpu.memref_slice %arg4[%add3A_1072, %dma_start3A_1078] : memref<8192x2048xf32, #tpu.memory_space<hbm>> -> memref<16x2048xf32, #tpu.memory_space<hbm>>
    %dma_start3A_1080 = arith.constant 0 : i32
    %dma_start3A_1081 = tpu.memref_slice %arg4[%add3A_1072, %dma_start3A_1080] : memref<8192x2048xf32, #tpu.memory_space<hbm>> -> memref<16x2048xf32, #tpu.memory_space<hbm>>
    %dma_start3A_1082 = arith.constant 0 : i32
    %dma_start3A_1083 = arith.constant 0 : i32
    %dma_start3A_1084 = tpu.memref_slice %arg7[%dma_start3A_1073, %dma_start3A_1082, %dma_start3A_1083] : memref<3x16x2048xf32, #tpu.memory_space<vmem>> -> memref<1x16x2048xf32, #tpu.memory_space<vmem>>
    %dma_start3A_1085 = tpu.memref_squeeze %dma_start3A_1084 : memref<1x16x2048xf32, #tpu.memory_space<vmem>> -> memref<16x2048xf32, #tpu.memory_space<vmem>>
    tpu.enqueue_dma source(%dma_start3A_1085 : memref<16x2048xf32, #tpu.memory_space<vmem>>) target(%dma_start3A_1081 : memref<16x2048xf32, #tpu.memory_space<hbm>>) target_semaphore(%arg11 : memref<!tpu.dma_semaphore, #tpu.memory_space<semaphore_mem>>)
    %dma_wait3A_1086 = arith.constant 0 : i32
    %dma_wait3A_1087 = arith.constant 0 : i32
    %dma_wait3A_1088 = arith.constant 0 : i32
    %dma_wait3A_1089 = tpu.memref_slice %arg7[%dma_wait3A_1086, %dma_wait3A_1087, %dma_wait3A_1088] : memref<3x16x2048xf32, #tpu.memory_space<vmem>> -> memref<1x16x2048xf32, #tpu.memory_space<vmem>>
    %dma_wait3A_1090 = tpu.memref_squeeze %dma_wait3A_1089 : memref<1x16x2048xf32, #tpu.memory_space<vmem>> -> memref<16x2048xf32, #tpu.memory_space<vmem>>
    %dma_wait3A_1091 = arith.constant 0 : i32
    %dma_wait3A_1092 = tpu.memref_slice %arg4[%add3A_1072, %dma_wait3A_1091] : memref<8192x2048xf32, #tpu.memory_space<hbm>> -> memref<16x2048xf32, #tpu.memory_space<hbm>>
    %dma_wait3A_1093 = arith.constant 0 : i32
    %dma_wait3A_1094 = tpu.memref_slice %arg4[%add3A_1072, %dma_wait3A_1093] : memref<8192x2048xf32, #tpu.memory_space<hbm>> -> memref<16x2048xf32, #tpu.memory_space<hbm>>
    %dma_wait3A_1095 = arith.constant 0 : i32
    %dma_wait3A_1096 = arith.constant 0 : i32
    %dma_wait3A_1097 = tpu.memref_slice %arg7[%dma_wait3A_1086, %dma_wait3A_1095, %dma_wait3A_1096] : memref<3x16x2048xf32, #tpu.memory_space<vmem>> -> memref<1x16x2048xf32, #tpu.memory_space<vmem>>
    %dma_wait3A_1098 = tpu.memref_squeeze %dma_wait3A_1097 : memref<1x16x2048xf32, #tpu.memory_space<vmem>> -> memref<16x2048xf32, #tpu.memory_space<vmem>>
    tpu.wait_dma2 semaphore(%arg11 : memref<!tpu.dma_semaphore, #tpu.memory_space<semaphore_mem>>) src(%dma_wait3A_1098 : memref<16x2048xf32, #tpu.memory_space<vmem>>) dst(%dma_wait3A_1094 : memref<16x2048xf32, #tpu.memory_space<hbm>>)
    %dma_start3A_1099 = arith.constant 15 : i32
    %dma_start3A_1100 = arith.constant 0 : i32
    %dma_start3A_1101 = arith.constant 0 : i32
    %dma_start3A_1102 = arith.constant 0 : i32
    %dma_start3A_1103 = tpu.memref_slice %arg7[%dma_start3A_1100, %dma_start3A_1101, %dma_start3A_1102] : memref<3x16x2048xf32, #tpu.memory_space<vmem>> -> memref<1x16x2048xf32, #tpu.memory_space<vmem>>
    %dma_start3A_1104 = tpu.memref_squeeze %dma_start3A_1103 : memref<1x16x2048xf32, #tpu.memory_space<vmem>> -> memref<16x2048xf32, #tpu.memory_space<vmem>>
    %dma_start3A_1105 = arith.constant 0 : i32
    %dma_start3A_1106 = tpu.memref_slice %arg6[%dma_start3A_1099, %dma_start3A_1105] : memref<16x16xi32, #tpu.memory_space<vmem>> -> memref<1x16xi32, #tpu.memory_space<vmem>>
    %dma_start3A_1107 = tpu.memref_squeeze %dma_start3A_1106 : memref<1x16xi32, #tpu.memory_space<vmem>> -> memref<16xi32, #tpu.memory_space<vmem>>
    %dma_start3A_1108 = arith.constant 0 : i32
    %dma_start3A_1109 = arith.constant 0 : i32
    %dma_start3A_1110 = tpu.memref_slice %arg3[%dma_start3A_1108, %dma_start3A_1109] : memref<65632x2048xf32, #tpu.memory_space<hbm>> -> memref<65632x2048xf32, #tpu.memory_space<hbm>>
    tpu.enqueue_indirect_dma source(%dma_start3A_1110 : memref<65632x2048xf32, #tpu.memory_space<hbm>>) target(%dma_start3A_1104 : memref<16x2048xf32, #tpu.memory_space<vmem>>) offsets(%dma_start3A_1107 : memref<16xi32, #tpu.memory_space<vmem>>) semaphore(%arg8 : memref<!tpu.dma_semaphore, #tpu.memory_space<semaphore_mem>>)
    %dma_wait3A_1111 = arith.constant 13 : i32
    %dma_wait3A_1112 = arith.constant 1 : i32
    %dma_wait3A_1113 = arith.constant 0 : i32
    %dma_wait3A_1114 = arith.constant 0 : i32
    %dma_wait3A_1115 = tpu.memref_slice %arg7[%dma_wait3A_1112, %dma_wait3A_1113, %dma_wait3A_1114] : memref<3x16x2048xf32, #tpu.memory_space<vmem>> -> memref<1x16x2048xf32, #tpu.memory_space<vmem>>
    %dma_wait3A_1116 = tpu.memref_squeeze %dma_wait3A_1115 : memref<1x16x2048xf32, #tpu.memory_space<vmem>> -> memref<16x2048xf32, #tpu.memory_space<vmem>>
    %dma_wait3A_1117 = arith.constant 0 : i32
    %dma_wait3A_1118 = tpu.memref_slice %arg6[%dma_wait3A_1111, %dma_wait3A_1117] : memref<16x16xi32, #tpu.memory_space<vmem>> -> memref<1x16xi32, #tpu.memory_space<vmem>>
    %dma_wait3A_1119 = tpu.memref_squeeze %dma_wait3A_1118 : memref<1x16xi32, #tpu.memory_space<vmem>> -> memref<16xi32, #tpu.memory_space<vmem>>
    %dma_wait3A_1120 = arith.constant 0 : i32
    %dma_wait3A_1121 = arith.constant 0 : i32
    %dma_wait3A_1122 = tpu.memref_slice %arg3[%dma_wait3A_1120, %dma_wait3A_1121] : memref<65632x2048xf32, #tpu.memory_space<hbm>> -> memref<65632x2048xf32, #tpu.memory_space<hbm>>
    tpu.wait_indirect_dma semaphore(%arg9 : memref<!tpu.dma_semaphore, #tpu.memory_space<semaphore_mem>>) src(%dma_wait3A_1122 : memref<65632x2048xf32, #tpu.memory_space<hbm>>) dst(%dma_wait3A_1116 : memref<16x2048xf32, #tpu.memory_space<vmem>>)
    %add3A_1123 = arith.constant 208 : i32
    %add3A_1124 = arith.addi %mul3A_2, %add3A_1123 : i32
    %dma_start3A_1125 = arith.constant 1 : i32
    %dma_start3A_1126 = arith.constant 0 : i32
    %dma_start3A_1127 = arith.constant 0 : i32
    %dma_start3A_1128 = tpu.memref_slice %arg7[%dma_start3A_1125, %dma_start3A_1126, %dma_start3A_1127] : memref<3x16x2048xf32, #tpu.memory_space<vmem>> -> memref<1x16x2048xf32, #tpu.memory_space<vmem>>
    %dma_start3A_1129 = tpu.memref_squeeze %dma_start3A_1128 : memref<1x16x2048xf32, #tpu.memory_space<vmem>> -> memref<16x2048xf32, #tpu.memory_space<vmem>>
    %dma_start3A_1130 = arith.constant 0 : i32
    %dma_start3A_1131 = tpu.memref_slice %arg4[%add3A_1124, %dma_start3A_1130] : memref<8192x2048xf32, #tpu.memory_space<hbm>> -> memref<16x2048xf32, #tpu.memory_space<hbm>>
    %dma_start3A_1132 = arith.constant 0 : i32
    %dma_start3A_1133 = tpu.memref_slice %arg4[%add3A_1124, %dma_start3A_1132] : memref<8192x2048xf32, #tpu.memory_space<hbm>> -> memref<16x2048xf32, #tpu.memory_space<hbm>>
    %dma_start3A_1134 = arith.constant 0 : i32
    %dma_start3A_1135 = arith.constant 0 : i32
    %dma_start3A_1136 = tpu.memref_slice %arg7[%dma_start3A_1125, %dma_start3A_1134, %dma_start3A_1135] : memref<3x16x2048xf32, #tpu.memory_space<vmem>> -> memref<1x16x2048xf32, #tpu.memory_space<vmem>>
    %dma_start3A_1137 = tpu.memref_squeeze %dma_start3A_1136 : memref<1x16x2048xf32, #tpu.memory_space<vmem>> -> memref<16x2048xf32, #tpu.memory_space<vmem>>
    tpu.enqueue_dma source(%dma_start3A_1137 : memref<16x2048xf32, #tpu.memory_space<vmem>>) target(%dma_start3A_1133 : memref<16x2048xf32, #tpu.memory_space<hbm>>) target_semaphore(%arg12 : memref<!tpu.dma_semaphore, #tpu.memory_space<semaphore_mem>>)
    %dma_wait3A_1138 = arith.constant 14 : i32
    %dma_wait3A_1139 = arith.constant 2 : i32
    %dma_wait3A_1140 = arith.constant 0 : i32
    %dma_wait3A_1141 = arith.constant 0 : i32
    %dma_wait3A_1142 = tpu.memref_slice %arg7[%dma_wait3A_1139, %dma_wait3A_1140, %dma_wait3A_1141] : memref<3x16x2048xf32, #tpu.memory_space<vmem>> -> memref<1x16x2048xf32, #tpu.memory_space<vmem>>
    %dma_wait3A_1143 = tpu.memref_squeeze %dma_wait3A_1142 : memref<1x16x2048xf32, #tpu.memory_space<vmem>> -> memref<16x2048xf32, #tpu.memory_space<vmem>>
    %dma_wait3A_1144 = arith.constant 0 : i32
    %dma_wait3A_1145 = tpu.memref_slice %arg6[%dma_wait3A_1138, %dma_wait3A_1144] : memref<16x16xi32, #tpu.memory_space<vmem>> -> memref<1x16xi32, #tpu.memory_space<vmem>>
    %dma_wait3A_1146 = tpu.memref_squeeze %dma_wait3A_1145 : memref<1x16xi32, #tpu.memory_space<vmem>> -> memref<16xi32, #tpu.memory_space<vmem>>
    %dma_wait3A_1147 = arith.constant 0 : i32
    %dma_wait3A_1148 = arith.constant 0 : i32
    %dma_wait3A_1149 = tpu.memref_slice %arg3[%dma_wait3A_1147, %dma_wait3A_1148] : memref<65632x2048xf32, #tpu.memory_space<hbm>> -> memref<65632x2048xf32, #tpu.memory_space<hbm>>
    tpu.wait_indirect_dma semaphore(%arg10 : memref<!tpu.dma_semaphore, #tpu.memory_space<semaphore_mem>>) src(%dma_wait3A_1149 : memref<65632x2048xf32, #tpu.memory_space<hbm>>) dst(%dma_wait3A_1143 : memref<16x2048xf32, #tpu.memory_space<vmem>>)
    %add3A_1150 = arith.constant 224 : i32
    %add3A_1151 = arith.addi %mul3A_2, %add3A_1150 : i32
    %dma_start3A_1152 = arith.constant 2 : i32
    %dma_start3A_1153 = arith.constant 0 : i32
    %dma_start3A_1154 = arith.constant 0 : i32
    %dma_start3A_1155 = tpu.memref_slice %arg7[%dma_start3A_1152, %dma_start3A_1153, %dma_start3A_1154] : memref<3x16x2048xf32, #tpu.memory_space<vmem>> -> memref<1x16x2048xf32, #tpu.memory_space<vmem>>
    %dma_start3A_1156 = tpu.memref_squeeze %dma_start3A_1155 : memref<1x16x2048xf32, #tpu.memory_space<vmem>> -> memref<16x2048xf32, #tpu.memory_space<vmem>>
    %dma_start3A_1157 = arith.constant 0 : i32
    %dma_start3A_1158 = tpu.memref_slice %arg4[%add3A_1151, %dma_start3A_1157] : memref<8192x2048xf32, #tpu.memory_space<hbm>> -> memref<16x2048xf32, #tpu.memory_space<hbm>>
    %dma_start3A_1159 = arith.constant 0 : i32
    %dma_start3A_1160 = tpu.memref_slice %arg4[%add3A_1151, %dma_start3A_1159] : memref<8192x2048xf32, #tpu.memory_space<hbm>> -> memref<16x2048xf32, #tpu.memory_space<hbm>>
    %dma_start3A_1161 = arith.constant 0 : i32
    %dma_start3A_1162 = arith.constant 0 : i32
    %dma_start3A_1163 = tpu.memref_slice %arg7[%dma_start3A_1152, %dma_start3A_1161, %dma_start3A_1162] : memref<3x16x2048xf32, #tpu.memory_space<vmem>> -> memref<1x16x2048xf32, #tpu.memory_space<vmem>>
    %dma_start3A_1164 = tpu.memref_squeeze %dma_start3A_1163 : memref<1x16x2048xf32, #tpu.memory_space<vmem>> -> memref<16x2048xf32, #tpu.memory_space<vmem>>
    tpu.enqueue_dma source(%dma_start3A_1164 : memref<16x2048xf32, #tpu.memory_space<vmem>>) target(%dma_start3A_1160 : memref<16x2048xf32, #tpu.memory_space<hbm>>) target_semaphore(%arg13 : memref<!tpu.dma_semaphore, #tpu.memory_space<semaphore_mem>>)
    %dma_wait3A_1165 = arith.constant 15 : i32
    %dma_wait3A_1166 = arith.constant 0 : i32
    %dma_wait3A_1167 = arith.constant 0 : i32
    %dma_wait3A_1168 = arith.constant 0 : i32
    %dma_wait3A_1169 = tpu.memref_slice %arg7[%dma_wait3A_1166, %dma_wait3A_1167, %dma_wait3A_1168] : memref<3x16x2048xf32, #tpu.memory_space<vmem>> -> memref<1x16x2048xf32, #tpu.memory_space<vmem>>
    %dma_wait3A_1170 = tpu.memref_squeeze %dma_wait3A_1169 : memref<1x16x2048xf32, #tpu.memory_space<vmem>> -> memref<16x2048xf32, #tpu.memory_space<vmem>>
    %dma_wait3A_1171 = arith.constant 0 : i32
    %dma_wait3A_1172 = tpu.memref_slice %arg6[%dma_wait3A_1165, %dma_wait3A_1171] : memref<16x16xi32, #tpu.memory_space<vmem>> -> memref<1x16xi32, #tpu.memory_space<vmem>>
    %dma_wait3A_1173 = tpu.memref_squeeze %dma_wait3A_1172 : memref<1x16xi32, #tpu.memory_space<vmem>> -> memref<16xi32, #tpu.memory_space<vmem>>
    %dma_wait3A_1174 = arith.constant 0 : i32
    %dma_wait3A_1175 = arith.constant 0 : i32
    %dma_wait3A_1176 = tpu.memref_slice %arg3[%dma_wait3A_1174, %dma_wait3A_1175] : memref<65632x2048xf32, #tpu.memory_space<hbm>> -> memref<65632x2048xf32, #tpu.memory_space<hbm>>
    tpu.wait_indirect_dma semaphore(%arg8 : memref<!tpu.dma_semaphore, #tpu.memory_space<semaphore_mem>>) src(%dma_wait3A_1176 : memref<65632x2048xf32, #tpu.memory_space<hbm>>) dst(%dma_wait3A_1170 : memref<16x2048xf32, #tpu.memory_space<vmem>>)
    %add3A_1177 = arith.constant 240 : i32
    %add3A_1178 = arith.addi %mul3A_2, %add3A_1177 : i32
    %dma_start3A_1179 = arith.constant 0 : i32
    %dma_start3A_1180 = arith.constant 0 : i32
    %dma_start3A_1181 = arith.constant 0 : i32
    %dma_start3A_1182 = tpu.memref_slice %arg7[%dma_start3A_1179, %dma_start3A_1180, %dma_start3A_1181] : memref<3x16x2048xf32, #tpu.memory_space<vmem>> -> memref<1x16x2048xf32, #tpu.memory_space<vmem>>
    %dma_start3A_1183 = tpu.memref_squeeze %dma_start3A_1182 : memref<1x16x2048xf32, #tpu.memory_space<vmem>> -> memref<16x2048xf32, #tpu.memory_space<vmem>>
    %dma_start3A_1184 = arith.constant 0 : i32
    %dma_start3A_1185 = tpu.memref_slice %arg4[%add3A_1178, %dma_start3A_1184] : memref<8192x2048xf32, #tpu.memory_space<hbm>> -> memref<16x2048xf32, #tpu.memory_space<hbm>>
    %dma_start3A_1186 = arith.constant 0 : i32
    %dma_start3A_1187 = tpu.memref_slice %arg4[%add3A_1178, %dma_start3A_1186] : memref<8192x2048xf32, #tpu.memory_space<hbm>> -> memref<16x2048xf32, #tpu.memory_space<hbm>>
    %dma_start3A_1188 = arith.constant 0 : i32
    %dma_start3A_1189 = arith.constant 0 : i32
    %dma_start3A_1190 = tpu.memref_slice %arg7[%dma_start3A_1179, %dma_start3A_1188, %dma_start3A_1189] : memref<3x16x2048xf32, #tpu.memory_space<vmem>> -> memref<1x16x2048xf32, #tpu.memory_space<vmem>>
    %dma_start3A_1191 = tpu.memref_squeeze %dma_start3A_1190 : memref<1x16x2048xf32, #tpu.memory_space<vmem>> -> memref<16x2048xf32, #tpu.memory_space<vmem>>
    tpu.enqueue_dma source(%dma_start3A_1191 : memref<16x2048xf32, #tpu.memory_space<vmem>>) target(%dma_start3A_1187 : memref<16x2048xf32, #tpu.memory_space<hbm>>) target_semaphore(%arg11 : memref<!tpu.dma_semaphore, #tpu.memory_space<semaphore_mem>>)
    %dma_wait3A_1192 = arith.constant 1 : i32
    %dma_wait3A_1193 = arith.constant 0 : i32
    %dma_wait3A_1194 = arith.constant 0 : i32
    %dma_wait3A_1195 = tpu.memref_slice %arg7[%dma_wait3A_1192, %dma_wait3A_1193, %dma_wait3A_1194] : memref<3x16x2048xf32, #tpu.memory_space<vmem>> -> memref<1x16x2048xf32, #tpu.memory_space<vmem>>
    %dma_wait3A_1196 = tpu.memref_squeeze %dma_wait3A_1195 : memref<1x16x2048xf32, #tpu.memory_space<vmem>> -> memref<16x2048xf32, #tpu.memory_space<vmem>>
    %dma_wait3A_1197 = arith.constant 0 : i32
    %dma_wait3A_1198 = tpu.memref_slice %arg4[%add3A_1124, %dma_wait3A_1197] : memref<8192x2048xf32, #tpu.memory_space<hbm>> -> memref<16x2048xf32, #tpu.memory_space<hbm>>
    %dma_wait3A_1199 = arith.constant 0 : i32
    %dma_wait3A_1200 = tpu.memref_slice %arg4[%add3A_1124, %dma_wait3A_1199] : memref<8192x2048xf32, #tpu.memory_space<hbm>> -> memref<16x2048xf32, #tpu.memory_space<hbm>>
    %dma_wait3A_1201 = arith.constant 0 : i32
    %dma_wait3A_1202 = arith.constant 0 : i32
    %dma_wait3A_1203 = tpu.memref_slice %arg7[%dma_wait3A_1192, %dma_wait3A_1201, %dma_wait3A_1202] : memref<3x16x2048xf32, #tpu.memory_space<vmem>> -> memref<1x16x2048xf32, #tpu.memory_space<vmem>>
    %dma_wait3A_1204 = tpu.memref_squeeze %dma_wait3A_1203 : memref<1x16x2048xf32, #tpu.memory_space<vmem>> -> memref<16x2048xf32, #tpu.memory_space<vmem>>
    tpu.wait_dma2 semaphore(%arg12 : memref<!tpu.dma_semaphore, #tpu.memory_space<semaphore_mem>>) src(%dma_wait3A_1204 : memref<16x2048xf32, #tpu.memory_space<vmem>>) dst(%dma_wait3A_1200 : memref<16x2048xf32, #tpu.memory_space<hbm>>)
    %dma_wait3A_1205 = arith.constant 2 : i32
    %dma_wait3A_1206 = arith.constant 0 : i32
    %dma_wait3A_1207 = arith.constant 0 : i32
    %dma_wait3A_1208 = tpu.memref_slice %arg7[%dma_wait3A_1205, %dma_wait3A_1206, %dma_wait3A_1207] : memref<3x16x2048xf32, #tpu.memory_space<vmem>> -> memref<1x16x2048xf32, #tpu.memory_space<vmem>>
    %dma_wait3A_1209 = tpu.memref_squeeze %dma_wait3A_1208 : memref<1x16x2048xf32, #tpu.memory_space<vmem>> -> memref<16x2048xf32, #tpu.memory_space<vmem>>
    %dma_wait3A_1210 = arith.constant 0 : i32
    %dma_wait3A_1211 = tpu.memref_slice %arg4[%add3A_1151, %dma_wait3A_1210] : memref<8192x2048xf32, #tpu.memory_space<hbm>> -> memref<16x2048xf32, #tpu.memory_space<hbm>>
    %dma_wait3A_1212 = arith.constant 0 : i32
    %dma_wait3A_1213 = tpu.memref_slice %arg4[%add3A_1151, %dma_wait3A_1212] : memref<8192x2048xf32, #tpu.memory_space<hbm>> -> memref<16x2048xf32, #tpu.memory_space<hbm>>
    %dma_wait3A_1214 = arith.constant 0 : i32
    %dma_wait3A_1215 = arith.constant 0 : i32
    %dma_wait3A_1216 = tpu.memref_slice %arg7[%dma_wait3A_1205, %dma_wait3A_1214, %dma_wait3A_1215] : memref<3x16x2048xf32, #tpu.memory_space<vmem>> -> memref<1x16x2048xf32, #tpu.memory_space<vmem>>
    %dma_wait3A_1217 = tpu.memref_squeeze %dma_wait3A_1216 : memref<1x16x2048xf32, #tpu.memory_space<vmem>> -> memref<16x2048xf32, #tpu.memory_space<vmem>>
    tpu.wait_dma2 semaphore(%arg13 : memref<!tpu.dma_semaphore, #tpu.memory_space<semaphore_mem>>) src(%dma_wait3A_1217 : memref<16x2048xf32, #tpu.memory_space<vmem>>) dst(%dma_wait3A_1213 : memref<16x2048xf32, #tpu.memory_space<hbm>>)
    %dma_wait3A_1218 = arith.constant 0 : i32
    %dma_wait3A_1219 = arith.constant 0 : i32
    %dma_wait3A_1220 = arith.constant 0 : i32
    %dma_wait3A_1221 = tpu.memref_slice %arg7[%dma_wait3A_1218, %dma_wait3A_1219, %dma_wait3A_1220] : memref<3x16x2048xf32, #tpu.memory_space<vmem>> -> memref<1x16x2048xf32, #tpu.memory_space<vmem>>
    %dma_wait3A_1222 = tpu.memref_squeeze %dma_wait3A_1221 : memref<1x16x2048xf32, #tpu.memory_space<vmem>> -> memref<16x2048xf32, #tpu.memory_space<vmem>>
    %dma_wait3A_1223 = arith.constant 0 : i32
    %dma_wait3A_1224 = tpu.memref_slice %arg4[%add3A_1178, %dma_wait3A_1223] : memref<8192x2048xf32, #tpu.memory_space<hbm>> -> memref<16x2048xf32, #tpu.memory_space<hbm>>
    %dma_wait3A_1225 = arith.constant 0 : i32
    %dma_wait3A_1226 = tpu.memref_slice %arg4[%add3A_1178, %dma_wait3A_1225] : memref<8192x2048xf32, #tpu.memory_space<hbm>> -> memref<16x2048xf32, #tpu.memory_space<hbm>>
    %dma_wait3A_1227 = arith.constant 0 : i32
    %dma_wait3A_1228 = arith.constant 0 : i32
    %dma_wait3A_1229 = tpu.memref_slice %arg7[%dma_wait3A_1218, %dma_wait3A_1227, %dma_wait3A_1228] : memref<3x16x2048xf32, #tpu.memory_space<vmem>> -> memref<1x16x2048xf32, #tpu.memory_space<vmem>>
    %dma_wait3A_1230 = tpu.memref_squeeze %dma_wait3A_1229 : memref<1x16x2048xf32, #tpu.memory_space<vmem>> -> memref<16x2048xf32, #tpu.memory_space<vmem>>
    tpu.wait_dma2 semaphore(%arg11 : memref<!tpu.dma_semaphore, #tpu.memory_space<semaphore_mem>>) src(%dma_wait3A_1230 : memref<16x2048xf32, #tpu.memory_space<vmem>>) dst(%dma_wait3A_1226 : memref<16x2048xf32, #tpu.memory_space<hbm>>)
    return
  }
}

</mosaic_0001>

<sc_bundles>
// kernel: kernel.3.cloned.1.call-start
scs
__scs_entry_jumppad:
0x0: {  	(pc) =	sbr.rel $0x88, $3  }
0x1: {  	(tag) =	ssettag $0x0;
	lr =	simm.s32 $0x1  }
0x2: {  	[smem:$0x3F9E] =	sst lr;
	_ =	strace $0xD0000000  }
0x3: {  	_ = 	snop  }
0x4: {  	_ = 	snop  }
0x5: {  	_ = 	snop  }
0x6: {  	_ = 	snop  }
0x7: {  	_ = 	snop  }
__scs_overlays_trampoline_lowered:
0x8: {  	[smem:$0x3FAD] =	sst s0  }
0x9: {  	[smem:$0x3FAE] =	sst s1  }
0xa: {  	[smem:$0x3FAF] =	sst s2  }
0xb: {  	[smem:$0x3FB0] =	sst s3  }
0xc: {  	[smem:$0x3FB1] =	sst s4  }
0xd: {  	[smem:$0x3FB2] =	sst s5  }
0xe: {  	[smem:$0x3FB3] =	sst s6  }
0xf: {  	[smem:$0x3FB4] =	sst s7  }
0x10: {  	[smem:$0x3FB5] =	sst s8  }
0x11: {  	[smem:$0x3FB6] =	sst s9;
	s0 =	simm.s32 @!p0 $0x0  }
0x12: {  	s1 =	sld [smem:$0x3F9C];
	s0 =	simm.s32 @p0 $0x1  }
0x13: {  	[smem:$0x3FB7] =	sst s0;
	s0 =	simm.s32 @!p1 $0x0  }
0x14: {  	s2 =	sld [smem:$0x3F9B];
	s0 =	simm.s32 @p1 $0x1  }
0x15: {  	[smem:$0x3FB8] =	sst s0;
	s0 =	simm.s32 @!p2 $0x0  }
0x16: {  	s3 =	sld [smem:$0x3FDB];
	s0 =	simm.s32 @p2 $0x1  }
0x17: {  	s4 =	simm.s32 $0x1BF5;
	[smem:$0x3FBA] =	sst s0  }
0x18: {  	s0 =	sld [smem:$0x3F9D];
	_ =	swait.ge [sflag:s4], $0x0  }
0x19: {  	s7 =	sld [smem:$0x3F9E]  }
0x1a: {  	s8 =	sadd.s32 $0xFFFFE003, lr  }
0x1b: {  	s9 =	sadd.s32 $0xFFFFFEF7, lr;
	s5 =	simm.s32 $0xFFFFFFFF;
	p2 =	slt.u32 s8, $0xFFFFF086  }
0x1c: {  	p1 =	slt.u32 s9, $0xF7A;
	s5 =	simm.s32 @!p2 $0x0  }
0x1d: {  	s5 =	simm.s32 @p1 $0x1;
	p0 =	seq.s32 s7, s2  }
0x1e: {  	s7 =	smul.u32 @!p0 $0xF7A, s2;
	p2 =	seq.s32 @!p0 s5, $0x0  }
0x1f: {  	s9 =	smul.u32 $0xF7A, s1;
	s8 =	simm.s32 @!p0 $0x1BF5;
	p2 =	por !p2, p0  }
0x20: {  	[sflag:s8] =	ssyncset.s32 @!p0 $0xFFFFF086;
	s6 =	sadd.s32 @!p0 s3, s7;
	s7 =	simm.s32 @!p0 $0x108  }
0x21: {  	s3 =	sadd.s32 s3, s9;
	s6 =	sadd.s32 @!p0 $0x88, s6;
	s7 =	simm.s32 @p2 $0x1082  }
0x22: {  	[simem:s7], [sflag:s8] =	dma.local @!p0 [hbm:s6], $0xF7A  }
0x23: {  	s9 =	sor.u32 $0xD0000000, s2;
	s6 =	simm.s32 $0x108;
	_ =	swait.ge @!p0 [sflag:s8], $0x0  }
0x24: {  	s3 =	sadd.s32 $0x88, s3;
	s6 =	simm.s32 @!p1 $0x1082;
	[sflag:s4] =	ssyncset.s32 $0xFFFFF086  }
0x25: {  	[simem:s6], [sflag:s4] =	dma.local [hbm:s3], $0xF7A  }
0x26: {  	[smem:$0x3F9E] =	sst s1;
	(tag) =	ssettag s2;
	_ =	strace s9  }
0x27: {  	s1 =	sld [smem:$0x3FAE]  }
0x28: {  	s2 =	sld [smem:$0x3FAF]  }
0x29: {  	s4 =	sld [smem:$0x3FB1]  }
0x2a: {  	p0 =	seq.s32 s5, $0x0;
	s5 =	sld [smem:$0x3FB2]  }
0x2b: {  	s6 =	sld [smem:$0x3FB3]  }
0x2c: {  	s7 =	sld [smem:$0x3FB4]  }
0x2d: {  	s3 =	simm.s32 $0x108;
	s8 =	sld [smem:$0x3FB5]  }
0x2e: {  	s3 =	simm.s32 @!p0 $0x1082;
	s9 =	sld [smem:$0x3FB6]  }
0x2f: {  	lr =	sadd.s32 s0, s3;
	s0 =	sld [smem:$0x3FAD]  }
0x30: {  	s3 =	sld [smem:$0x3FB0]  }
0x31: {  	[smem:$0x3FB9] =	sst s10  }
0x32: {  	s10 =	sld [smem:$0x3FB7];
	_ =	sdelay $0x3  }
0x33: {  	p0 =	seq.s32 s10, $0x1;
	s10 =	sld [smem:$0x3FB9];
	_ =	sdelay $0x3  }
0x34: {  	[smem:$0x3FB9] =	sst s10  }
0x35: {  	s10 =	sld [smem:$0x3FB8];
	_ =	sdelay $0x3  }
0x36: {  	p1 =	seq.s32 s10, $0x1;
	s10 =	sld [smem:$0x3FB9];
	_ =	sdelay $0x3  }
0x37: {  	[smem:$0x3FB9] =	sst s10  }
0x38: {  	s10 =	sld [smem:$0x3FBA]  }
0x39: {  	_ = 	snop;
	(pc) =	sbr.ind lr, $3  }
0x3a: {  	_ = 	snop  }
0x3b: {  	_ = 	snop  }
0x3c: {  	p2 =	seq.s32 s10, $0x1;
	s10 =	sld [smem:$0x3FB9]  }
0x3d: {  	_ =	shalt  }
0x3e: {  	_ =	shalt  }
0x3f: {  	_ =	shalt  }
0x40: {  	_ =	shalt  }
0x41: {  	_ =	shalt  }
0x42: {  	_ =	shalt  }
0x43: {  	_ =	shalt  }
0x44: {  	_ =	shalt  }
0x45: {  	_ =	shalt  }
0x46: {  	_ =	shalt  }
0x47: {  	_ =	shalt  }
0x48: {  	_ =	shalt  }
0x49: {  	_ =	shalt  }
0x4a: {  	_ =	shalt  }
0x4b: {  	_ =	shalt  }
0x4c: {  	_ =	shalt  }
0x4d: {  	_ =	shalt  }
0x4e: {  	_ =	shalt  }
0x4f: {  	_ =	shalt  }
0x50: {  	_ =	shalt  }
0x51: {  	_ =	shalt  }
0x52: {  	_ =	shalt  }
0x53: {  	_ =	shalt  }
0x54: {  	_ =	shalt  }
0x55: {  	_ =	shalt  }
0x56: {  	_ =	shalt  }
0x57: {  	_ =	shalt  }
0x58: {  	_ =	shalt  }
0x59: {  	_ =	shalt  }
0x5a: {  	_ =	shalt  }
0x5b: {  	_ =	shalt  }
0x5c: {  	_ =	shalt  }
0x5d: {  	_ =	shalt  }
0x5e: {  	_ =	shalt  }
0x5f: {  	_ =	shalt  }
0x60: {  	_ =	shalt  }
0x61: {  	_ =	shalt  }
0x62: {  	_ =	shalt  }
0x63: {  	_ =	shalt  }
0x64: {  	_ =	shalt  }
0x65: {  	_ =	shalt  }
0x66: {  	_ =	shalt  }
0x67: {  	_ =	shalt  }
0x68: {  	_ =	shalt  }
0x69: {  	_ =	shalt  }
0x6a: {  	_ =	shalt  }
0x6b: {  	_ =	shalt  }
0x6c: {  	_ =	shalt  }
0x6d: {  	_ =	shalt  }
0x6e: {  	_ =	shalt  }
0x6f: {  	_ =	shalt  }
0x70: {  	_ =	shalt  }
0x71: {  	_ =	shalt  }
0x72: {  	_ =	shalt  }
0x73: {  	_ =	shalt  }
0x74: {  	_ =	shalt  }
0x75: {  	_ =	shalt  }
0x76: {  	_ =	shalt  }
0x77: {  	_ =	shalt  }
0x78: {  	_ =	shalt  }
0x79: {  	_ =	shalt  }
0x7a: {  	_ =	shalt  }
0x7b: {  	_ =	shalt  }
0x7c: {  	_ =	shalt  }
0x7d: {  	_ =	shalt  }
0x7e: {  	_ =	shalt  }
0x7f: {  	_ =	shalt  }
0x80: {  	_ =	shalt  }
0x81: {  	_ =	shalt  }
0x82: {  	_ =	shalt  }
0x83: {  	_ =	shalt  }
0x84: {  	_ =	shalt  }
0x85: {  	_ =	shalt  }
0x86: {  	_ =	shalt  }
0x87: {  	_ =	shalt  }
.Lfunc_end0:
.L_simem_size_0:
called_computation_lowered:
.L_overlay_start_0:
0x88: {  	s2 =	sld [smem:$0x3FD9]  }
0x89: {  	s3 =	sld [smem:$0x3FFE];
	_ =	sdelay $0x1  }
0x8a: {  	s1 =	srdreg.scid  }
0x8b: {  	s0 =	sand.u32 $0x1, s1  }
0x8c: {  	s17 =	sshll.u32 s0, $0xA;
	s2 =	sadd.s32 s3, s2  }
0x8d: {  	s2 =	sadd.s32 s2, s17  }
0x8e: {  	[smem:$0x3FC5] =	sst s2  }
0x8f: {  	_ = 	snop  }
0x90: {  	s2 =	sld [smem:$0x3FC7]  }
0x91: {  	s18 =	sld [smem:$0x3FD0];
	(tm) =	ssettm $0x1  }
0x92: {  	s4 =	sld [smem:$0x3FFB];
	_ =	sdelay $0x3  }
0x93: {  	_ =	strace s4  }
0x94: {  	s4 =	sld [smem:$0x3FFC];
	_ =	sdelay $0x3  }
0x95: {  	_ =	strace s4  }
0x96: {  	s4 =	sld [smem:$0x3FFD];
	_ =	sdelay $0x3  }
0x97: {  	_ =	strace s4  }
0x98: {  	_ =	strace $0x8FFFFFFF  }
0x99: {  	s19 =	sld [smem:$0x3FDB];
	_ =	sdelay $0x1  }
0x9a: {  	s5 =	simm.s32 $_scs_section_size  }
0x9b: {  	s6 =	simm.s32 $_size__tile_overlayer_lowered;
	s7 =	simm.s32 $_tile_overlayer_lowered  }
0x9c: {  	s22 =	simm.s32 $0x1BFF;
	s21 =	sshll.u32 s7, $0x1;
	s4 =	sadd.s32 s5, s19  }
0x9d: {  	s8 =	simm.s32 $0x0;
	s20 =	sshll.u32 s6, $0x1;
	s6 =	sadd.s32 s21, s4  }
0x9e: {  	[timem:s8], [sflag:s22] =	dma.local [hbm:s6], s20  }
0x9f: {  	_ =	swait.ge [sflag:s22], s20  }
0xa0: {  	s5 =	ssub.s32 $0x0, s20;
	[sflag:s22] =	ssyncset.done $0x0  }
0xa1: {  	[sflag:s22] =	ssyncadd.s32 s5;
	_ =	sdelay $0x1  }
0xa2: {  	s23 =	simm.s32 $0x1B8B  }
0xa3: {  	_ =	swait.ge [sflag:s23], $0x1  }
0xa4: {  	[sflag:s23] =	ssyncset.done $0x0  }
0xa5: {  	s25 =	simm.s32 $0x1B8E;
	s24 =	sld [smem:$0x3FFE];
	[sflag:s23] =	ssyncadd.s32 $0xFFFFFFFF  }
0xa6: {  	s26 =	simm.s32 $execute0_lowered;
	[smem:$0x3FD2] =	sst s25  }
0xa7: {  	s6 =	sshll.u32 s26, $0x1;
	_ =	strace $0x80000046;
	[dreg:$0x1] =	wrdreg $0xFFFFFFFF  }
0xa8: {  	s28 =	simm.s32 $_size_execute0_lowered;
	s4 =	sadd.s32 s4, s6;
	[dreg:$0x0] =	wrdreg $0x0  }
0xa9: {  	s6 =	sshll.u32 s28, $0x1;
	[dreg:$0x2] =	wrdreg s4  }
0xaa: {  	[dreg:$0x3] =	wrdreg s6  }
0xab: {  	[dreg:$0x4] =	wrdreg $0xC0  }
0xac: {  	_ =	task [dreg:s8], $0x5FFFF  }
0xad: {  	[dreg:$0x1] =	wrdreg $0xFFFFFFFF  }
0xae: {  	[dreg:$0x0] =	wrdreg $0x60  }
0xaf: {  	[dreg:$0x2] =	wrdreg s24  }
0xb0: {  	[dreg:$0x3] =	wrdreg s2  }
0xb1: {  	[dreg:$0x4] =	wrdreg s18  }
0xb2: {  	[dreg:$0x5] =	wrdreg $0x9  }
0xb3: {  	_ =	task.clear_ibuf [dreg:s8], $0x6FFFF;
	_ =	strace $0x90000046  }
0xb4: {  	s29 =	simm.s32 $0x9;
	_ =	strace $0x80000048  }
0xb5: {  	_ =	swait.ge [sflag:s29], $0x1  }
0xb6: {  	[sflag:s29] =	ssyncadd.s32 $0xFFFFFFFF  }
0xb7: {  	_ =	strace $0x90000048  }
0xb8: {  	_ =	sfence  }
0xb9: {  	s30 =	sld [smem:$0x0];
	_ =	sdelay $0x2  }
0xba: {  	s31 =	sshll.u32 s1, $0xD;
	s1 =	sshrl.u32 s1, $0x2  }
0xbb: {  	s3 =	sand.u32 $0x4000, s31;
	s1 =	sadd.s32 s1, s30  }
0xbc: {  	s0 =	sor.u32 s3, s0;
	s1 =	sshll.u32 s1, $0x11  }
0xbd: {  	s0 =	sor.u32 s1, s0  }
0xbe: {  	s0 =	sadd.s32 $0x8F2B, s0  }
0xbf: {  	[sflag:s0] =	ssyncadd.remote.s32 $0x1  }
0xc0: {  	_ =	sfence.sel $0xFFFF  }
0xc1: {  	[dreg:$0x0] =	wrdreg $0xFFFFFFFF;
	(pc) =	sbr.abs _section_cstart, $3  }
0xc2: {  	[dreg:$0x1] =	wrdreg $0xFFFFFFFF  }
0xc3: {  	_ =	task.clear_ibuf [dreg:s8], $0x2FFFF;
	_ =	strace $0x9FFFFFFF  }
0xc4: {  	(tm) =	ssettm $0x7FFFFFFF  }
0xc5: {  	_ =	shalt  }
tec
execute0_lowered:
.L_overlay_start_1:
0x0: {  	(tag) =	ssettag $0x1  }
0x1: {  	s0 =	rddreg [dreg:$0x0]  }
0x2: {  	s1 =	srdreg.scid;
	s3 =	stileid.u32  }
0x3: {  	s2 =	rddreg [dreg:$0x1];
	s1 =	sand.u32 $0x1, s1;
	s3 =	sshll.u32 s3, $0x1  }
0x4: {  	s4 =	rddreg [dreg:$0x2];
	s5 =	sor.u32 s1, s3  }
0x5: {  	s31 =	simm.s32 $0x400;
	s3 =	simm.s32 $0x0;
	s6 =	sshll.u32 s5, $0x9  }
0x6: {  	[smem:$0x7FF] =	sst s3;
	s5 =	sshll.u32 s5, $0x10;
	s0 =	sadd.s32 s6, s0  }
0x7: {  	_ =	strace $0x80000047;
	s12 =	sadd.s32 s4, s5;
	[dreg:$0x15] =	wrdreg s31  }
0x8: {  	s6 =	sadd.s32 $0x400, s0;
	[dreg:$0x16] =	wrdreg s12  }
0x9: {  	s0 =	sadd.s32 $0x480, s0;
	[dreg:$0x4] =	wrdreg s6  }
0xa: {  	s14 =	sadd.s32 $0x1000, s12;
	[dreg:$0x5] =	wrdreg s0  }
0xb: {  	s15 =	sadd.s32 $0x2000, s12;
	[dreg:$0x6] =	wrdreg s14  }
0xc: {  	s16 =	sadd.s32 $0x3000, s12;
	[dreg:$0x7] =	wrdreg s15  }
0xd: {  	s17 =	sadd.s32 $0x4000, s12;
	[dreg:$0x8] =	wrdreg s16  }
0xe: {  	s7 =	sadd.s32 $0x300, s2;
	s18 =	sadd.s32 $0x5000, s12;
	[dreg:$0x9] =	wrdreg s17  }
0xf: {  	s8 =	sadd.s32 $0x400, s2;
	s19 =	sadd.s32 $0x6000, s12;
	[dreg:$0xa] =	wrdreg s18  }
0x10: {  	s9 =	sadd.s32 $0x500, s2;
	s21 =	sadd.s32 $0x7000, s12;
	[dreg:$0xb] =	wrdreg s19  }
0x11: {  	s10 =	sadd.s32 $0x600, s2;
	s22 =	sadd.s32 $0x8000, s12;
	[dreg:$0xc] =	wrdreg s21  }
0x12: {  	s11 =	sadd.s32 $0x700, s2;
	s23 =	sadd.s32 $0x9000, s12;
	[dreg:$0xd] =	wrdreg s22  }
0x13: {  	s1 =	ssub.s32 $0x2, s1;
	s24 =	sadd.s32 $0xA000, s12;
	[dreg:$0xe] =	wrdreg s23  }
0x14: {  	s20 =	sshrl.u32 s1, $0x1;
	s25 =	sadd.s32 $0xB000, s12;
	[dreg:$0xf] =	wrdreg s24  }
0x15: {  	s1 =	ssub.s32 s1, s20;
	s26 =	sadd.s32 $0xC000, s12;
	[dreg:$0x10] =	wrdreg s25  }
0x16: {  	s5 =	sadd.s32 $0x100, s2;
	s28 =	sadd.s32 $0xD000, s12;
	[dreg:$0x11] =	wrdreg s26  }
0x17: {  	v2 =	vlaneseq.u32;
	s29 =	sadd.s32 $0xE000, s12;
	s30 =	sadd.s32 $0xF000, s12;
	[dreg:$0x12] =	wrdreg s28  }
0x18: {  	vm0 =	vmmov $0xffff;
	v1 =	vshrl.u32 v2, $0x3;
	s12 =	smax.u32 s1, $0x1;
	s6 =	sadd.s32 $0x200, s2;
	[dreg:$0x13] =	wrdreg s29  }
0x19: {  	v0 =	vand.u32 $0x7, v2;
	v2 =	vor.u32 $0x8, v2;
	v1 =	vmul.u32 $0x8, v1;
	[dreg:$0x14] =	wrdreg s30;
	s22 =	simm.s32 $0x1;
	s0 =	simm.s32 $0x4  }
.LBB2_1:
0x1a: {  	[dreg:$0x17] =	wrdreg s12  }
0x1b: {  	s18 =	rddreg [dreg:$0x4]  }
0x1c: {  	s19 =	rddreg [dreg:$0x5]  }
0x1d: {  	[tilespmem:s3], [sflag:$0x7] =	stream.linear.gather [hbm4b:s18+s3], $0x400, $0x38;
	[tilespmem:$0x19800] =	vst v63  }
0x1e: {  	s20 =	rddreg [dreg:$0x15];
	s28 =	simm.s32 $0x7  }
0x1f: {  	[tilespmem:s20], [sflag:$0x8] =	stream.linear.gather [hbm4b:s19+s3], $0xC00, $0x38;
	[tilespmem:$0x19800] =	vst v63  }
0x20: {  	_ =	swait.ge [sflag:s28], $0x400  }
0x21: {  	[sflag:s28] =	ssyncset.done $0x0  }
0x22: {  	[sflag:s28] =	ssyncadd.s32 $0xFFFFFC00  }
0x23: {  	v3 =	vld [tilespmem:$0x200];
	_ =	sdelay $0x1  }
0x24: {  	v4 =	vld [tilespmem:$0x0];
	_ =	sdelay $0x2  }
0x25: {  	v3 =	vmul.u32 $0x803, v3  }
0x26: {  	v5 =	vld [tilespmem:$0x80]  }
0x27: {  	v21 =	vld [tilespmem:$0x280];
	v3 =	vadd.s32 v4, v3  }
0x28: {  	v6 =	vld [tilespmem:$0x300];
	v7 =	vshll.u32 v3, $0x4  }
0x29: {  	v8 =	vld [tilespmem:$0x380];
	v9 =	vand.u32 $0x7, v3;
	v7 =	vand.u32 $0xFFFFFF80, v7  }
0x2a: {  	v10 =	vld [tilespmem:$0x100];
	v7 =	vor.u32 v9, v7  }
0x2b: {  	v22 =	vld [tilespmem:$0x180];
	v11 =	vperm.xlane v7, v0  }
0x2c: {  	v4 =	vmul.u32 $0x803, v21  }
0x2d: {  	v6 =	vmul.u32 $0x803, v6;
	v11 =	vadd.s32 v1, v11  }
0x2e: {  	v23 =	vmul.u32 $0x803, v8;
	[tilespmem:$0x1000] =	vst v3;
	v3 =	vadd.s32 v5, v4  }
0x2f: {  	[tilespmem:$0x1080] =	vst v3;
	v3 =	vadd.s32 v10, v6  }
0x30: {  	[tilespmem:$0x1100] =	vst v3;
	v3 =	vadd.s32 v22, v23  }
0x31: {  	s1 =	simm.s32 $0x1800;
	[tilespmem:$0x1180] =	vst v3  }
0x32: {  	[tilespmem:s1], [sflag:$0x1] =	stream.indirect_vreg.gather [hbm4b:s2+s3], $0x80, v11, vm0, $0xb8;
	[tilespmem:$0x19800] =	vst v63  }
0x33: {  	s29 =	simm.s32 $0x2000  }
0x34: {  	[tilespmem:s29], [sflag:$0x1] =	stream.indirect_vreg.gather [hbm4b:s5+s3], $0x80, v11, vm0, $0xb8;
	[tilespmem:$0x19800] =	vst v63  }
0x35: {  	s30 =	simm.s32 $0x2800  }
0x36: {  	[tilespmem:s30], [sflag:$0x1] =	stream.indirect_vreg.gather [hbm4b:s6+s3], $0x80, v11, vm0, $0xb8;
	[tilespmem:$0x19800] =	vst v63  }
0x37: {  	s31 =	simm.s32 $0x3000  }
0x38: {  	[tilespmem:s31], [sflag:$0x1] =	stream.indirect_vreg.gather [hbm4b:s7+s3], $0x80, v11, vm0, $0xb8;
	[tilespmem:$0x19800] =	vst v63  }
0x39: {  	s1 =	simm.s32 $0x3800  }
0x3a: {  	[tilespmem:s1], [sflag:$0x1] =	stream.indirect_vreg.gather [hbm4b:s8+s3], $0x80, v11, vm0, $0xb8;
	[tilespmem:$0x19800] =	vst v63  }
0x3b: {  	s14 =	simm.s32 $0x4000;
	v3 =	vperm.xlane v7, v2  }
0x3c: {  	[tilespmem:s14], [sflag:$0x1] =	stream.indirect_vreg.gather [hbm4b:s9+s3], $0x80, v11, vm0, $0xb8;
	[tilespmem:$0x19800] =	vst v63  }
0x3d: {  	s15 =	simm.s32 $0x4800;
	v3 =	vadd.s32 v1, v3  }
0x3e: {  	[tilespmem:s15], [sflag:$0x1] =	stream.indirect_vreg.gather [hbm4b:s10+s3], $0x80, v11, vm0, $0xb8;
	[tilespmem:$0x19800] =	vst v63  }
0x3f: {  	s16 =	simm.s32 $0x5000  }
0x40: {  	[tilespmem:s16], [sflag:$0x1] =	stream.indirect_vreg.gather [hbm4b:s11+s3], $0x80, v11, vm0, $0xb8;
	[tilespmem:$0x19800] =	vst v63  }
0x41: {  	s17 =	simm.s32 $0x5800  }
0x42: {  	[tilespmem:s17], [sflag:$0x1] =	stream.indirect_vreg.gather [hbm4b:s2+s3], $0x80, v3, vm0, $0xb8;
	[tilespmem:$0x19800] =	vst v63  }
0x43: {  	s19 =	simm.s32 $0x6000  }
0x44: {  	[tilespmem:s19], [sflag:$0x1] =	stream.indirect_vreg.gather [hbm4b:s5+s3], $0x80, v3, vm0, $0xb8;
	[tilespmem:$0x19800] =	vst v63  }
0x45: {  	s20 =	simm.s32 $0x6800  }
0x46: {  	[tilespmem:s20], [sflag:$0x1] =	stream.indirect_vreg.gather [hbm4b:s6+s3], $0x80, v3, vm0, $0xb8;
	[tilespmem:$0x19800] =	vst v63  }
0x47: {  	s21 =	simm.s32 $0x7000  }
0x48: {  	[tilespmem:s21], [sflag:$0x1] =	stream.indirect_vreg.gather [hbm4b:s7+s3], $0x80, v3, vm0, $0xb8;
	[tilespmem:$0x19800] =	vst v63  }
0x49: {  	s23 =	simm.s32 $0x7800  }
0x4a: {  	[tilespmem:s23], [sflag:$0x1] =	stream.indirect_vreg.gather [hbm4b:s8+s3], $0x80, v3, vm0, $0xb8;
	[tilespmem:$0x19800] =	vst v63  }
0x4b: {  	s24 =	simm.s32 $0x8000  }
0x4c: {  	[tilespmem:s24], [sflag:$0x1] =	stream.indirect_vreg.gather [hbm4b:s9+s3], $0x80, v3, vm0, $0xb8;
	[tilespmem:$0x19800] =	vst v63  }
0x4d: {  	s25 =	simm.s32 $0x8800  }
0x4e: {  	[tilespmem:s25], [sflag:$0x1] =	stream.indirect_vreg.gather [hbm4b:s10+s3], $0x80, v3, vm0, $0xb8;
	[tilespmem:$0x19800] =	vst v63  }
0x4f: {  	s29 =	simm.s32 $0x9000  }
0x50: {  	[tilespmem:s29], [sflag:$0x1] =	stream.indirect_vreg.gather [hbm4b:s11+s3], $0x80, v3, vm0, $0xb8;
	[tilespmem:$0x19800] =	vst v63  }
0x51: {  	v3 =	vld [tilespmem:$0x1080];
	_ =	sdelay $0x4  }
0x52: {  	v24 =	vshll.u32 v3, $0x4  }
0x53: {  	v3 =	vand.u32 $0x7, v3;
	v4 =	vand.u32 $0xFFFFFF80, v24  }
0x54: {  	v3 =	vor.u32 v3, v4  }
0x55: {  	v4 =	vperm.xlane v3, v0;
	_ =	sdelay $0x1  }
0x56: {  	v4 =	vadd.s32 v1, v4;
	_ =	sdelay $0x3  }
0x57: {  	s14 =	simm.s32 $0x9800  }
0x58: {  	[tilespmem:s14], [sflag:$0x2] =	stream.indirect_vreg.gather [hbm4b:s2+s3], $0x80, v4, vm0, $0xb8;
	[tilespmem:$0x19800] =	vst v63  }
0x59: {  	s30 =	simm.s32 $0xA000  }
0x5a: {  	[tilespmem:s30], [sflag:$0x2] =	stream.indirect_vreg.gather [hbm4b:s5+s3], $0x80, v4, vm0, $0xb8;
	[tilespmem:$0x19800] =	vst v63  }
0x5b: {  	s31 =	simm.s32 $0xA800  }
0x5c: {  	[tilespmem:s31], [sflag:$0x2] =	stream.indirect_vreg.gather [hbm4b:s6+s3], $0x80, v4, vm0, $0xb8;
	[tilespmem:$0x19800] =	vst v63  }
0x5d: {  	s14 =	simm.s32 $0xB000  }
0x5e: {  	[tilespmem:s14], [sflag:$0x2] =	stream.indirect_vreg.gather [hbm4b:s7+s3], $0x80, v4, vm0, $0xb8;
	[tilespmem:$0x19800] =	vst v63  }
0x5f: {  	s18 =	simm.s32 $0xB800  }
0x60: {  	[tilespmem:s18], [sflag:$0x2] =	stream.indirect_vreg.gather [hbm4b:s8+s3], $0x80, v4, vm0, $0xb8;
	[tilespmem:$0x19800] =	vst v63  }
0x61: {  	v3 =	vperm.xlane v3, v2;
	s30 =	simm.s32 $0xC000  }
0x62: {  	[tilespmem:s30], [sflag:$0x2] =	stream.indirect_vreg.gather [hbm4b:s9+s3], $0x80, v4, vm0, $0xb8;
	[tilespmem:$0x19800] =	vst v63  }
0x63: {  	v3 =	vadd.s32 v1, v3;
	s31 =	simm.s32 $0xC800  }
0x64: {  	[tilespmem:s31], [sflag:$0x2] =	stream.indirect_vreg.gather [hbm4b:s10+s3], $0x80, v4, vm0, $0xb8;
	[tilespmem:$0x19800] =	vst v63  }
0x65: {  	s14 =	simm.s32 $0xD000  }
0x66: {  	[tilespmem:s14], [sflag:$0x2] =	stream.indirect_vreg.gather [hbm4b:s11+s3], $0x80, v4, vm0, $0xb8;
	[tilespmem:$0x19800] =	vst v63  }
0x67: {  	s18 =	simm.s32 $0xD800  }
0x68: {  	[tilespmem:s18], [sflag:$0x2] =	stream.indirect_vreg.gather [hbm4b:s2+s3], $0x80, v3, vm0, $0xb8;
	[tilespmem:$0x19800] =	vst v63  }
0x69: {  	s30 =	simm.s32 $0xE000  }
0x6a: {  	[tilespmem:s30], [sflag:$0x2] =	stream.indirect_vreg.gather [hbm4b:s5+s3], $0x80, v3, vm0, $0xb8;
	[tilespmem:$0x19800] =	vst v63  }
0x6b: {  	s31 =	simm.s32 $0xE800  }
0x6c: {  	[tilespmem:s31], [sflag:$0x2] =	stream.indirect_vreg.gather [hbm4b:s6+s3], $0x80, v3, vm0, $0xb8;
	[tilespmem:$0x19800] =	vst v63  }
0x6d: {  	s14 =	simm.s32 $0xF000  }
0x6e: {  	[tilespmem:s14], [sflag:$0x2] =	stream.indirect_vreg.gather [hbm4b:s7+s3], $0x80, v3, vm0, $0xb8;
	[tilespmem:$0x19800] =	vst v63  }
0x6f: {  	s18 =	simm.s32 $0xF800  }
0x70: {  	[tilespmem:s18], [sflag:$0x2] =	stream.indirect_vreg.gather [hbm4b:s8+s3], $0x80, v3, vm0, $0xb8;
	[tilespmem:$0x19800] =	vst v63  }
0x71: {  	s30 =	simm.s32 $0x10000  }
0x72: {  	[tilespmem:s30], [sflag:$0x2] =	stream.indirect_vreg.gather [hbm4b:s9+s3], $0x80, v3, vm0, $0xb8;
	[tilespmem:$0x19800] =	vst v63  }
0x73: {  	s31 =	simm.s32 $0x10800  }
0x74: {  	[tilespmem:s31], [sflag:$0x2] =	stream.indirect_vreg.gather [hbm4b:s10+s3], $0x80, v3, vm0, $0xb8;
	[tilespmem:$0x19800] =	vst v63  }
0x75: {  	s14 =	simm.s32 $0x11000  }
0x76: {  	[tilespmem:s14], [sflag:$0x2] =	stream.indirect_vreg.gather [hbm4b:s11+s3], $0x80, v3, vm0, $0xb8;
	[tilespmem:$0x19800] =	vst v63  }
0x77: {  	v3 =	vld [tilespmem:$0x1100];
	_ =	sdelay $0x4  }
0x78: {  	v25 =	vshll.u32 v3, $0x4  }
0x79: {  	v3 =	vand.u32 $0x7, v3;
	v4 =	vand.u32 $0xFFFFFF80, v25  }
0x7a: {  	v3 =	vor.u32 v3, v4  }
0x7b: {  	v4 =	vperm.xlane v3, v0;
	_ =	sdelay $0x1  }
0x7c: {  	v4 =	vadd.s32 v1, v4;
	_ =	sdelay $0x3  }
0x7d: {  	s18 =	simm.s32 $0x11800  }
0x7e: {  	[tilespmem:s18], [sflag:$0x3] =	stream.indirect_vreg.gather [hbm4b:s2+s3], $0x80, v4, vm0, $0xb8;
	[tilespmem:$0x19800] =	vst v63  }
0x7f: {  	s30 =	simm.s32 $0x12000  }
0x80: {  	[tilespmem:s30], [sflag:$0x3] =	stream.indirect_vreg.gather [hbm4b:s5+s3], $0x80, v4, vm0, $0xb8;
	[tilespmem:$0x19800] =	vst v63  }
0x81: {  	s31 =	simm.s32 $0x12800  }
0x82: {  	[tilespmem:s31], [sflag:$0x3] =	stream.indirect_vreg.gather [hbm4b:s6+s3], $0x80, v4, vm0, $0xb8;
	[tilespmem:$0x19800] =	vst v63  }
0x83: {  	s1 =	simm.s32 $0x13000  }
0x84: {  	[tilespmem:s1], [sflag:$0x3] =	stream.indirect_vreg.gather [hbm4b:s7+s3], $0x80, v4, vm0, $0xb8;
	[tilespmem:$0x19800] =	vst v63  }
0x85: {  	s14 =	simm.s32 $0x13800  }
0x86: {  	[tilespmem:s14], [sflag:$0x3] =	stream.indirect_vreg.gather [hbm4b:s8+s3], $0x80, v4, vm0, $0xb8;
	[tilespmem:$0x19800] =	vst v63  }
0x87: {  	v3 =	vperm.xlane v3, v2;
	s30 =	simm.s32 $0x14000  }
0x88: {  	[tilespmem:s30], [sflag:$0x3] =	stream.indirect_vreg.gather [hbm4b:s9+s3], $0x80, v4, vm0, $0xb8;
	[tilespmem:$0x19800] =	vst v63  }
0x89: {  	v3 =	vadd.s32 v1, v3;
	s31 =	simm.s32 $0x14800  }
0x8a: {  	[tilespmem:s31], [sflag:$0x3] =	stream.indirect_vreg.gather [hbm4b:s10+s3], $0x80, v4, vm0, $0xb8;
	[tilespmem:$0x19800] =	vst v63  }
0x8b: {  	s1 =	simm.s32 $0x15000  }
0x8c: {  	[tilespmem:s1], [sflag:$0x3] =	stream.indirect_vreg.gather [hbm4b:s11+s3], $0x80, v4, vm0, $0xb8;
	[tilespmem:$0x19800] =	vst v63  }
0x8d: {  	s14 =	simm.s32 $0x15800  }
0x8e: {  	[tilespmem:s14], [sflag:$0x3] =	stream.indirect_vreg.gather [hbm4b:s2+s3], $0x80, v3, vm0, $0xb8;
	[tilespmem:$0x19800] =	vst v63  }
0x8f: {  	s30 =	simm.s32 $0x16000  }
0x90: {  	[tilespmem:s30], [sflag:$0x3] =	stream.indirect_vreg.gather [hbm4b:s5+s3], $0x80, v3, vm0, $0xb8;
	[tilespmem:$0x19800] =	vst v63  }
0x91: {  	s31 =	simm.s32 $0x16800  }
0x92: {  	[tilespmem:s31], [sflag:$0x3] =	stream.indirect_vreg.gather [hbm4b:s6+s3], $0x80, v3, vm0, $0xb8;
	[tilespmem:$0x19800] =	vst v63  }
0x93: {  	s1 =	simm.s32 $0x17000  }
0x94: {  	[tilespmem:s1], [sflag:$0x3] =	stream.indirect_vreg.gather [hbm4b:s7+s3], $0x80, v3, vm0, $0xb8;
	[tilespmem:$0x19800] =	vst v63  }
0x95: {  	s14 =	simm.s32 $0x17800  }
0x96: {  	[tilespmem:s14], [sflag:$0x3] =	stream.indirect_vreg.gather [hbm4b:s8+s3], $0x80, v3, vm0, $0xb8;
	[tilespmem:$0x19800] =	vst v63  }
0x97: {  	s30 =	simm.s32 $0x18000  }
0x98: {  	[tilespmem:s30], [sflag:$0x3] =	stream.indirect_vreg.gather [hbm4b:s9+s3], $0x80, v3, vm0, $0xb8;
	[tilespmem:$0x19800] =	vst v63  }
0x99: {  	s31 =	simm.s32 $0x18800  }
0x9a: {  	[tilespmem:s31], [sflag:$0x3] =	stream.indirect_vreg.gather [hbm4b:s10+s3], $0x80, v3, vm0, $0xb8;
	[tilespmem:$0x19800] =	vst v63  }
0x9b: {  	s1 =	simm.s32 $0x19000;
	s14 =	simm.s32 $0x8  }
0x9c: {  	[tilespmem:s1], [sflag:$0x3] =	stream.indirect_vreg.gather [hbm4b:s11+s3], $0x80, v3, vm0, $0xb8;
	[tilespmem:$0x19800] =	vst v63  }
0x9d: {  	_ =	swait.ge [sflag:s14], $0xC00  }
0x9e: {  	[sflag:s14] =	ssyncset.done $0x0  }
0x9f: {  	[sflag:s14] =	ssyncadd.s32 $0xFFFFF400  }
0xa0: {  	v3 =	vld [tilespmem:$0x400]  }
0xa1: {  	v26 =	vld [tilespmem:$0xA00]  }
0xa2: {  	v27 =	vld [tilespmem:$0x480]  }
0xa3: {  	v28 =	vld [tilespmem:$0xA80]  }
0xa4: {  	v29 =	vld [tilespmem:$0x500]  }
0xa5: {  	v30 =	vld [tilespmem:$0xB00]  }
0xa6: {  	v31 =	vld [tilespmem:$0x580]  }
0xa7: {  	v32 =	vld [tilespmem:$0xB80]  }
0xa8: {  	v33 =	vld [tilespmem:$0x600]  }
0xa9: {  	v12 =	vld [tilespmem:$0xC00]  }
0xaa: {  	v13 =	vld [tilespmem:$0x680]  }
0xab: {  	v14 =	vld [tilespmem:$0xC80]  }
0xac: {  	v15 =	vld [tilespmem:$0x700]  }
0xad: {  	v16 =	vld [tilespmem:$0xD00]  }
0xae: {  	v17 =	vld [tilespmem:$0x780]  }
0xaf: {  	v18 =	vld [tilespmem:$0xD80];
	v4 =	vmul.u32 $0x803, v26  }
0xb0: {  	v19 =	vld [tilespmem:$0x800];
	v6 =	vmul.u32 $0x803, v28  }
0xb1: {  	v35 =	vld [tilespmem:$0xE00];
	v34 =	vmul.u32 $0x803, v30;
	v3 =	vadd.s32 v3, v4  }
0xb2: {  	v37 =	vld [tilespmem:$0x880];
	v36 =	vmul.u32 $0x803, v32;
	[tilespmem:$0x1200] =	vst v3;
	v3 =	vadd.s32 v27, v6  }
0xb3: {  	v39 =	vld [tilespmem:$0xE80];
	v38 =	vmul.u32 $0x803, v12;
	[tilespmem:$0x1280] =	vst v3;
	v3 =	vadd.s32 v29, v34  }
0xb4: {  	v41 =	vld [tilespmem:$0xF00];
	v40 =	vmul.u32 $0x803, v14;
	[tilespmem:$0x1300] =	vst v3;
	v3 =	vadd.s32 v31, v36  }
0xb5: {  	v43 =	vld [tilespmem:$0xF80];
	v42 =	vmul.u32 $0x803, v16;
	[tilespmem:$0x1380] =	vst v3;
	v3 =	vadd.s32 v33, v38  }
0xb6: {  	v45 =	vld [tilespmem:$0x900];
	v44 =	vmul.u32 $0x803, v18;
	[tilespmem:$0x1400] =	vst v3;
	v3 =	vadd.s32 v13, v40  }
0xb7: {  	v47 =	vld [tilespmem:$0x980];
	v46 =	vmul.u32 $0x803, v35;
	[tilespmem:$0x1480] =	vst v3;
	v3 =	vadd.s32 v15, v42  }
0xb8: {  	v48 =	vmul.u32 $0x803, v39;
	[tilespmem:$0x1500] =	vst v3;
	v3 =	vadd.s32 v17, v44  }
0xb9: {  	v49 =	vmul.u32 $0x803, v41;
	[tilespmem:$0x1580] =	vst v3;
	v3 =	vadd.s32 v19, v46  }
0xba: {  	v50 =	vmul.u32 $0x803, v43;
	[tilespmem:$0x1600] =	vst v3;
	v3 =	vadd.s32 v37, v48  }
0xbb: {  	[tilespmem:$0x1680] =	vst v3;
	v3 =	vadd.s32 v45, v49  }
0xbc: {  	[tilespmem:$0x1700] =	vst v3;
	v3 =	vadd.s32 v47, v50  }
0xbd: {  	[tilespmem:$0x1780] =	vst v3  }
0xbe: {  	_ =	swait.ge [sflag:s22], $0x8000  }
0xbf: {  	[sflag:s22] =	ssyncset.done $0x0  }
0xc0: {  	s31 =	simm.s32 $0x1800;
	s30 =	rddreg [dreg:$0x16];
	[sflag:s22] =	ssyncadd.s32 $0xFFFF8000  }
0xc1: {  	[hbm4b:s30+s3] =	stream.linear.scatter [tilespmem:s31], [sflag:$0x4], $0x8000, $0x38;
	[tilespmem:$0x19800] =	vst v63  }
0xc2: {  	_ =	swait.ge [sflag:s0], $0x8000  }
0xc3: {  	[sflag:s0] =	ssyncset.done $0x0  }
0xc4: {  	[sflag:s0] =	ssyncadd.s32 $0xFFFF8000  }
0xc5: {  	v3 =	vld [tilespmem:$0x1180];
	_ =	sdelay $0x4  }
0xc6: {  	v51 =	vshll.u32 v3, $0x4  }
0xc7: {  	v3 =	vand.u32 $0x7, v3;
	v4 =	vand.u32 $0xFFFFFF80, v51  }
0xc8: {  	v3 =	vor.u32 v3, v4  }
0xc9: {  	v4 =	vperm.xlane v3, v0;
	_ =	sdelay $0x1  }
0xca: {  	v4 =	vadd.s32 v1, v4;
	_ =	sdelay $0x4  }
0xcb: {  	[tilespmem:s31], [sflag:$0x1] =	stream.indirect_vreg.gather [hbm4b:s2+s3], $0x80, v4, vm0, $0xb8;
	[tilespmem:$0x19800] =	vst v63  }
0xcc: {  	s4 =	simm.s32 $0x2000  }
0xcd: {  	[tilespmem:s4], [sflag:$0x1] =	stream.indirect_vreg.gather [hbm4b:s5+s3], $0x80, v4, vm0, $0xb8;
	[tilespmem:$0x19800] =	vst v63  }
0xce: {  	s12 =	simm.s32 $0x2800  }
0xcf: {  	[tilespmem:s12], [sflag:$0x1] =	stream.indirect_vreg.gather [hbm4b:s6+s3], $0x80, v4, vm0, $0xb8;
	[tilespmem:$0x19800] =	vst v63  }
0xd0: {  	s13 =	simm.s32 $0x3000  }
0xd1: {  	[tilespmem:s13], [sflag:$0x1] =	stream.indirect_vreg.gather [hbm4b:s7+s3], $0x80, v4, vm0, $0xb8;
	[tilespmem:$0x19800] =	vst v63  }
0xd2: {  	s26 =	simm.s32 $0x3800  }
0xd3: {  	[tilespmem:s26], [sflag:$0x1] =	stream.indirect_vreg.gather [hbm4b:s8+s3], $0x80, v4, vm0, $0xb8;
	[tilespmem:$0x19800] =	vst v63  }
0xd4: {  	s28 =	simm.s32 $0x4000;
	v3 =	vperm.xlane v3, v2  }
0xd5: {  	[tilespmem:s28], [sflag:$0x1] =	stream.indirect_vreg.gather [hbm4b:s9+s3], $0x80, v4, vm0, $0xb8;
	[tilespmem:$0x19800] =	vst v63  }
0xd6: {  	s15 =	simm.s32 $0x4800;
	v3 =	vadd.s32 v1, v3  }
0xd7: {  	[tilespmem:s15], [sflag:$0x1] =	stream.indirect_vreg.gather [hbm4b:s10+s3], $0x80, v4, vm0, $0xb8;
	[tilespmem:$0x19800] =	vst v63  }
0xd8: {  	s16 =	simm.s32 $0x5000  }
0xd9: {  	[tilespmem:s16], [sflag:$0x1] =	stream.indirect_vreg.gather [hbm4b:s11+s3], $0x80, v4, vm0, $0xb8;
	[tilespmem:$0x19800] =	vst v63  }
0xda: {  	s17 =	simm.s32 $0x5800  }
0xdb: {  	[tilespmem:s17], [sflag:$0x1] =	stream.indirect_vreg.gather [hbm4b:s2+s3], $0x80, v3, vm0, $0xb8;
	[tilespmem:$0x19800] =	vst v63  }
0xdc: {  	s19 =	simm.s32 $0x6000  }
0xdd: {  	[tilespmem:s19], [sflag:$0x1] =	stream.indirect_vreg.gather [hbm4b:s5+s3], $0x80, v3, vm0, $0xb8;
	[tilespmem:$0x19800] =	vst v63  }
0xde: {  	s20 =	simm.s32 $0x6800  }
0xdf: {  	[tilespmem:s20], [sflag:$0x1] =	stream.indirect_vreg.gather [hbm4b:s6+s3], $0x80, v3, vm0, $0xb8;
	[tilespmem:$0x19800] =	vst v63  }
0xe0: {  	s21 =	simm.s32 $0x7000  }
0xe1: {  	[tilespmem:s21], [sflag:$0x1] =	stream.indirect_vreg.gather [hbm4b:s7+s3], $0x80, v3, vm0, $0xb8;
	[tilespmem:$0x19800] =	vst v63  }
0xe2: {  	s23 =	simm.s32 $0x7800  }
0xe3: {  	[tilespmem:s23], [sflag:$0x1] =	stream.indirect_vreg.gather [hbm4b:s8+s3], $0x80, v3, vm0, $0xb8;
	[tilespmem:$0x19800] =	vst v63  }
0xe4: {  	s24 =	simm.s32 $0x8000  }
0xe5: {  	[tilespmem:s24], [sflag:$0x1] =	stream.indirect_vreg.gather [hbm4b:s9+s3], $0x80, v3, vm0, $0xb8;
	[tilespmem:$0x19800] =	vst v63  }
0xe6: {  	s25 =	simm.s32 $0x8800  }
0xe7: {  	[tilespmem:s25], [sflag:$0x1] =	stream.indirect_vreg.gather [hbm4b:s10+s3], $0x80, v3, vm0, $0xb8;
	[tilespmem:$0x19800] =	vst v63  }
0xe8: {  	s29 =	simm.s32 $0x9000;
	s15 =	simm.s32 $0x2  }
0xe9: {  	[tilespmem:s29], [sflag:$0x1] =	stream.indirect_vreg.gather [hbm4b:s11+s3], $0x80, v3, vm0, $0xb8;
	[tilespmem:$0x19800] =	vst v63  }
0xea: {  	_ =	swait.ge [sflag:s15], $0x8000  }
0xeb: {  	s13 =	simm.s32 $0x9800;
	[sflag:s15] =	ssyncset.done $0x0  }
0xec: {  	s16 =	simm.s32 $0x5;
	s12 =	rddreg [dreg:$0x6];
	[sflag:s15] =	ssyncadd.s32 $0xFFFF8000  }
0xed: {  	[hbm4b:s12+s3] =	stream.linear.scatter [tilespmem:s13], [sflag:$0x5], $0x8000, $0x38;
	[tilespmem:$0x19800] =	vst v63  }
0xee: {  	_ =	swait.ge [sflag:s16], $0x8000  }
0xef: {  	[sflag:s16] =	ssyncset.done $0x0  }
0xf0: {  	[sflag:s16] =	ssyncadd.s32 $0xFFFF8000  }
0xf1: {  	v3 =	vld [tilespmem:$0x1200];
	_ =	sdelay $0x4  }
0xf2: {  	v52 =	vshll.u32 v3, $0x4  }
0xf3: {  	v3 =	vand.u32 $0x7, v3;
	v4 =	vand.u32 $0xFFFFFF80, v52  }
0xf4: {  	v3 =	vor.u32 v3, v4  }
0xf5: {  	v4 =	vperm.xlane v3, v0;
	_ =	sdelay $0x1  }
0xf6: {  	v4 =	vadd.s32 v1, v4;
	_ =	sdelay $0x4  }
0xf7: {  	[tilespmem:s13], [sflag:$0x2] =	stream.indirect_vreg.gather [hbm4b:s2+s3], $0x80, v4, vm0, $0xb8;
	[tilespmem:$0x19800] =	vst v63  }
0xf8: {  	s13 =	simm.s32 $0xA000  }
0xf9: {  	[tilespmem:s13], [sflag:$0x2] =	stream.indirect_vreg.gather [hbm4b:s5+s3], $0x80, v4, vm0, $0xb8;
	[tilespmem:$0x19800] =	vst v63  }
0xfa: {  	s14 =	simm.s32 $0xA800  }
0xfb: {  	[tilespmem:s14], [sflag:$0x2] =	stream.indirect_vreg.gather [hbm4b:s6+s3], $0x80, v4, vm0, $0xb8;
	[tilespmem:$0x19800] =	vst v63  }
0xfc: {  	s17 =	simm.s32 $0xB000  }
0xfd: {  	[tilespmem:s17], [sflag:$0x2] =	stream.indirect_vreg.gather [hbm4b:s7+s3], $0x80, v4, vm0, $0xb8;
	[tilespmem:$0x19800] =	vst v63  }
0xfe: {  	s18 =	simm.s32 $0xB800  }
0xff: {  	[tilespmem:s18], [sflag:$0x2] =	stream.indirect_vreg.gather [hbm4b:s8+s3], $0x80, v4, vm0, $0xb8;
	[tilespmem:$0x19800] =	vst v63  }
0x100: {  	s19 =	simm.s32 $0xC000;
	v3 =	vperm.xlane v3, v2  }
0x101: {  	[tilespmem:s19], [sflag:$0x2] =	stream.indirect_vreg.gather [hbm4b:s9+s3], $0x80, v4, vm0, $0xb8;
	[tilespmem:$0x19800] =	vst v63  }
0x102: {  	s20 =	simm.s32 $0xC800;
	v3 =	vadd.s32 v1, v3  }
0x103: {  	[tilespmem:s20], [sflag:$0x2] =	stream.indirect_vreg.gather [hbm4b:s10+s3], $0x80, v4, vm0, $0xb8;
	[tilespmem:$0x19800] =	vst v63  }
0x104: {  	s21 =	simm.s32 $0xD000  }
0x105: {  	[tilespmem:s21], [sflag:$0x2] =	stream.indirect_vreg.gather [hbm4b:s11+s3], $0x80, v4, vm0, $0xb8;
	[tilespmem:$0x19800] =	vst v63  }
0x106: {  	s23 =	simm.s32 $0xD800  }
0x107: {  	[tilespmem:s23], [sflag:$0x2] =	stream.indirect_vreg.gather [hbm4b:s2+s3], $0x80, v3, vm0, $0xb8;
	[tilespmem:$0x19800] =	vst v63  }
0x108: {  	s24 =	simm.s32 $0xE000  }
0x109: {  	[tilespmem:s24], [sflag:$0x2] =	stream.indirect_vreg.gather [hbm4b:s5+s3], $0x80, v3, vm0, $0xb8;
	[tilespmem:$0x19800] =	vst v63  }
0x10a: {  	s25 =	simm.s32 $0xE800  }
0x10b: {  	[tilespmem:s25], [sflag:$0x2] =	stream.indirect_vreg.gather [hbm4b:s6+s3], $0x80, v3, vm0, $0xb8;
	[tilespmem:$0x19800] =	vst v63  }
0x10c: {  	s26 =	simm.s32 $0xF000  }
0x10d: {  	[tilespmem:s26], [sflag:$0x2] =	stream.indirect_vreg.gather [hbm4b:s7+s3], $0x80, v3, vm0, $0xb8;
	[tilespmem:$0x19800] =	vst v63  }
0x10e: {  	s28 =	simm.s32 $0xF800  }
0x10f: {  	[tilespmem:s28], [sflag:$0x2] =	stream.indirect_vreg.gather [hbm4b:s8+s3], $0x80, v3, vm0, $0xb8;
	[tilespmem:$0x19800] =	vst v63  }
0x110: {  	s29 =	simm.s32 $0x10000  }
0x111: {  	[tilespmem:s29], [sflag:$0x2] =	stream.indirect_vreg.gather [hbm4b:s9+s3], $0x80, v3, vm0, $0xb8;
	[tilespmem:$0x19800] =	vst v63  }
0x112: {  	s30 =	simm.s32 $0x10800  }
0x113: {  	[tilespmem:s30], [sflag:$0x2] =	stream.indirect_vreg.gather [hbm4b:s10+s3], $0x80, v3, vm0, $0xb8;
	[tilespmem:$0x19800] =	vst v63  }
0x114: {  	s31 =	simm.s32 $0x11000;
	s17 =	simm.s32 $0x3  }
0x115: {  	[tilespmem:s31], [sflag:$0x2] =	stream.indirect_vreg.gather [hbm4b:s11+s3], $0x80, v3, vm0, $0xb8;
	[tilespmem:$0x19800] =	vst v63  }
0x116: {  	_ =	swait.ge [sflag:s17], $0x8000  }
0x117: {  	[sflag:s17] =	ssyncset.done $0x0  }
0x118: {  	s4 =	simm.s32 $0x11800;
	s1 =	rddreg [dreg:$0x7];
	[sflag:s17] =	ssyncadd.s32 $0xFFFF8000  }
0x119: {  	[hbm4b:s1+s3] =	stream.linear.scatter [tilespmem:s4], [sflag:$0x6], $0x8000, $0x38;
	[tilespmem:$0x19800] =	vst v63  }
0x11a: {  	s1 =	simm.s32 $0x6  }
0x11b: {  	_ =	swait.ge [sflag:s1], $0x8000  }
0x11c: {  	[sflag:s1] =	ssyncset.done $0x0  }
0x11d: {  	[sflag:s1] =	ssyncadd.s32 $0xFFFF8000  }
0x11e: {  	v3 =	vld [tilespmem:$0x1280];
	_ =	sdelay $0x4  }
0x11f: {  	v53 =	vshll.u32 v3, $0x4  }
0x120: {  	v3 =	vand.u32 $0x7, v3;
	v4 =	vand.u32 $0xFFFFFF80, v53  }
0x121: {  	v3 =	vor.u32 v3, v4  }
0x122: {  	v4 =	vperm.xlane v3, v0;
	_ =	sdelay $0x1  }
0x123: {  	v4 =	vadd.s32 v1, v4;
	_ =	sdelay $0x4  }
0x124: {  	[tilespmem:s4], [sflag:$0x3] =	stream.indirect_vreg.gather [hbm4b:s2+s3], $0x80, v4, vm0, $0xb8;
	[tilespmem:$0x19800] =	vst v63  }
0x125: {  	s19 =	simm.s32 $0x12000  }
0x126: {  	[tilespmem:s19], [sflag:$0x3] =	stream.indirect_vreg.gather [hbm4b:s5+s3], $0x80, v4, vm0, $0xb8;
	[tilespmem:$0x19800] =	vst v63  }
0x127: {  	s20 =	simm.s32 $0x12800  }
0x128: {  	[tilespmem:s20], [sflag:$0x3] =	stream.indirect_vreg.gather [hbm4b:s6+s3], $0x80, v4, vm0, $0xb8;
	[tilespmem:$0x19800] =	vst v63  }
0x129: {  	s14 =	simm.s32 $0x13000  }
0x12a: {  	[tilespmem:s14], [sflag:$0x3] =	stream.indirect_vreg.gather [hbm4b:s7+s3], $0x80, v4, vm0, $0xb8;
	[tilespmem:$0x19800] =	vst v63  }
0x12b: {  	s12 =	simm.s32 $0x13800  }
0x12c: {  	[tilespmem:s12], [sflag:$0x3] =	stream.indirect_vreg.gather [hbm4b:s8+s3], $0x80, v4, vm0, $0xb8;
	[tilespmem:$0x19800] =	vst v63  }
0x12d: {  	v3 =	vperm.xlane v3, v2;
	s14 =	simm.s32 $0x14000  }
0x12e: {  	[tilespmem:s14], [sflag:$0x3] =	stream.indirect_vreg.gather [hbm4b:s9+s3], $0x80, v4, vm0, $0xb8;
	[tilespmem:$0x19800] =	vst v63  }
0x12f: {  	s18 =	simm.s32 $0x14800;
	v3 =	vadd.s32 v1, v3  }
0x130: {  	[tilespmem:s18], [sflag:$0x3] =	stream.indirect_vreg.gather [hbm4b:s10+s3], $0x80, v4, vm0, $0xb8;
	[tilespmem:$0x19800] =	vst v63  }
0x131: {  	s23 =	simm.s32 $0x15000  }
0x132: {  	[tilespmem:s23], [sflag:$0x3] =	stream.indirect_vreg.gather [hbm4b:s11+s3], $0x80, v4, vm0, $0xb8;
	[tilespmem:$0x19800] =	vst v63  }
0x133: {  	s24 =	simm.s32 $0x15800  }
0x134: {  	[tilespmem:s24], [sflag:$0x3] =	stream.indirect_vreg.gather [hbm4b:s2+s3], $0x80, v3, vm0, $0xb8;
	[tilespmem:$0x19800] =	vst v63  }
0x135: {  	s25 =	simm.s32 $0x16000  }
0x136: {  	[tilespmem:s25], [sflag:$0x3] =	stream.indirect_vreg.gather [hbm4b:s5+s3], $0x80, v3, vm0, $0xb8;
	[tilespmem:$0x19800] =	vst v63  }
0x137: {  	s26 =	simm.s32 $0x16800  }
0x138: {  	[tilespmem:s26], [sflag:$0x3] =	stream.indirect_vreg.gather [hbm4b:s6+s3], $0x80, v3, vm0, $0xb8;
	[tilespmem:$0x19800] =	vst v63  }
0x139: {  	s28 =	simm.s32 $0x17000  }
0x13a: {  	[tilespmem:s28], [sflag:$0x3] =	stream.indirect_vreg.gather [hbm4b:s7+s3], $0x80, v3, vm0, $0xb8;
	[tilespmem:$0x19800] =	vst v63  }
0x13b: {  	s29 =	simm.s32 $0x17800  }
0x13c: {  	[tilespmem:s29], [sflag:$0x3] =	stream.indirect_vreg.gather [hbm4b:s8+s3], $0x80, v3, vm0, $0xb8;
	[tilespmem:$0x19800] =	vst v63  }
0x13d: {  	s30 =	simm.s32 $0x18000  }
0x13e: {  	[tilespmem:s30], [sflag:$0x3] =	stream.indirect_vreg.gather [hbm4b:s9+s3], $0x80, v3, vm0, $0xb8;
	[tilespmem:$0x19800] =	vst v63  }
0x13f: {  	s31 =	simm.s32 $0x18800  }
0x140: {  	[tilespmem:s31], [sflag:$0x3] =	stream.indirect_vreg.gather [hbm4b:s10+s3], $0x80, v3, vm0, $0xb8;
	[tilespmem:$0x19800] =	vst v63  }
0x141: {  	s21 =	simm.s32 $0x19000  }
0x142: {  	[tilespmem:s21], [sflag:$0x3] =	stream.indirect_vreg.gather [hbm4b:s11+s3], $0x80, v3, vm0, $0xb8;
	[tilespmem:$0x19800] =	vst v63  }
0x143: {  	_ =	swait.ge [sflag:s22], $0x8000  }
0x144: {  	[sflag:s22] =	ssyncset.done $0x0  }
0x145: {  	s21 =	simm.s32 $0x1800;
	s4 =	rddreg [dreg:$0x8];
	[sflag:s22] =	ssyncadd.s32 $0xFFFF8000  }
0x146: {  	[hbm4b:s4+s3] =	stream.linear.scatter [tilespmem:s21], [sflag:$0x4], $0x8000, $0x38;
	[tilespmem:$0x19800] =	vst v63  }
0x147: {  	_ =	swait.ge [sflag:s0], $0x8000  }
0x148: {  	[sflag:s0] =	ssyncset.done $0x0  }
0x149: {  	[sflag:s0] =	ssyncadd.s32 $0xFFFF8000  }
0x14a: {  	v3 =	vld [tilespmem:$0x1300];
	_ =	sdelay $0x4  }
0x14b: {  	v54 =	vshll.u32 v3, $0x4  }
0x14c: {  	v3 =	vand.u32 $0x7, v3;
	v4 =	vand.u32 $0xFFFFFF80, v54  }
0x14d: {  	v3 =	vor.u32 v3, v4  }
0x14e: {  	v4 =	vperm.xlane v3, v0;
	_ =	sdelay $0x1  }
0x14f: {  	v4 =	vadd.s32 v1, v4;
	_ =	sdelay $0x4  }
0x150: {  	[tilespmem:s21], [sflag:$0x1] =	stream.indirect_vreg.gather [hbm4b:s2+s3], $0x80, v4, vm0, $0xb8;
	[tilespmem:$0x19800] =	vst v63  }
0x151: {  	s4 =	simm.s32 $0x2000  }
0x152: {  	[tilespmem:s4], [sflag:$0x1] =	stream.indirect_vreg.gather [hbm4b:s5+s3], $0x80, v4, vm0, $0xb8;
	[tilespmem:$0x19800] =	vst v63  }
0x153: {  	s21 =	simm.s32 $0x2800  }
0x154: {  	[tilespmem:s21], [sflag:$0x1] =	stream.indirect_vreg.gather [hbm4b:s6+s3], $0x80, v4, vm0, $0xb8;
	[tilespmem:$0x19800] =	vst v63  }
0x155: {  	s21 =	simm.s32 $0x3000  }
0x156: {  	[tilespmem:s21], [sflag:$0x1] =	stream.indirect_vreg.gather [hbm4b:s7+s3], $0x80, v4, vm0, $0xb8;
	[tilespmem:$0x19800] =	vst v63  }
0x157: {  	s21 =	simm.s32 $0x3800  }
0x158: {  	[tilespmem:s21], [sflag:$0x1] =	stream.indirect_vreg.gather [hbm4b:s8+s3], $0x80, v4, vm0, $0xb8;
	[tilespmem:$0x19800] =	vst v63  }
0x159: {  	v3 =	vperm.xlane v3, v2;
	s21 =	simm.s32 $0x4000  }
0x15a: {  	[tilespmem:s21], [sflag:$0x1] =	stream.indirect_vreg.gather [hbm4b:s9+s3], $0x80, v4, vm0, $0xb8;
	[tilespmem:$0x19800] =	vst v63  }
0x15b: {  	v3 =	vadd.s32 v1, v3;
	s21 =	simm.s32 $0x4800  }
0x15c: {  	[tilespmem:s21], [sflag:$0x1] =	stream.indirect_vreg.gather [hbm4b:s10+s3], $0x80, v4, vm0, $0xb8;
	[tilespmem:$0x19800] =	vst v63  }
0x15d: {  	s21 =	simm.s32 $0x5000  }
0x15e: {  	[tilespmem:s21], [sflag:$0x1] =	stream.indirect_vreg.gather [hbm4b:s11+s3], $0x80, v4, vm0, $0xb8;
	[tilespmem:$0x19800] =	vst v63  }
0x15f: {  	s21 =	simm.s32 $0x5800  }
0x160: {  	[tilespmem:s21], [sflag:$0x1] =	stream.indirect_vreg.gather [hbm4b:s2+s3], $0x80, v3, vm0, $0xb8;
	[tilespmem:$0x19800] =	vst v63  }
0x161: {  	s21 =	simm.s32 $0x6000  }
0x162: {  	[tilespmem:s21], [sflag:$0x1] =	stream.indirect_vreg.gather [hbm4b:s5+s3], $0x80, v3, vm0, $0xb8;
	[tilespmem:$0x19800] =	vst v63  }
0x163: {  	s21 =	simm.s32 $0x6800  }
0x164: {  	[tilespmem:s21], [sflag:$0x1] =	stream.indirect_vreg.gather [hbm4b:s6+s3], $0x80, v3, vm0, $0xb8;
	[tilespmem:$0x19800] =	vst v63  }
0x165: {  	s21 =	simm.s32 $0x7000  }
0x166: {  	[tilespmem:s21], [sflag:$0x1] =	stream.indirect_vreg.gather [hbm4b:s7+s3], $0x80, v3, vm0, $0xb8;
	[tilespmem:$0x19800] =	vst v63  }
0x167: {  	s21 =	simm.s32 $0x7800  }
0x168: {  	[tilespmem:s21], [sflag:$0x1] =	stream.indirect_vreg.gather [hbm4b:s8+s3], $0x80, v3, vm0, $0xb8;
	[tilespmem:$0x19800] =	vst v63  }
0x169: {  	s21 =	simm.s32 $0x8000  }
0x16a: {  	[tilespmem:s21], [sflag:$0x1] =	stream.indirect_vreg.gather [hbm4b:s9+s3], $0x80, v3, vm0, $0xb8;
	[tilespmem:$0x19800] =	vst v63  }
0x16b: {  	s21 =	simm.s32 $0x8800  }
0x16c: {  	[tilespmem:s21], [sflag:$0x1] =	stream.indirect_vreg.gather [hbm4b:s10+s3], $0x80, v3, vm0, $0xb8;
	[tilespmem:$0x19800] =	vst v63  }
0x16d: {  	s21 =	simm.s32 $0x9000  }
0x16e: {  	[tilespmem:s21], [sflag:$0x1] =	stream.indirect_vreg.gather [hbm4b:s11+s3], $0x80, v3, vm0, $0xb8;
	[tilespmem:$0x19800] =	vst v63  }
0x16f: {  	_ =	swait.ge [sflag:s15], $0x8000  }
0x170: {  	[sflag:s15] =	ssyncset.done $0x0  }
0x171: {  	s21 =	simm.s32 $0x9800;
	s18 =	rddreg [dreg:$0x9];
	[sflag:s15] =	ssyncadd.s32 $0xFFFF8000  }
0x172: {  	[hbm4b:s18+s3] =	stream.linear.scatter [tilespmem:s21], [sflag:$0x5], $0x8000, $0x38;
	[tilespmem:$0x19800] =	vst v63  }
0x173: {  	_ =	swait.ge [sflag:s16], $0x8000  }
0x174: {  	[sflag:s16] =	ssyncset.done $0x0  }
0x175: {  	[sflag:s16] =	ssyncadd.s32 $0xFFFF8000  }
0x176: {  	v3 =	vld [tilespmem:$0x1380];
	_ =	sdelay $0x4  }
0x177: {  	v55 =	vshll.u32 v3, $0x4  }
0x178: {  	v3 =	vand.u32 $0x7, v3;
	v4 =	vand.u32 $0xFFFFFF80, v55  }
0x179: {  	v3 =	vor.u32 v3, v4  }
0x17a: {  	v4 =	vperm.xlane v3, v0;
	_ =	sdelay $0x1  }
0x17b: {  	v4 =	vadd.s32 v1, v4;
	_ =	sdelay $0x4  }
0x17c: {  	[tilespmem:s21], [sflag:$0x2] =	stream.indirect_vreg.gather [hbm4b:s2+s3], $0x80, v4, vm0, $0xb8;
	[tilespmem:$0x19800] =	vst v63  }
0x17d: {  	_ = 	snop  }
0x17e: {  	[tilespmem:s13], [sflag:$0x2] =	stream.indirect_vreg.gather [hbm4b:s5+s3], $0x80, v4, vm0, $0xb8;
	[tilespmem:$0x19800] =	vst v63  }
0x17f: {  	s18 =	simm.s32 $0xA800  }
0x180: {  	[tilespmem:s18], [sflag:$0x2] =	stream.indirect_vreg.gather [hbm4b:s6+s3], $0x80, v4, vm0, $0xb8;
	[tilespmem:$0x19800] =	vst v63  }
0x181: {  	s21 =	simm.s32 $0xB000  }
0x182: {  	[tilespmem:s21], [sflag:$0x2] =	stream.indirect_vreg.gather [hbm4b:s7+s3], $0x80, v4, vm0, $0xb8;
	[tilespmem:$0x19800] =	vst v63  }
0x183: {  	s18 =	simm.s32 $0xB800  }
0x184: {  	[tilespmem:s18], [sflag:$0x2] =	stream.indirect_vreg.gather [hbm4b:s8+s3], $0x80, v4, vm0, $0xb8;
	[tilespmem:$0x19800] =	vst v63  }
0x185: {  	v3 =	vperm.xlane v3, v2;
	s21 =	simm.s32 $0xC000  }
0x186: {  	[tilespmem:s21], [sflag:$0x2] =	stream.indirect_vreg.gather [hbm4b:s9+s3], $0x80, v4, vm0, $0xb8;
	[tilespmem:$0x19800] =	vst v63  }
0x187: {  	v3 =	vadd.s32 v1, v3;
	s18 =	simm.s32 $0xC800  }
0x188: {  	[tilespmem:s18], [sflag:$0x2] =	stream.indirect_vreg.gather [hbm4b:s10+s3], $0x80, v4, vm0, $0xb8;
	[tilespmem:$0x19800] =	vst v63  }
0x189: {  	s21 =	simm.s32 $0xD000  }
0x18a: {  	[tilespmem:s21], [sflag:$0x2] =	stream.indirect_vreg.gather [hbm4b:s11+s3], $0x80, v4, vm0, $0xb8;
	[tilespmem:$0x19800] =	vst v63  }
0x18b: {  	s18 =	simm.s32 $0xD800  }
0x18c: {  	[tilespmem:s18], [sflag:$0x2] =	stream.indirect_vreg.gather [hbm4b:s2+s3], $0x80, v3, vm0, $0xb8;
	[tilespmem:$0x19800] =	vst v63  }
0x18d: {  	s21 =	simm.s32 $0xE000  }
0x18e: {  	[tilespmem:s21], [sflag:$0x2] =	stream.indirect_vreg.gather [hbm4b:s5+s3], $0x80, v3, vm0, $0xb8;
	[tilespmem:$0x19800] =	vst v63  }
0x18f: {  	s18 =	simm.s32 $0xE800  }
0x190: {  	[tilespmem:s18], [sflag:$0x2] =	stream.indirect_vreg.gather [hbm4b:s6+s3], $0x80, v3, vm0, $0xb8;
	[tilespmem:$0x19800] =	vst v63  }
0x191: {  	s21 =	simm.s32 $0xF000  }
0x192: {  	[tilespmem:s21], [sflag:$0x2] =	stream.indirect_vreg.gather [hbm4b:s7+s3], $0x80, v3, vm0, $0xb8;
	[tilespmem:$0x19800] =	vst v63  }
0x193: {  	s18 =	simm.s32 $0xF800  }
0x194: {  	[tilespmem:s18], [sflag:$0x2] =	stream.indirect_vreg.gather [hbm4b:s8+s3], $0x80, v3, vm0, $0xb8;
	[tilespmem:$0x19800] =	vst v63  }
0x195: {  	s21 =	simm.s32 $0x10000  }
0x196: {  	[tilespmem:s21], [sflag:$0x2] =	stream.indirect_vreg.gather [hbm4b:s9+s3], $0x80, v3, vm0, $0xb8;
	[tilespmem:$0x19800] =	vst v63  }
0x197: {  	s18 =	simm.s32 $0x10800  }
0x198: {  	[tilespmem:s18], [sflag:$0x2] =	stream.indirect_vreg.gather [hbm4b:s10+s3], $0x80, v3, vm0, $0xb8;
	[tilespmem:$0x19800] =	vst v63  }
0x199: {  	s21 =	simm.s32 $0x11000  }
0x19a: {  	[tilespmem:s21], [sflag:$0x2] =	stream.indirect_vreg.gather [hbm4b:s11+s3], $0x80, v3, vm0, $0xb8;
	[tilespmem:$0x19800] =	vst v63  }
0x19b: {  	_ =	swait.ge [sflag:s17], $0x8000  }
0x19c: {  	[sflag:s17] =	ssyncset.done $0x0  }
0x19d: {  	s21 =	simm.s32 $0x11800;
	s13 =	rddreg [dreg:$0xa];
	[sflag:s17] =	ssyncadd.s32 $0xFFFF8000  }
0x19e: {  	[hbm4b:s13+s3] =	stream.linear.scatter [tilespmem:s21], [sflag:$0x6], $0x8000, $0x38;
	[tilespmem:$0x19800] =	vst v63  }
0x19f: {  	_ =	swait.ge [sflag:s1], $0x8000  }
0x1a0: {  	[sflag:s1] =	ssyncset.done $0x0  }
0x1a1: {  	[sflag:s1] =	ssyncadd.s32 $0xFFFF8000  }
0x1a2: {  	v3 =	vld [tilespmem:$0x1400];
	_ =	sdelay $0x4  }
0x1a3: {  	v56 =	vshll.u32 v3, $0x4  }
0x1a4: {  	v3 =	vand.u32 $0x7, v3;
	v4 =	vand.u32 $0xFFFFFF80, v56  }
0x1a5: {  	v3 =	vor.u32 v3, v4  }
0x1a6: {  	v4 =	vperm.xlane v3, v0;
	_ =	sdelay $0x1  }
0x1a7: {  	v4 =	vadd.s32 v1, v4;
	_ =	sdelay $0x4  }
0x1a8: {  	[tilespmem:s21], [sflag:$0x3] =	stream.indirect_vreg.gather [hbm4b:s2+s3], $0x80, v4, vm0, $0xb8;
	[tilespmem:$0x19800] =	vst v63  }
0x1a9: {  	_ = 	snop  }
0x1aa: {  	[tilespmem:s19], [sflag:$0x3] =	stream.indirect_vreg.gather [hbm4b:s5+s3], $0x80, v4, vm0, $0xb8;
	[tilespmem:$0x19800] =	vst v63  }
0x1ab: {  	_ = 	snop  }
0x1ac: {  	[tilespmem:s20], [sflag:$0x3] =	stream.indirect_vreg.gather [hbm4b:s6+s3], $0x80, v4, vm0, $0xb8;
	[tilespmem:$0x19800] =	vst v63  }
0x1ad: {  	s19 =	simm.s32 $0x13000  }
0x1ae: {  	[tilespmem:s19], [sflag:$0x3] =	stream.indirect_vreg.gather [hbm4b:s7+s3], $0x80, v4, vm0, $0xb8;
	[tilespmem:$0x19800] =	vst v63  }
0x1af: {  	_ = 	snop  }
0x1b0: {  	[tilespmem:s12], [sflag:$0x3] =	stream.indirect_vreg.gather [hbm4b:s8+s3], $0x80, v4, vm0, $0xb8;
	[tilespmem:$0x19800] =	vst v63  }
0x1b1: {  	v3 =	vperm.xlane v3, v2  }
0x1b2: {  	[tilespmem:s14], [sflag:$0x3] =	stream.indirect_vreg.gather [hbm4b:s9+s3], $0x80, v4, vm0, $0xb8;
	[tilespmem:$0x19800] =	vst v63  }
0x1b3: {  	v3 =	vadd.s32 v1, v3;
	s20 =	simm.s32 $0x14800  }
0x1b4: {  	[tilespmem:s20], [sflag:$0x3] =	stream.indirect_vreg.gather [hbm4b:s10+s3], $0x80, v4, vm0, $0xb8;
	[tilespmem:$0x19800] =	vst v63  }
0x1b5: {  	_ = 	snop  }
0x1b6: {  	[tilespmem:s23], [sflag:$0x3] =	stream.indirect_vreg.gather [hbm4b:s11+s3], $0x80, v4, vm0, $0xb8;
	[tilespmem:$0x19800] =	vst v63  }
0x1b7: {  	_ = 	snop  }
0x1b8: {  	[tilespmem:s24], [sflag:$0x3] =	stream.indirect_vreg.gather [hbm4b:s2+s3], $0x80, v3, vm0, $0xb8;
	[tilespmem:$0x19800] =	vst v63  }
0x1b9: {  	_ = 	snop  }
0x1ba: {  	[tilespmem:s25], [sflag:$0x3] =	stream.indirect_vreg.gather [hbm4b:s5+s3], $0x80, v3, vm0, $0xb8;
	[tilespmem:$0x19800] =	vst v63  }
0x1bb: {  	_ = 	snop  }
0x1bc: {  	[tilespmem:s26], [sflag:$0x3] =	stream.indirect_vreg.gather [hbm4b:s6+s3], $0x80, v3, vm0, $0xb8;
	[tilespmem:$0x19800] =	vst v63  }
0x1bd: {  	_ = 	snop  }
0x1be: {  	[tilespmem:s28], [sflag:$0x3] =	stream.indirect_vreg.gather [hbm4b:s7+s3], $0x80, v3, vm0, $0xb8;
	[tilespmem:$0x19800] =	vst v63  }
0x1bf: {  	_ = 	snop  }
0x1c0: {  	[tilespmem:s29], [sflag:$0x3] =	stream.indirect_vreg.gather [hbm4b:s8+s3], $0x80, v3, vm0, $0xb8;
	[tilespmem:$0x19800] =	vst v63  }
0x1c1: {  	_ = 	snop  }
0x1c2: {  	[tilespmem:s30], [sflag:$0x3] =	stream.indirect_vreg.gather [hbm4b:s9+s3], $0x80, v3, vm0, $0xb8;
	[tilespmem:$0x19800] =	vst v63  }
0x1c3: {  	_ = 	snop  }
0x1c4: {  	[tilespmem:s31], [sflag:$0x3] =	stream.indirect_vreg.gather [hbm4b:s10+s3], $0x80, v3, vm0, $0xb8;
	[tilespmem:$0x19800] =	vst v63  }
0x1c5: {  	s31 =	simm.s32 $0x19000  }
0x1c6: {  	[tilespmem:s31], [sflag:$0x3] =	stream.indirect_vreg.gather [hbm4b:s11+s3], $0x80, v3, vm0, $0xb8;
	[tilespmem:$0x19800] =	vst v63  }
0x1c7: {  	_ =	swait.ge [sflag:s22], $0x8000  }
0x1c8: {  	[sflag:s22] =	ssyncset.done $0x0  }
0x1c9: {  	s20 =	simm.s32 $0x1800;
	s14 =	rddreg [dreg:$0xb];
	[sflag:s22] =	ssyncadd.s32 $0xFFFF8000  }
0x1ca: {  	[hbm4b:s14+s3] =	stream.linear.scatter [tilespmem:s20], [sflag:$0x4], $0x8000, $0x38;
	[tilespmem:$0x19800] =	vst v63  }
0x1cb: {  	_ =	swait.ge [sflag:s0], $0x8000  }
0x1cc: {  	[sflag:s0] =	ssyncset.done $0x0  }
0x1cd: {  	[sflag:s0] =	ssyncadd.s32 $0xFFFF8000  }
0x1ce: {  	v3 =	vld [tilespmem:$0x1480];
	_ =	sdelay $0x4  }
0x1cf: {  	v57 =	vshll.u32 v3, $0x4  }
0x1d0: {  	v3 =	vand.u32 $0x7, v3;
	v4 =	vand.u32 $0xFFFFFF80, v57  }
0x1d1: {  	v3 =	vor.u32 v3, v4  }
0x1d2: {  	v4 =	vperm.xlane v3, v0;
	_ =	sdelay $0x1  }
0x1d3: {  	v4 =	vadd.s32 v1, v4;
	_ =	sdelay $0x4  }
0x1d4: {  	[tilespmem:s20], [sflag:$0x1] =	stream.indirect_vreg.gather [hbm4b:s2+s3], $0x80, v4, vm0, $0xb8;
	[tilespmem:$0x19800] =	vst v63  }
0x1d5: {  	_ = 	snop  }
0x1d6: {  	[tilespmem:s4], [sflag:$0x1] =	stream.indirect_vreg.gather [hbm4b:s5+s3], $0x80, v4, vm0, $0xb8;
	[tilespmem:$0x19800] =	vst v63  }
0x1d7: {  	s24 =	simm.s32 $0x2800  }
0x1d8: {  	[tilespmem:s24], [sflag:$0x1] =	stream.indirect_vreg.gather [hbm4b:s6+s3], $0x80, v4, vm0, $0xb8;
	[tilespmem:$0x19800] =	vst v63  }
0x1d9: {  	s25 =	simm.s32 $0x3000  }
0x1da: {  	[tilespmem:s25], [sflag:$0x1] =	stream.indirect_vreg.gather [hbm4b:s7+s3], $0x80, v4, vm0, $0xb8;
	[tilespmem:$0x19800] =	vst v63  }
0x1db: {  	s26 =	simm.s32 $0x3800  }
0x1dc: {  	[tilespmem:s26], [sflag:$0x1] =	stream.indirect_vreg.gather [hbm4b:s8+s3], $0x80, v4, vm0, $0xb8;
	[tilespmem:$0x19800] =	vst v63  }
0x1dd: {  	s28 =	simm.s32 $0x4000;
	v3 =	vperm.xlane v3, v2  }
0x1de: {  	[tilespmem:s28], [sflag:$0x1] =	stream.indirect_vreg.gather [hbm4b:s9+s3], $0x80, v4, vm0, $0xb8;
	[tilespmem:$0x19800] =	vst v63  }
0x1df: {  	s29 =	simm.s32 $0x4800;
	v3 =	vadd.s32 v1, v3  }
0x1e0: {  	[tilespmem:s29], [sflag:$0x1] =	stream.indirect_vreg.gather [hbm4b:s10+s3], $0x80, v4, vm0, $0xb8;
	[tilespmem:$0x19800] =	vst v63  }
0x1e1: {  	s30 =	simm.s32 $0x5000  }
0x1e2: {  	[tilespmem:s30], [sflag:$0x1] =	stream.indirect_vreg.gather [hbm4b:s11+s3], $0x80, v4, vm0, $0xb8;
	[tilespmem:$0x19800] =	vst v63  }
0x1e3: {  	s31 =	simm.s32 $0x5800  }
0x1e4: {  	[tilespmem:s31], [sflag:$0x1] =	stream.indirect_vreg.gather [hbm4b:s2+s3], $0x80, v3, vm0, $0xb8;
	[tilespmem:$0x19800] =	vst v63  }
0x1e5: {  	s14 =	simm.s32 $0x6000  }
0x1e6: {  	[tilespmem:s14], [sflag:$0x1] =	stream.indirect_vreg.gather [hbm4b:s5+s3], $0x80, v3, vm0, $0xb8;
	[tilespmem:$0x19800] =	vst v63  }
0x1e7: {  	s18 =	simm.s32 $0x6800  }
0x1e8: {  	[tilespmem:s18], [sflag:$0x1] =	stream.indirect_vreg.gather [hbm4b:s6+s3], $0x80, v3, vm0, $0xb8;
	[tilespmem:$0x19800] =	vst v63  }
0x1e9: {  	s20 =	simm.s32 $0x7000  }
0x1ea: {  	[tilespmem:s20], [sflag:$0x1] =	stream.indirect_vreg.gather [hbm4b:s7+s3], $0x80, v3, vm0, $0xb8;
	[tilespmem:$0x19800] =	vst v63  }
0x1eb: {  	s24 =	simm.s32 $0x7800  }
0x1ec: {  	[tilespmem:s24], [sflag:$0x1] =	stream.indirect_vreg.gather [hbm4b:s8+s3], $0x80, v3, vm0, $0xb8;
	[tilespmem:$0x19800] =	vst v63  }
0x1ed: {  	s25 =	simm.s32 $0x8000  }
0x1ee: {  	[tilespmem:s25], [sflag:$0x1] =	stream.indirect_vreg.gather [hbm4b:s9+s3], $0x80, v3, vm0, $0xb8;
	[tilespmem:$0x19800] =	vst v63  }
0x1ef: {  	s26 =	simm.s32 $0x8800  }
0x1f0: {  	[tilespmem:s26], [sflag:$0x1] =	stream.indirect_vreg.gather [hbm4b:s10+s3], $0x80, v3, vm0, $0xb8;
	[tilespmem:$0x19800] =	vst v63  }
0x1f1: {  	s28 =	simm.s32 $0x9000  }
0x1f2: {  	[tilespmem:s28], [sflag:$0x1] =	stream.indirect_vreg.gather [hbm4b:s11+s3], $0x80, v3, vm0, $0xb8;
	[tilespmem:$0x19800] =	vst v63  }
0x1f3: {  	_ =	swait.ge [sflag:s15], $0x8000  }
0x1f4: {  	[sflag:s15] =	ssyncset.done $0x0  }
0x1f5: {  	s30 =	simm.s32 $0x9800;
	s29 =	rddreg [dreg:$0xc];
	[sflag:s15] =	ssyncadd.s32 $0xFFFF8000  }
0x1f6: {  	[hbm4b:s29+s3] =	stream.linear.scatter [tilespmem:s30], [sflag:$0x5], $0x8000, $0x38;
	[tilespmem:$0x19800] =	vst v63  }
0x1f7: {  	_ =	swait.ge [sflag:s16], $0x8000  }
0x1f8: {  	[sflag:s16] =	ssyncset.done $0x0  }
0x1f9: {  	[sflag:s16] =	ssyncadd.s32 $0xFFFF8000  }
0x1fa: {  	v3 =	vld [tilespmem:$0x1500];
	_ =	sdelay $0x4  }
0x1fb: {  	v58 =	vshll.u32 v3, $0x4  }
0x1fc: {  	v3 =	vand.u32 $0x7, v3;
	v4 =	vand.u32 $0xFFFFFF80, v58  }
0x1fd: {  	v3 =	vor.u32 v3, v4  }
0x1fe: {  	v4 =	vperm.xlane v3, v0;
	_ =	sdelay $0x1  }
0x1ff: {  	v4 =	vadd.s32 v1, v4;
	_ =	sdelay $0x4  }
0x200: {  	[tilespmem:s30], [sflag:$0x2] =	stream.indirect_vreg.gather [hbm4b:s2+s3], $0x80, v4, vm0, $0xb8;
	[tilespmem:$0x19800] =	vst v63  }
0x201: {  	s31 =	simm.s32 $0xA000  }
0x202: {  	[tilespmem:s31], [sflag:$0x2] =	stream.indirect_vreg.gather [hbm4b:s5+s3], $0x80, v4, vm0, $0xb8;
	[tilespmem:$0x19800] =	vst v63  }
0x203: {  	s18 =	simm.s32 $0xA800  }
0x204: {  	[tilespmem:s18], [sflag:$0x2] =	stream.indirect_vreg.gather [hbm4b:s6+s3], $0x80, v4, vm0, $0xb8;
	[tilespmem:$0x19800] =	vst v63  }
0x205: {  	s20 =	simm.s32 $0xB000  }
0x206: {  	[tilespmem:s20], [sflag:$0x2] =	stream.indirect_vreg.gather [hbm4b:s7+s3], $0x80, v4, vm0, $0xb8;
	[tilespmem:$0x19800] =	vst v63  }
0x207: {  	s24 =	simm.s32 $0xB800  }
0x208: {  	[tilespmem:s24], [sflag:$0x2] =	stream.indirect_vreg.gather [hbm4b:s8+s3], $0x80, v4, vm0, $0xb8;
	[tilespmem:$0x19800] =	vst v63  }
0x209: {  	s25 =	simm.s32 $0xC000;
	v3 =	vperm.xlane v3, v2  }
0x20a: {  	[tilespmem:s25], [sflag:$0x2] =	stream.indirect_vreg.gather [hbm4b:s9+s3], $0x80, v4, vm0, $0xb8;
	[tilespmem:$0x19800] =	vst v63  }
0x20b: {  	s26 =	simm.s32 $0xC800;
	v3 =	vadd.s32 v1, v3  }
0x20c: {  	[tilespmem:s26], [sflag:$0x2] =	stream.indirect_vreg.gather [hbm4b:s10+s3], $0x80, v4, vm0, $0xb8;
	[tilespmem:$0x19800] =	vst v63  }
0x20d: {  	s28 =	simm.s32 $0xD000  }
0x20e: {  	[tilespmem:s28], [sflag:$0x2] =	stream.indirect_vreg.gather [hbm4b:s11+s3], $0x80, v4, vm0, $0xb8;
	[tilespmem:$0x19800] =	vst v63  }
0x20f: {  	s29 =	simm.s32 $0xD800  }
0x210: {  	[tilespmem:s29], [sflag:$0x2] =	stream.indirect_vreg.gather [hbm4b:s2+s3], $0x80, v3, vm0, $0xb8;
	[tilespmem:$0x19800] =	vst v63  }
0x211: {  	s30 =	simm.s32 $0xE000  }
0x212: {  	[tilespmem:s30], [sflag:$0x2] =	stream.indirect_vreg.gather [hbm4b:s5+s3], $0x80, v3, vm0, $0xb8;
	[tilespmem:$0x19800] =	vst v63  }
0x213: {  	s31 =	simm.s32 $0xE800  }
0x214: {  	[tilespmem:s31], [sflag:$0x2] =	stream.indirect_vreg.gather [hbm4b:s6+s3], $0x80, v3, vm0, $0xb8;
	[tilespmem:$0x19800] =	vst v63  }
0x215: {  	s18 =	simm.s32 $0xF000  }
0x216: {  	[tilespmem:s18], [sflag:$0x2] =	stream.indirect_vreg.gather [hbm4b:s7+s3], $0x80, v3, vm0, $0xb8;
	[tilespmem:$0x19800] =	vst v63  }
0x217: {  	s20 =	simm.s32 $0xF800  }
0x218: {  	[tilespmem:s20], [sflag:$0x2] =	stream.indirect_vreg.gather [hbm4b:s8+s3], $0x80, v3, vm0, $0xb8;
	[tilespmem:$0x19800] =	vst v63  }
0x219: {  	s24 =	simm.s32 $0x10000  }
0x21a: {  	[tilespmem:s24], [sflag:$0x2] =	stream.indirect_vreg.gather [hbm4b:s9+s3], $0x80, v3, vm0, $0xb8;
	[tilespmem:$0x19800] =	vst v63  }
0x21b: {  	s25 =	simm.s32 $0x10800  }
0x21c: {  	[tilespmem:s25], [sflag:$0x2] =	stream.indirect_vreg.gather [hbm4b:s10+s3], $0x80, v3, vm0, $0xb8;
	[tilespmem:$0x19800] =	vst v63  }
0x21d: {  	s26 =	simm.s32 $0x11000  }
0x21e: {  	[tilespmem:s26], [sflag:$0x2] =	stream.indirect_vreg.gather [hbm4b:s11+s3], $0x80, v3, vm0, $0xb8;
	[tilespmem:$0x19800] =	vst v63  }
0x21f: {  	_ =	swait.ge [sflag:s17], $0x8000  }
0x220: {  	[sflag:s17] =	ssyncset.done $0x0  }
0x221: {  	s13 =	simm.s32 $0x11800;
	s28 =	rddreg [dreg:$0xd];
	[sflag:s17] =	ssyncadd.s32 $0xFFFF8000  }
0x222: {  	[hbm4b:s28+s3] =	stream.linear.scatter [tilespmem:s13], [sflag:$0x6], $0x8000, $0x38;
	[tilespmem:$0x19800] =	vst v63  }
0x223: {  	_ =	swait.ge [sflag:s1], $0x8000  }
0x224: {  	[sflag:s1] =	ssyncset.done $0x0  }
0x225: {  	[sflag:s1] =	ssyncadd.s32 $0xFFFF8000  }
0x226: {  	v3 =	vld [tilespmem:$0x1580];
	_ =	sdelay $0x4  }
0x227: {  	v59 =	vshll.u32 v3, $0x4  }
0x228: {  	v3 =	vand.u32 $0x7, v3;
	v4 =	vand.u32 $0xFFFFFF80, v59  }
0x229: {  	v3 =	vor.u32 v3, v4  }
0x22a: {  	v4 =	vperm.xlane v3, v0;
	_ =	sdelay $0x1  }
0x22b: {  	v4 =	vadd.s32 v1, v4;
	_ =	sdelay $0x4  }
0x22c: {  	[tilespmem:s13], [sflag:$0x3] =	stream.indirect_vreg.gather [hbm4b:s2+s3], $0x80, v4, vm0, $0xb8;
	[tilespmem:$0x19800] =	vst v63  }
0x22d: {  	s21 =	simm.s32 $0x12000  }
0x22e: {  	[tilespmem:s21], [sflag:$0x3] =	stream.indirect_vreg.gather [hbm4b:s5+s3], $0x80, v4, vm0, $0xb8;
	[tilespmem:$0x19800] =	vst v63  }
0x22f: {  	s29 =	simm.s32 $0x12800  }
0x230: {  	[tilespmem:s29], [sflag:$0x3] =	stream.indirect_vreg.gather [hbm4b:s6+s3], $0x80, v4, vm0, $0xb8;
	[tilespmem:$0x19800] =	vst v63  }
0x231: {  	s19 =	simm.s32 $0x13000  }
0x232: {  	[tilespmem:s19], [sflag:$0x3] =	stream.indirect_vreg.gather [hbm4b:s7+s3], $0x80, v4, vm0, $0xb8;
	[tilespmem:$0x19800] =	vst v63  }
0x233: {  	s30 =	simm.s32 $0x13800  }
0x234: {  	[tilespmem:s30], [sflag:$0x3] =	stream.indirect_vreg.gather [hbm4b:s8+s3], $0x80, v4, vm0, $0xb8;
	[tilespmem:$0x19800] =	vst v63  }
0x235: {  	s31 =	simm.s32 $0x14000;
	v3 =	vperm.xlane v3, v2  }
0x236: {  	[tilespmem:s31], [sflag:$0x3] =	stream.indirect_vreg.gather [hbm4b:s9+s3], $0x80, v4, vm0, $0xb8;
	[tilespmem:$0x19800] =	vst v63  }
0x237: {  	v3 =	vadd.s32 v1, v3;
	s19 =	simm.s32 $0x14800  }
0x238: {  	[tilespmem:s19], [sflag:$0x3] =	stream.indirect_vreg.gather [hbm4b:s10+s3], $0x80, v4, vm0, $0xb8;
	[tilespmem:$0x19800] =	vst v63  }
0x239: {  	s24 =	simm.s32 $0x15000  }
0x23a: {  	[tilespmem:s24], [sflag:$0x3] =	stream.indirect_vreg.gather [hbm4b:s11+s3], $0x80, v4, vm0, $0xb8;
	[tilespmem:$0x19800] =	vst v63  }
0x23b: {  	s25 =	simm.s32 $0x15800  }
0x23c: {  	[tilespmem:s25], [sflag:$0x3] =	stream.indirect_vreg.gather [hbm4b:s2+s3], $0x80, v3, vm0, $0xb8;
	[tilespmem:$0x19800] =	vst v63  }
0x23d: {  	s26 =	simm.s32 $0x16000  }
0x23e: {  	[tilespmem:s26], [sflag:$0x3] =	stream.indirect_vreg.gather [hbm4b:s5+s3], $0x80, v3, vm0, $0xb8;
	[tilespmem:$0x19800] =	vst v63  }
0x23f: {  	s28 =	simm.s32 $0x16800  }
0x240: {  	[tilespmem:s28], [sflag:$0x3] =	stream.indirect_vreg.gather [hbm4b:s6+s3], $0x80, v3, vm0, $0xb8;
	[tilespmem:$0x19800] =	vst v63  }
0x241: {  	s29 =	simm.s32 $0x17000  }
0x242: {  	[tilespmem:s29], [sflag:$0x3] =	stream.indirect_vreg.gather [hbm4b:s7+s3], $0x80, v3, vm0, $0xb8;
	[tilespmem:$0x19800] =	vst v63  }
0x243: {  	s30 =	simm.s32 $0x17800  }
0x244: {  	[tilespmem:s30], [sflag:$0x3] =	stream.indirect_vreg.gather [hbm4b:s8+s3], $0x80, v3, vm0, $0xb8;
	[tilespmem:$0x19800] =	vst v63  }
0x245: {  	s31 =	simm.s32 $0x18000  }
0x246: {  	[tilespmem:s31], [sflag:$0x3] =	stream.indirect_vreg.gather [hbm4b:s9+s3], $0x80, v3, vm0, $0xb8;
	[tilespmem:$0x19800] =	vst v63  }
0x247: {  	s23 =	simm.s32 $0x18800  }
0x248: {  	[tilespmem:s23], [sflag:$0x3] =	stream.indirect_vreg.gather [hbm4b:s10+s3], $0x80, v3, vm0, $0xb8;
	[tilespmem:$0x19800] =	vst v63  }
0x249: {  	s18 =	simm.s32 $0x19000  }
0x24a: {  	[tilespmem:s18], [sflag:$0x3] =	stream.indirect_vreg.gather [hbm4b:s11+s3], $0x80, v3, vm0, $0xb8;
	[tilespmem:$0x19800] =	vst v63  }
0x24b: {  	_ =	swait.ge [sflag:s22], $0x8000  }
0x24c: {  	[sflag:s22] =	ssyncset.done $0x0  }
0x24d: {  	s12 =	simm.s32 $0x1800;
	s18 =	rddreg [dreg:$0xe];
	[sflag:s22] =	ssyncadd.s32 $0xFFFF8000  }
0x24e: {  	[hbm4b:s18+s3] =	stream.linear.scatter [tilespmem:s12], [sflag:$0x4], $0x8000, $0x38;
	[tilespmem:$0x19800] =	vst v63  }
0x24f: {  	_ =	swait.ge [sflag:s0], $0x8000  }
0x250: {  	[sflag:s0] =	ssyncset.done $0x0  }
0x251: {  	[sflag:s0] =	ssyncadd.s32 $0xFFFF8000  }
0x252: {  	v3 =	vld [tilespmem:$0x1600];
	_ =	sdelay $0x4  }
0x253: {  	v60 =	vshll.u32 v3, $0x4  }
0x254: {  	v3 =	vand.u32 $0x7, v3;
	v4 =	vand.u32 $0xFFFFFF80, v60  }
0x255: {  	v3 =	vor.u32 v3, v4  }
0x256: {  	v4 =	vperm.xlane v3, v0;
	_ =	sdelay $0x1  }
0x257: {  	v4 =	vadd.s32 v1, v4;
	_ =	sdelay $0x4  }
0x258: {  	[tilespmem:s12], [sflag:$0x1] =	stream.indirect_vreg.gather [hbm4b:s2+s3], $0x80, v4, vm0, $0xb8;
	[tilespmem:$0x19800] =	vst v63  }
0x259: {  	s18 =	simm.s32 $0x2000  }
0x25a: {  	[tilespmem:s18], [sflag:$0x1] =	stream.indirect_vreg.gather [hbm4b:s5+s3], $0x80, v4, vm0, $0xb8;
	[tilespmem:$0x19800] =	vst v63  }
0x25b: {  	s18 =	simm.s32 $0x2800  }
0x25c: {  	[tilespmem:s18], [sflag:$0x1] =	stream.indirect_vreg.gather [hbm4b:s6+s3], $0x80, v4, vm0, $0xb8;
	[tilespmem:$0x19800] =	vst v63  }
0x25d: {  	s18 =	simm.s32 $0x3000  }
0x25e: {  	[tilespmem:s18], [sflag:$0x1] =	stream.indirect_vreg.gather [hbm4b:s7+s3], $0x80, v4, vm0, $0xb8;
	[tilespmem:$0x19800] =	vst v63  }
0x25f: {  	s18 =	simm.s32 $0x3800  }
0x260: {  	[tilespmem:s18], [sflag:$0x1] =	stream.indirect_vreg.gather [hbm4b:s8+s3], $0x80, v4, vm0, $0xb8;
	[tilespmem:$0x19800] =	vst v63  }
0x261: {  	v3 =	vperm.xlane v3, v2;
	s18 =	simm.s32 $0x4000  }
0x262: {  	[tilespmem:s18], [sflag:$0x1] =	stream.indirect_vreg.gather [hbm4b:s9+s3], $0x80, v4, vm0, $0xb8;
	[tilespmem:$0x19800] =	vst v63  }
0x263: {  	v3 =	vadd.s32 v1, v3;
	s18 =	simm.s32 $0x4800  }
0x264: {  	[tilespmem:s18], [sflag:$0x1] =	stream.indirect_vreg.gather [hbm4b:s10+s3], $0x80, v4, vm0, $0xb8;
	[tilespmem:$0x19800] =	vst v63  }
0x265: {  	s18 =	simm.s32 $0x5000  }
0x266: {  	[tilespmem:s18], [sflag:$0x1] =	stream.indirect_vreg.gather [hbm4b:s11+s3], $0x80, v4, vm0, $0xb8;
	[tilespmem:$0x19800] =	vst v63  }
0x267: {  	s18 =	simm.s32 $0x5800  }
0x268: {  	[tilespmem:s18], [sflag:$0x1] =	stream.indirect_vreg.gather [hbm4b:s2+s3], $0x80, v3, vm0, $0xb8;
	[tilespmem:$0x19800] =	vst v63  }
0x269: {  	s18 =	simm.s32 $0x6000  }
0x26a: {  	[tilespmem:s18], [sflag:$0x1] =	stream.indirect_vreg.gather [hbm4b:s5+s3], $0x80, v3, vm0, $0xb8;
	[tilespmem:$0x19800] =	vst v63  }
0x26b: {  	s18 =	simm.s32 $0x6800  }
0x26c: {  	[tilespmem:s18], [sflag:$0x1] =	stream.indirect_vreg.gather [hbm4b:s6+s3], $0x80, v3, vm0, $0xb8;
	[tilespmem:$0x19800] =	vst v63  }
0x26d: {  	s18 =	simm.s32 $0x7000  }
0x26e: {  	[tilespmem:s18], [sflag:$0x1] =	stream.indirect_vreg.gather [hbm4b:s7+s3], $0x80, v3, vm0, $0xb8;
	[tilespmem:$0x19800] =	vst v63  }
0x26f: {  	s18 =	simm.s32 $0x7800  }
0x270: {  	[tilespmem:s18], [sflag:$0x1] =	stream.indirect_vreg.gather [hbm4b:s8+s3], $0x80, v3, vm0, $0xb8;
	[tilespmem:$0x19800] =	vst v63  }
0x271: {  	s18 =	simm.s32 $0x8000  }
0x272: {  	[tilespmem:s18], [sflag:$0x1] =	stream.indirect_vreg.gather [hbm4b:s9+s3], $0x80, v3, vm0, $0xb8;
	[tilespmem:$0x19800] =	vst v63  }
0x273: {  	s18 =	simm.s32 $0x8800  }
0x274: {  	[tilespmem:s18], [sflag:$0x1] =	stream.indirect_vreg.gather [hbm4b:s10+s3], $0x80, v3, vm0, $0xb8;
	[tilespmem:$0x19800] =	vst v63  }
0x275: {  	s18 =	simm.s32 $0x9000  }
0x276: {  	[tilespmem:s18], [sflag:$0x1] =	stream.indirect_vreg.gather [hbm4b:s11+s3], $0x80, v3, vm0, $0xb8;
	[tilespmem:$0x19800] =	vst v63  }
0x277: {  	_ =	swait.ge [sflag:s15], $0x8000  }
0x278: {  	[sflag:s15] =	ssyncset.done $0x0  }
0x279: {  	s4 =	simm.s32 $0x9800;
	s18 =	rddreg [dreg:$0xf];
	[sflag:s15] =	ssyncadd.s32 $0xFFFF8000  }
0x27a: {  	[hbm4b:s18+s3] =	stream.linear.scatter [tilespmem:s4], [sflag:$0x5], $0x8000, $0x38;
	[tilespmem:$0x19800] =	vst v63  }
0x27b: {  	_ =	swait.ge [sflag:s16], $0x8000  }
0x27c: {  	[sflag:s16] =	ssyncset.done $0x0  }
0x27d: {  	[sflag:s16] =	ssyncadd.s32 $0xFFFF8000  }
0x27e: {  	v3 =	vld [tilespmem:$0x1680];
	_ =	sdelay $0x4  }
0x27f: {  	v61 =	vshll.u32 v3, $0x4  }
0x280: {  	v3 =	vand.u32 $0x7, v3;
	v4 =	vand.u32 $0xFFFFFF80, v61  }
0x281: {  	v3 =	vor.u32 v3, v4  }
0x282: {  	v4 =	vperm.xlane v3, v0;
	_ =	sdelay $0x1  }
0x283: {  	v4 =	vadd.s32 v1, v4;
	_ =	sdelay $0x4  }
0x284: {  	[tilespmem:s4], [sflag:$0x2] =	stream.indirect_vreg.gather [hbm4b:s2+s3], $0x80, v4, vm0, $0xb8;
	[tilespmem:$0x19800] =	vst v63  }
0x285: {  	s18 =	simm.s32 $0xA000  }
0x286: {  	[tilespmem:s18], [sflag:$0x2] =	stream.indirect_vreg.gather [hbm4b:s5+s3], $0x80, v4, vm0, $0xb8;
	[tilespmem:$0x19800] =	vst v63  }
0x287: {  	s18 =	simm.s32 $0xA800  }
0x288: {  	[tilespmem:s18], [sflag:$0x2] =	stream.indirect_vreg.gather [hbm4b:s6+s3], $0x80, v4, vm0, $0xb8;
	[tilespmem:$0x19800] =	vst v63  }
0x289: {  	s18 =	simm.s32 $0xB000  }
0x28a: {  	[tilespmem:s18], [sflag:$0x2] =	stream.indirect_vreg.gather [hbm4b:s7+s3], $0x80, v4, vm0, $0xb8;
	[tilespmem:$0x19800] =	vst v63  }
0x28b: {  	s18 =	simm.s32 $0xB800  }
0x28c: {  	[tilespmem:s18], [sflag:$0x2] =	stream.indirect_vreg.gather [hbm4b:s8+s3], $0x80, v4, vm0, $0xb8;
	[tilespmem:$0x19800] =	vst v63  }
0x28d: {  	v3 =	vperm.xlane v3, v2;
	s18 =	simm.s32 $0xC000  }
0x28e: {  	[tilespmem:s18], [sflag:$0x2] =	stream.indirect_vreg.gather [hbm4b:s9+s3], $0x80, v4, vm0, $0xb8;
	[tilespmem:$0x19800] =	vst v63  }
0x28f: {  	v3 =	vadd.s32 v1, v3;
	s18 =	simm.s32 $0xC800  }
0x290: {  	[tilespmem:s18], [sflag:$0x2] =	stream.indirect_vreg.gather [hbm4b:s10+s3], $0x80, v4, vm0, $0xb8;
	[tilespmem:$0x19800] =	vst v63  }
0x291: {  	s18 =	simm.s32 $0xD000  }
0x292: {  	[tilespmem:s18], [sflag:$0x2] =	stream.indirect_vreg.gather [hbm4b:s11+s3], $0x80, v4, vm0, $0xb8;
	[tilespmem:$0x19800] =	vst v63  }
0x293: {  	s18 =	simm.s32 $0xD800  }
0x294: {  	[tilespmem:s18], [sflag:$0x2] =	stream.indirect_vreg.gather [hbm4b:s2+s3], $0x80, v3, vm0, $0xb8;
	[tilespmem:$0x19800] =	vst v63  }
0x295: {  	s18 =	simm.s32 $0xE000  }
0x296: {  	[tilespmem:s18], [sflag:$0x2] =	stream.indirect_vreg.gather [hbm4b:s5+s3], $0x80, v3, vm0, $0xb8;
	[tilespmem:$0x19800] =	vst v63  }
0x297: {  	s18 =	simm.s32 $0xE800  }
0x298: {  	[tilespmem:s18], [sflag:$0x2] =	stream.indirect_vreg.gather [hbm4b:s6+s3], $0x80, v3, vm0, $0xb8;
	[tilespmem:$0x19800] =	vst v63  }
0x299: {  	s18 =	simm.s32 $0xF000  }
0x29a: {  	[tilespmem:s18], [sflag:$0x2] =	stream.indirect_vreg.gather [hbm4b:s7+s3], $0x80, v3, vm0, $0xb8;
	[tilespmem:$0x19800] =	vst v63  }
0x29b: {  	s18 =	simm.s32 $0xF800  }
0x29c: {  	[tilespmem:s18], [sflag:$0x2] =	stream.indirect_vreg.gather [hbm4b:s8+s3], $0x80, v3, vm0, $0xb8;
	[tilespmem:$0x19800] =	vst v63  }
0x29d: {  	s18 =	simm.s32 $0x10000  }
0x29e: {  	[tilespmem:s18], [sflag:$0x2] =	stream.indirect_vreg.gather [hbm4b:s9+s3], $0x80, v3, vm0, $0xb8;
	[tilespmem:$0x19800] =	vst v63  }
0x29f: {  	s18 =	simm.s32 $0x10800  }
0x2a0: {  	[tilespmem:s18], [sflag:$0x2] =	stream.indirect_vreg.gather [hbm4b:s10+s3], $0x80, v3, vm0, $0xb8;
	[tilespmem:$0x19800] =	vst v63  }
0x2a1: {  	s18 =	simm.s32 $0x11000  }
0x2a2: {  	[tilespmem:s18], [sflag:$0x2] =	stream.indirect_vreg.gather [hbm4b:s11+s3], $0x80, v3, vm0, $0xb8;
	[tilespmem:$0x19800] =	vst v63  }
0x2a3: {  	_ =	swait.ge [sflag:s17], $0x8000  }
0x2a4: {  	[sflag:s17] =	ssyncset.done $0x0  }
0x2a5: {  	s18 =	rddreg [dreg:$0x10];
	[sflag:s17] =	ssyncadd.s32 $0xFFFF8000  }
0x2a6: {  	[hbm4b:s18+s3] =	stream.linear.scatter [tilespmem:s13], [sflag:$0x6], $0x8000, $0x38;
	[tilespmem:$0x19800] =	vst v63  }
0x2a7: {  	_ =	swait.ge [sflag:s1], $0x8000  }
0x2a8: {  	[sflag:s1] =	ssyncset.done $0x0  }
0x2a9: {  	[sflag:s1] =	ssyncadd.s32 $0xFFFF8000  }
0x2aa: {  	v3 =	vld [tilespmem:$0x1700];
	_ =	sdelay $0x4  }
0x2ab: {  	v62 =	vshll.u32 v3, $0x4  }
0x2ac: {  	v3 =	vand.u32 $0x7, v3;
	v4 =	vand.u32 $0xFFFFFF80, v62  }
0x2ad: {  	v3 =	vor.u32 v3, v4  }
0x2ae: {  	v4 =	vperm.xlane v3, v0;
	_ =	sdelay $0x1  }
0x2af: {  	v4 =	vadd.s32 v1, v4;
	_ =	sdelay $0x4  }
0x2b0: {  	[tilespmem:s13], [sflag:$0x3] =	stream.indirect_vreg.gather [hbm4b:s2+s3], $0x80, v4, vm0, $0xb8;
	[tilespmem:$0x19800] =	vst v63  }
0x2b1: {  	s20 =	simm.s32 $0x12000  }
0x2b2: {  	[tilespmem:s20], [sflag:$0x3] =	stream.indirect_vreg.gather [hbm4b:s5+s3], $0x80, v4, vm0, $0xb8;
	[tilespmem:$0x19800] =	vst v63  }
0x2b3: {  	s21 =	simm.s32 $0x12800  }
0x2b4: {  	[tilespmem:s21], [sflag:$0x3] =	stream.indirect_vreg.gather [hbm4b:s6+s3], $0x80, v4, vm0, $0xb8;
	[tilespmem:$0x19800] =	vst v63  }
0x2b5: {  	s14 =	simm.s32 $0x13000  }
0x2b6: {  	[tilespmem:s14], [sflag:$0x3] =	stream.indirect_vreg.gather [hbm4b:s7+s3], $0x80, v4, vm0, $0xb8;
	[tilespmem:$0x19800] =	vst v63  }
0x2b7: {  	s18 =	simm.s32 $0x13800  }
0x2b8: {  	[tilespmem:s18], [sflag:$0x3] =	stream.indirect_vreg.gather [hbm4b:s8+s3], $0x80, v4, vm0, $0xb8;
	[tilespmem:$0x19800] =	vst v63  }
0x2b9: {  	v3 =	vperm.xlane v3, v2;
	s20 =	simm.s32 $0x14000  }
0x2ba: {  	[tilespmem:s20], [sflag:$0x3] =	stream.indirect_vreg.gather [hbm4b:s9+s3], $0x80, v4, vm0, $0xb8;
	[tilespmem:$0x19800] =	vst v63  }
0x2bb: {  	s19 =	simm.s32 $0x14800;
	v3 =	vadd.s32 v1, v3  }
0x2bc: {  	[tilespmem:s19], [sflag:$0x3] =	stream.indirect_vreg.gather [hbm4b:s10+s3], $0x80, v4, vm0, $0xb8;
	[tilespmem:$0x19800] =	vst v63  }
0x2bd: {  	s24 =	simm.s32 $0x15000  }
0x2be: {  	[tilespmem:s24], [sflag:$0x3] =	stream.indirect_vreg.gather [hbm4b:s11+s3], $0x80, v4, vm0, $0xb8;
	[tilespmem:$0x19800] =	vst v63  }
0x2bf: {  	s25 =	simm.s32 $0x15800  }
0x2c0: {  	[tilespmem:s25], [sflag:$0x3] =	stream.indirect_vreg.gather [hbm4b:s2+s3], $0x80, v3, vm0, $0xb8;
	[tilespmem:$0x19800] =	vst v63  }
0x2c1: {  	s26 =	simm.s32 $0x16000  }
0x2c2: {  	[tilespmem:s26], [sflag:$0x3] =	stream.indirect_vreg.gather [hbm4b:s5+s3], $0x80, v3, vm0, $0xb8;
	[tilespmem:$0x19800] =	vst v63  }
0x2c3: {  	s28 =	simm.s32 $0x16800  }
0x2c4: {  	[tilespmem:s28], [sflag:$0x3] =	stream.indirect_vreg.gather [hbm4b:s6+s3], $0x80, v3, vm0, $0xb8;
	[tilespmem:$0x19800] =	vst v63  }
0x2c5: {  	s29 =	simm.s32 $0x17000  }
0x2c6: {  	[tilespmem:s29], [sflag:$0x3] =	stream.indirect_vreg.gather [hbm4b:s7+s3], $0x80, v3, vm0, $0xb8;
	[tilespmem:$0x19800] =	vst v63  }
0x2c7: {  	s30 =	simm.s32 $0x17800  }
0x2c8: {  	[tilespmem:s30], [sflag:$0x3] =	stream.indirect_vreg.gather [hbm4b:s8+s3], $0x80, v3, vm0, $0xb8;
	[tilespmem:$0x19800] =	vst v63  }
0x2c9: {  	s31 =	simm.s32 $0x18000  }
0x2ca: {  	[tilespmem:s31], [sflag:$0x3] =	stream.indirect_vreg.gather [hbm4b:s9+s3], $0x80, v3, vm0, $0xb8;
	[tilespmem:$0x19800] =	vst v63  }
0x2cb: {  	s23 =	simm.s32 $0x18800  }
0x2cc: {  	[tilespmem:s23], [sflag:$0x3] =	stream.indirect_vreg.gather [hbm4b:s10+s3], $0x80, v3, vm0, $0xb8;
	[tilespmem:$0x19800] =	vst v63  }
0x2cd: {  	s21 =	simm.s32 $0x19000  }
0x2ce: {  	[tilespmem:s21], [sflag:$0x3] =	stream.indirect_vreg.gather [hbm4b:s11+s3], $0x80, v3, vm0, $0xb8;
	[tilespmem:$0x19800] =	vst v63  }
0x2cf: {  	_ =	swait.ge [sflag:s22], $0x8000  }
0x2d0: {  	[sflag:s22] =	ssyncset.done $0x0  }
0x2d1: {  	s23 =	rddreg [dreg:$0x11];
	[sflag:s22] =	ssyncadd.s32 $0xFFFF8000  }
0x2d2: {  	[hbm4b:s23+s3] =	stream.linear.scatter [tilespmem:s12], [sflag:$0x4], $0x8000, $0x38;
	[tilespmem:$0x19800] =	vst v63  }
0x2d3: {  	_ =	swait.ge [sflag:s0], $0x8000  }
0x2d4: {  	[sflag:s0] =	ssyncset.done $0x0  }
0x2d5: {  	[sflag:s0] =	ssyncadd.s32 $0xFFFF8000  }
0x2d6: {  	v3 =	vld [tilespmem:$0x1780];
	_ =	sdelay $0x4  }
0x2d7: {  	v63 =	vshll.u32 v3, $0x4  }
0x2d8: {  	v3 =	vand.u32 $0x7, v3;
	v4 =	vand.u32 $0xFFFFFF80, v63  }
0x2d9: {  	v3 =	vor.u32 v3, v4  }
0x2da: {  	v4 =	vperm.xlane v3, v0;
	_ =	sdelay $0x1  }
0x2db: {  	v4 =	vadd.s32 v1, v4;
	_ =	sdelay $0x4  }
0x2dc: {  	[tilespmem:s12], [sflag:$0x1] =	stream.indirect_vreg.gather [hbm4b:s2+s3], $0x80, v4, vm0, $0xb8;
	[tilespmem:$0x19800] =	vst v63  }
0x2dd: {  	s24 =	simm.s32 $0x2000  }
0x2de: {  	[tilespmem:s24], [sflag:$0x1] =	stream.indirect_vreg.gather [hbm4b:s5+s3], $0x80, v4, vm0, $0xb8;
	[tilespmem:$0x19800] =	vst v63  }
0x2df: {  	s25 =	simm.s32 $0x2800  }
0x2e0: {  	[tilespmem:s25], [sflag:$0x1] =	stream.indirect_vreg.gather [hbm4b:s6+s3], $0x80, v4, vm0, $0xb8;
	[tilespmem:$0x19800] =	vst v63  }
0x2e1: {  	s26 =	simm.s32 $0x3000  }
0x2e2: {  	[tilespmem:s26], [sflag:$0x1] =	stream.indirect_vreg.gather [hbm4b:s7+s3], $0x80, v4, vm0, $0xb8;
	[tilespmem:$0x19800] =	vst v63  }
0x2e3: {  	s28 =	simm.s32 $0x3800  }
0x2e4: {  	[tilespmem:s28], [sflag:$0x1] =	stream.indirect_vreg.gather [hbm4b:s8+s3], $0x80, v4, vm0, $0xb8;
	[tilespmem:$0x19800] =	vst v63  }
0x2e5: {  	s29 =	simm.s32 $0x4000;
	v3 =	vperm.xlane v3, v2  }
0x2e6: {  	[tilespmem:s29], [sflag:$0x1] =	stream.indirect_vreg.gather [hbm4b:s9+s3], $0x80, v4, vm0, $0xb8;
	[tilespmem:$0x19800] =	vst v63  }
0x2e7: {  	s30 =	simm.s32 $0x4800;
	v3 =	vadd.s32 v1, v3  }
0x2e8: {  	[tilespmem:s30], [sflag:$0x1] =	stream.indirect_vreg.gather [hbm4b:s10+s3], $0x80, v4, vm0, $0xb8;
	[tilespmem:$0x19800] =	vst v63  }
0x2e9: {  	s31 =	simm.s32 $0x5000  }
0x2ea: {  	[tilespmem:s31], [sflag:$0x1] =	stream.indirect_vreg.gather [hbm4b:s11+s3], $0x80, v4, vm0, $0xb8;
	[tilespmem:$0x19800] =	vst v63  }
0x2eb: {  	s18 =	simm.s32 $0x5800  }
0x2ec: {  	[tilespmem:s18], [sflag:$0x1] =	stream.indirect_vreg.gather [hbm4b:s2+s3], $0x80, v3, vm0, $0xb8;
	[tilespmem:$0x19800] =	vst v63  }
0x2ed: {  	s19 =	simm.s32 $0x6000  }
0x2ee: {  	[tilespmem:s19], [sflag:$0x1] =	stream.indirect_vreg.gather [hbm4b:s5+s3], $0x80, v3, vm0, $0xb8;
	[tilespmem:$0x19800] =	vst v63  }
0x2ef: {  	s20 =	simm.s32 $0x6800  }
0x2f0: {  	[tilespmem:s20], [sflag:$0x1] =	stream.indirect_vreg.gather [hbm4b:s6+s3], $0x80, v3, vm0, $0xb8;
	[tilespmem:$0x19800] =	vst v63  }
0x2f1: {  	s21 =	simm.s32 $0x7000  }
0x2f2: {  	[tilespmem:s21], [sflag:$0x1] =	stream.indirect_vreg.gather [hbm4b:s7+s3], $0x80, v3, vm0, $0xb8;
	[tilespmem:$0x19800] =	vst v63  }
0x2f3: {  	s23 =	simm.s32 $0x7800  }
0x2f4: {  	[tilespmem:s23], [sflag:$0x1] =	stream.indirect_vreg.gather [hbm4b:s8+s3], $0x80, v3, vm0, $0xb8;
	[tilespmem:$0x19800] =	vst v63  }
0x2f5: {  	s24 =	simm.s32 $0x8000  }
0x2f6: {  	[tilespmem:s24], [sflag:$0x1] =	stream.indirect_vreg.gather [hbm4b:s9+s3], $0x80, v3, vm0, $0xb8;
	[tilespmem:$0x19800] =	vst v63  }
0x2f7: {  	s25 =	simm.s32 $0x8800  }
0x2f8: {  	[tilespmem:s25], [sflag:$0x1] =	stream.indirect_vreg.gather [hbm4b:s10+s3], $0x80, v3, vm0, $0xb8;
	[tilespmem:$0x19800] =	vst v63  }
0x2f9: {  	s26 =	simm.s32 $0x9000  }
0x2fa: {  	[tilespmem:s26], [sflag:$0x1] =	stream.indirect_vreg.gather [hbm4b:s11+s3], $0x80, v3, vm0, $0xb8;
	[tilespmem:$0x19800] =	vst v63  }
0x2fb: {  	_ =	swait.ge [sflag:s15], $0x8000  }
0x2fc: {  	[sflag:s15] =	ssyncset.done $0x0  }
0x2fd: {  	s28 =	rddreg [dreg:$0x12];
	[sflag:s15] =	ssyncadd.s32 $0xFFFF8000  }
0x2fe: {  	[hbm4b:s28+s3] =	stream.linear.scatter [tilespmem:s4], [sflag:$0x5], $0x8000, $0x38;
	[tilespmem:$0x19800] =	vst v63  }
0x2ff: {  	_ =	swait.ge [sflag:s17], $0x8000  }
0x300: {  	[sflag:s17] =	ssyncset.done $0x0  }
0x301: {  	s29 =	rddreg [dreg:$0x13];
	[sflag:s17] =	ssyncadd.s32 $0xFFFF8000  }
0x302: {  	[hbm4b:s29+s3] =	stream.linear.scatter [tilespmem:s13], [sflag:$0x6], $0x8000, $0x38;
	[tilespmem:$0x19800] =	vst v63  }
0x303: {  	_ =	swait.ge [sflag:s22], $0x8000  }
0x304: {  	[sflag:s22] =	ssyncset.done $0x0  }
0x305: {  	s30 =	rddreg [dreg:$0x14];
	[sflag:s22] =	ssyncadd.s32 $0xFFFF8000  }
0x306: {  	[hbm4b:s30+s3] =	stream.linear.scatter [tilespmem:s12], [sflag:$0x4], $0x8000, $0x38;
	[tilespmem:$0x19800] =	vst v63  }
0x307: {  	s31 =	rddreg [dreg:$0x17];
	_ =	swait.ge [sflag:s16], $0x8000  }
0x308: {  	[sflag:s16] =	ssyncset.done $0x0  }
0x309: {  	[sflag:s16] =	ssyncadd.s32 $0xFFFF8000  }
0x30a: {  	p0 =	sne.s32 s31, $0x1;
	_ =	swait.ge [sflag:s1], $0x8000  }
.Ltmp0:
0x30b: {  	[sflag:s1] =	ssyncset.done $0x0;
	(pc) =	sbr.rel @p0 .LBB2_1-.Ltmp0, $4  }
0x30c: {  	[sflag:s1] =	ssyncadd.s32 $0xFFFF8000  }
0x30d: {  	_ =	swait.ge [sflag:s0], $0x8000  }
0x30e: {  	[sflag:s0] =	ssyncset.done $0x0  }
0x30f: {  	s12 =	sadd.s32 $0xFFFFFFFF, s31;
	[sflag:s0] =	ssyncadd.s32 $0xFFFF8000  }
0x310: {  	_ =	sfence.sel $0x180000  }
0x311: {  	[bflag:$0x0] =	sbarrier.arrive $0xFFFF  }
0x312: {  	_ =	strace $0x90000047  }
0x313: {  	s0 =	stileid.u32;
	[bflag:$0x2] =	sbarrier.arrive $0xFFFF  }
0x314: {  	p0 =	sne.s32 s0, $0x0;
	s0 =	rddreg [dreg:$0x3]  }
0x315: {  	s0 =	sadd.s32 @!p0 $0x100000, s0  }
0x316: {  	[sflag:s0] =	ssyncadd.tile.s32 @!p0 $0x1;
	_ =	shalt  }
.Lfunc_end2:
_tile_overlayer_lowered:
.L_overlay_start_2:
0x317: {  	(tag) =	ssettag $0x2  }
0x318: {  	s0 =	rddreg [dreg:$0x0];
	s2 =	stileid.u32  }
0x319: {  	s1 =	rddreg [dreg:$0x1];
	p0 =	sne.s32 s2, $0x0  }
0x31a: {  	s3 =	rddreg [dreg:$0x2];
	[bflag:$0x3] =	sbarrier.arrive $0xFFFF;
	s2 =	simm.s32 @!p0 $0x1C09  }
0x31b: {  	[timem:s3], [sflag:s2] =	dma.local @!p0 [hbm:s0], s1  }
0x31c: {  	s0 =	simm.s32 @!p0 $0x9  }
0x31d: {  	_ =	swait.ge @!p0 [sflag:s0], s1  }
0x31e: {  	s1 =	ssub.s32 @!p0 $0x0, s1;
	[sflag:s0] =	ssyncset.done @!p0 $0x0  }
0x31f: {  	[sflag:s0] =	ssyncadd.s32 @!p0 s1  }
0x320: {  	[bflag:$0x3] =	sbarrier.arrive $0xFFFF  }
0x321: {  	_ =	shalt  }

</sc_bundles>
